<compile_context>
chip_gen: v7x
topology: tpu7x:2x2x1
jax: 0.10.2.dev20260603
libtpu: 0.0.44.dev20260713+nightly
codegen_flags: <defaults>
</compile_context>

<pallas_src>
import functools

import numpy as np

import jax
import jax.numpy as jnp
from jax import lax
from jax.experimental import pallas as pl
from jax.experimental.pallas import tpu as pltpu
from jax.experimental.pallas import tpu_sc as plsc

K = 20
OUT_CH = 64
B = 16
N = 2048
NEGBIG = -3.0e38


def _const16(vals, dtype=jnp.int32):
    return jnp.asarray(np.asarray(vals), dtype)


def _shuf(v, idx_arr):
    return lax.gather(
        v, idx_arr.reshape(16, 1),
        lax.GatherDimensionNumbers(offset_dims=(), collapsed_slice_dims=(0,),
                                   start_index_map=(0,)),
        slice_sizes=(1,), mode=lax.GatherScatterMode.PROMISE_IN_BOUNDS)


def _pc(mask):
    return plsc.all_reduce_population_count(mask)


def _sorta(v):
    return lax.sort(v)


def _rev(v):
    return lax.rev(v, (0,))


def _merge_split(a_sorted, b_sorted):
    rb = _rev(b_sorted)
    return jnp.maximum(a_sorted, rb), jnp.minimum(a_sorted, rb)


def _sc_body(x_hbm, wc_hbm, mm_hbm, stats_hbm,
             x0_v, x1_v, x2_v, y0_v, y1_v, y2_v, nxx_v, drow_v,
             candv_v, candi_v, selidx_v, outbuf_v, statsbuf_v, wc_v):
    wid = lax.axis_index("s") * 2 + lax.axis_index("c")
    b = wid // 2
    half = wid % 2
    base = half * 1024

    izero16 = jnp.full((16,), wid * 0)
    zero16 = izero16.astype(jnp.float32)
    lanes = plsc.cumsum(izero16 + 1) - 1
    lane_lt4 = lanes < 4
    negbig16 = zero16 + NEGBIG

    def bcast(v, j):
        return _shuf(v, izero16 + j)

    pltpu.sync_copy(x_hbm.at[pl.ds((b * 3 + 0) * N, N)], x0_v)
    pltpu.sync_copy(x_hbm.at[pl.ds((b * 3 + 1) * N, N)], x1_v)
    pltpu.sync_copy(x_hbm.at[pl.ds((b * 3 + 2) * N, N)], x2_v)
    pltpu.sync_copy(wc_hbm, wc_v)

    def prep(c, _):
        s = pl.ds(c * 16, 16)
        a0, a1, a2 = x0_v[s], x1_v[s], x2_v[s]
        def trunc_bf16(a):
            u = plsc.bitcast(a, jnp.uint32)
            u = u + jnp.uint32(0x7FFF) + ((u >> 16) & jnp.uint32(1))
            return plsc.bitcast(u & jnp.uint32(0xFFFF0000), jnp.float32)

        b0 = trunc_bf16(a0)
        b1 = trunc_bf16(a1)
        b2 = trunc_bf16(a2)
        y0_v[s] = b0 + b0
        y1_v[s] = b1 + b1
        y2_v[s] = b2 + b2
        sq = a0 * a0 + a1 * a1 + a2 * a2
        nxx_v[s] = -sq
        return 0

    lax.fori_loop(0, 128, prep, 0)

    def xstat(c, acc):
        s = pl.ds(base + c * 16, 16)
        a0, a1, a2 = x0_v[s], x1_v[s], x2_v[s]
        return (acc[0] + a0, acc[1] + a1, acc[2] + a2,
                acc[3] + a0 * a0, acc[4] + a1 * a1, acc[5] + a2 * a2,
                acc[6] + a0 * a1, acc[7] + a0 * a2, acc[8] + a1 * a2)

    xacc = lax.fori_loop(0, 64, xstat, (zero16,) * 9)

    wcg = [[wc_v[pl.ds(c * 64 + g * 16, 16)] for g in range(4)]
           for c in range(3)]

    def row_pipeline(n, carry):
        nsp = jnp.full((16,), n, jnp.int32)
        x0n = plsc.load_gather(x0_v, [nsp])
        x1n = plsc.load_gather(x1_v, [nsp])
        x2n = plsc.load_gather(x2_v, [nsp])
        nxxn = plsc.load_gather(nxx_v, [nsp])
        x0nb = plsc.load_gather(y0_v, [nsp]) * 0.5
        x1nb = plsc.load_gather(y1_v, [nsp]) * 0.5
        x2nb = plsc.load_gather(y2_v, [nsp]) * 0.5

        def bchunk(c4, car):
            m1, m2 = car
            for u in range(4):
                s = pl.ds(c4 * 64 + u * 16, 16)
                acc = y0_v[s] * x0nb
                acc = y1_v[s] * x1nb + acc
                acc = y2_v[s] * x2nb + acc
                d = (acc + nxx_v[s]) + nxxn
                drow_v[s] = d
                m2 = jnp.maximum(m2, jnp.minimum(m1, d))
                m1 = jnp.maximum(m1, d)
            return m1, m2

        m1, m2 = lax.fori_loop(0, 32, bchunk, (negbig16, negbig16))

        s1 = _sorta(m1)
        s2 = _sorta(m2)
        _, lo = _merge_split(s1, s2)
        thr = _sorta(lo)[12]

        candv_v[pl.ds(0, 16)] = negbig16
        candv_v[pl.ds(16, 16)] = negbig16
        candv_v[pl.ds(32, 16)] = negbig16
        candv_v[pl.ds(48, 16)] = negbig16

        def cchunk(c2, off):
            for u in range(2):
                c = c2 * 2 + u
                s = pl.ds(c * 16, 16)
                d = drow_v[s]
                msk = d >= thr
                plsc.store_compressed(candv_v.at[pl.ds(off, 16)], d, mask=msk)
                idxs = lanes + c * 16
                plsc.store_compressed(candi_v.at[pl.ds(off, 16)], idxs,
                                      mask=msk)
                off = jnp.minimum(off + _pc(msk)[0], 48)
            return off

        lax.fori_loop(0, 64, cchunk, 0)

        c0 = candv_v[pl.ds(0, 16)]
        c1 = candv_v[pl.ds(16, 16)]
        c2 = candv_v[pl.ds(32, 16)]
        c3 = candv_v[pl.ds(48, 16)]
        s0_, s1_, s2_, s3_ = _sorta(c0), _sorta(c1), _sorta(c2), _sorta(c3)
        hi1, lo1 = _merge_split(s0_, s1_)
        hi2, lo2 = _merge_split(s2_, s3_)
        h1s, h2s, l1s, l2s = _sorta(hi1), _sorta(hi2), _sorta(lo1), _sorta(lo2)
        _, alo = _merge_split(h1s, h2s)
        bhi, _ = _merge_split(l1s, l2s)
        chi, _ = _merge_split(_sorta(alo), _sorta(bhi))
        t20 = _sorta(chi)[12]

        gt = [c0 > t20, c1 > t20, c2 > t20, c3 > t20]
        eq = [c0 == t20, c1 == t20, c2 == t20, c3 == t20]
        cnt_gt = _pc(gt[0]) + _pc(gt[1]) + _pc(gt[2]) + _pc(gt[3])
        r = 20 - cnt_gt
        sel = []
        base_eq = izero16
        for i in range(4):
            cum = plsc.cumsum(eq[i].astype(jnp.int32)) + base_eq
            sel.append(gt[i] | (eq[i] & (cum <= r)))
            base_eq = base_eq + _pc(eq[i])

        selidx_v[pl.ds(16, 16)] = izero16
        off = 0
        for i in range(4):
            ci = candi_v[pl.ds(i * 16, 16)]
            plsc.store_compressed(selidx_v.at[pl.ds(off, 16)], ci, mask=sel[i])
            off = off + _pc(sel[i])[0]

        iv0 = selidx_v[pl.ds(0, 16)]
        iv1 = selidx_v[pl.ds(16, 16)]
        g0a = plsc.load_gather(x0_v, [iv0])
        g1a = plsc.load_gather(x1_v, [iv0])
        g2a = plsc.load_gather(x2_v, [iv0])
        g0b = plsc.load_gather(x0_v, [iv1])
        g1b = plsc.load_gather(x1_v, [iv1])
        g2b = plsc.load_gather(x2_v, [iv1])

        mx = [None] * 4
        mn = [None] * 4
        for j in range(20):
            if j < 16:
                xj0, xj1, xj2 = bcast(g0a, j), bcast(g1a, j), bcast(g2a, j)
            else:
                xj0, xj1, xj2 = (bcast(g0b, j - 16), bcast(g1b, j - 16),
                                 bcast(g2b, j - 16))
            for g in range(4):
                e = wcg[0][g] * xj0 + wcg[1][g] * xj1 + wcg[2][g] * xj2
                if j == 0:
                    mx[g] = e
                    mn[g] = e
                else:
                    mx[g] = jnp.maximum(mx[g], e)
                    mn[g] = jnp.minimum(mn[g], e)

        obase = ((n - base) % 256) * 128
        for g in range(4):
            outbuf_v[pl.ds(obase + g * 16, 16)] = mx[g]
            outbuf_v[pl.ds(obase + 64 + g * 16, 16)] = mn[g]

        m0a = jnp.where(lane_lt4, g0b, 0.0)
        m1a = jnp.where(lane_lt4, g1b, 0.0)
        m2a = jnp.where(lane_lt4, g2b, 0.0)
        t0 = g0a + m0a
        t1 = g1a + m1a
        t2 = g2a + m2a
        (sx0, sx1, sx2, q00, q11, q22, q01, q02, q12,
         p00, p01, p02, p10, p11, p12, p20, p21, p22) = carry
        sx0 = sx0 + t0
        sx1 = sx1 + t1
        sx2 = sx2 + t2
        q00 = q00 + g0a * g0a + m0a * m0a
        q11 = q11 + g1a * g1a + m1a * m1a
        q22 = q22 + g2a * g2a + m2a * m2a
        q01 = q01 + g0a * g1a + m0a * m1a
        q02 = q02 + g0a * g2a + m0a * m2a
        q12 = q12 + g1a * g2a + m1a * m2a
        p00 = p00 + x0n * t0
        p01 = p01 + x0n * t1
        p02 = p02 + x0n * t2
        p10 = p10 + x1n * t0
        p11 = p11 + x1n * t1
        p12 = p12 + x1n * t2
        p20 = p20 + x2n * t0
        p21 = p21 + x2n * t1
        p22 = p22 + x2n * t2
        return (sx0, sx1, sx2, q00, q11, q22, q01, q02, q12,
                p00, p01, p02, p10, p11, p12, p20, p21, p22)

    def seg_body(seg, carry):
        def row_body(r, car):
            return row_pipeline(base + seg * 256 + r, car)

        carry = lax.fori_loop(0, 256, row_body, carry)
        off = (b * N + base + seg * 256) * 128
        pltpu.sync_copy(outbuf_v, mm_hbm.at[pl.ds(off, 256 * 128)])
        return carry

    stats0 = (zero16,) * 18
    stats = lax.fori_loop(0, 4, seg_body, stats0)

    allstats = list(stats) + list(xacc)
    for i, vec in enumerate(allstats):
        statsbuf_v[pl.ds(i * 16, 16)] = vec
    for i in range(27, 32):
        statsbuf_v[pl.ds(i * 16, 16)] = zero16
    pltpu.sync_copy(statsbuf_v, stats_hbm.at[pl.ds(wid * 512, 512)])


def _sc_knn(xflat, wcflat):
    mesh = plsc.VectorSubcoreMesh(core_axis_name="c", subcore_axis_name="s")
    kern = functools.partial(
        pl.kernel,
        mesh=mesh,
        compiler_params=pltpu.CompilerParams(needs_layout_passes=False),
        out_type=[
            jax.ShapeDtypeStruct((B * N * 128,), jnp.float32),
            jax.ShapeDtypeStruct((32 * 512,), jnp.float32),
        ],
        scratch_types=[
            pltpu.VMEM((N,), jnp.float32),
            pltpu.VMEM((N,), jnp.float32),
            pltpu.VMEM((N,), jnp.float32),
            pltpu.VMEM((N,), jnp.float32),
            pltpu.VMEM((N,), jnp.float32),
            pltpu.VMEM((N,), jnp.float32),
            pltpu.VMEM((N,), jnp.float32),
            pltpu.VMEM((N,), jnp.float32),
            pltpu.VMEM((64,), jnp.float32),
            pltpu.VMEM((64,), jnp.int32),
            pltpu.VMEM((32,), jnp.int32),
            pltpu.VMEM((256 * 128,), jnp.float32),
            pltpu.VMEM((512,), jnp.float32),
            pltpu.VMEM((192,), jnp.float32),
        ],
    )(_sc_body)
    return kern(xflat, wcflat)


def _tc_stats_body(stats_ref, wp_ref, gamma_ref, beta_ref, out_ref):
    s = [jnp.sum(stats_ref[:, pl.ds(i * 16, 16)]) for i in range(27)]
    (sx0, sx1, sx2, q00, q11, q22, q01, q02, q12,
     p00, p01, p02, p10, p11, p12, p20, p21, p22,
     xs0, xs1, xs2, e00, e11, e22, e01, e02, e12) = s
    w1 = [wp_ref[pl.ds(c, 1), :] for c in range(3)]
    wd = [wp_ref[pl.ds(3 + c, 1), :] for c in range(3)]
    kf = jnp.float32(K)
    sum_h = (w1[0] * sx0 + w1[1] * sx1 + w1[2] * sx2
             + kf * (wd[0] * xs0 + wd[1] * xs1 + wd[2] * xs2))
    q_term = (w1[0] * w1[0] * q00 + w1[1] * w1[1] * q11 + w1[2] * w1[2] * q22
              + 2.0 * (w1[0] * w1[1] * q01 + w1[0] * w1[2] * q02
                       + w1[1] * w1[2] * q12))
    cross = (wd[0] * w1[0] * p00 + wd[0] * w1[1] * p01 + wd[0] * w1[2] * p02
             + wd[1] * w1[0] * p10 + wd[1] * w1[1] * p11 + wd[1] * w1[2] * p12
             + wd[2] * w1[0] * p20 + wd[2] * w1[1] * p21 + wd[2] * w1[2] * p22)
    v2 = (wd[0] * wd[0] * e00 + wd[1] * wd[1] * e11 + wd[2] * wd[2] * e22
          + 2.0 * (wd[0] * wd[1] * e01 + wd[0] * wd[2] * e02
                   + wd[1] * wd[2] * e12))
    sum_h2 = q_term + 2.0 * cross + kf * v2
    cnt = jnp.float32(B * N * K)
    mean = sum_h / cnt
    var = sum_h2 / cnt - mean * mean
    rstd = 1.0 / jnp.sqrt(var + 1e-5)
    scale = gamma_ref[...] * rstd
    shift = beta_ref[...] - mean * scale
    pad = jnp.zeros((6, 64), jnp.float32)
    out_ref[...] = jnp.concatenate([scale, shift, pad], axis=0)


def _tc_apply_body(mm_ref, xt_ref, wdp_ref, ss_ref, out_ref):
    xb = xt_ref[0]
    vt = jnp.dot(xb, wdp_ref[...], preferred_element_type=jnp.float32)
    mm = mm_ref[0]
    mx = lax.slice(mm, (0, 0), (512, 64))
    mn = lax.slice(mm, (0, 64), (512, 128))
    scale = ss_ref[pl.ds(0, 1), :]
    shift = ss_ref[pl.ds(1, 1), :]
    selv = jnp.where(scale >= 0.0, mx, mn)
    h = (selv + vt) * scale + shift
    out_ref[0] = jnp.where(h >= 0.0, h, 0.2 * h)


def kernel(x, W, gamma, beta):
    W1 = W[:, :3]
    Wd = W[:, 3:] - W1
    wcflat = jnp.reshape(jnp.transpose(W1), (-1,))
    xflat = jnp.reshape(x, (-1,))
    mm_flat, stats_flat = _sc_knn(xflat, wcflat)

    wp = jnp.zeros((8, 64), jnp.float32)
    wp = wp.at[0:3].set(jnp.transpose(W1)).at[3:6].set(jnp.transpose(Wd))
    ss = pl.pallas_call(
        _tc_stats_body,
        out_shape=jax.ShapeDtypeStruct((8, 64), jnp.float32),
        in_specs=[
            pl.BlockSpec((32, 512), lambda: (0, 0)),
            pl.BlockSpec((8, 64), lambda: (0, 0)),
            pl.BlockSpec((1, 64), lambda: (0, 0)),
            pl.BlockSpec((1, 64), lambda: (0, 0)),
        ],
        out_specs=pl.BlockSpec((8, 64), lambda: (0, 0)),
    )(stats_flat.reshape(32, 512), wp, gamma.reshape(1, 64),
      beta.reshape(1, 64))

    xt_pad = jnp.zeros((B, N, 8), jnp.float32)
    xt_pad = xt_pad.at[:, :, :3].set(jnp.transpose(x, (0, 2, 1)))
    wdp = jnp.zeros((8, 64), jnp.float32).at[0:3].set(jnp.transpose(Wd))

    out_nt = pl.pallas_call(
        _tc_apply_body,
        out_shape=jax.ShapeDtypeStruct((B, N, OUT_CH), jnp.float32),
        grid=(B, N // 512),
        in_specs=[
            pl.BlockSpec((1, 512, 128), lambda b, j: (b, j, 0)),
            pl.BlockSpec((1, 512, 8), lambda b, j: (b, j, 0)),
            pl.BlockSpec((8, 64), lambda b, j: (0, 0)),
            pl.BlockSpec((8, 64), lambda b, j: (0, 0)),
        ],
        out_specs=pl.BlockSpec((1, 512, OUT_CH), lambda b, j: (b, j, 0)),
    )(mm_flat.reshape(B, N, 128), xt_pad, wdp, ss)

    return jnp.transpose(out_nt, (0, 2, 1))

# --- scband reference (transcript-rebuilt; emitter-appended) ---
"""Pipeline reference for scband-dgcnn-61134564491270 (READ-ONLY COPY).

The authoritative reference and input builder live on the scoring server;
editing this copy changes nothing except your own understanding.
"""

import jax, jax.numpy as jnp
import numpy as np

K = 20
OUT_CH = 64

def knn(x, k):
    # x: [B, C, N]
    inner = -2.0 * jnp.matmul(jnp.transpose(x, (0, 2, 1)), x)  # [B, N, N]
    xx = jnp.sum(x ** 2, axis=1, keepdims=True)  # [B, 1, N]
    pairwise_distance = -xx - inner - jnp.transpose(xx, (0, 2, 1))  # [B, N, N]
    idx = jax.lax.top_k(pairwise_distance, k)[1]  # [B, N, k]
    return idx

def get_graph_feature(x, k=K):
    B, C, N = x.shape
    idx = knn(x, k)  # [B, N, k]
    xt = jnp.transpose(x, (0, 2, 1))  # [B, N, C]
    # gather neighbor features per batch
    feature = jax.vmap(lambda pts, ind: pts[ind])(xt, idx)  # [B, N, k, C]
    xc = jnp.broadcast_to(xt[:, :, None, :], (B, N, k, C))
    feature = jnp.concatenate([feature - xc, xc], axis=3)  # [B, N, k, 2C]
    feature = jnp.transpose(feature, (0, 3, 1, 2))  # [B, 2C, N, k]
    return feature

def setup_inputs(seed: int = 0) -> dict:
    key = jax.random.key(seed)
    k1, k2 = jax.random.split(key)
    x = jax.random.normal(k1, (16, 3, 2048), dtype=jnp.float32)
    # EdgeConv 1x1 conv weight (conv_2d(6, 64, kernel=1, bias=False) equivalent)
    W = jax.random.normal(k2, (OUT_CH, 6), dtype=jnp.float32) * (1.0 / np.sqrt(6.0))
    gamma = jnp.ones((OUT_CH,), dtype=jnp.float32)
    beta = jnp.zeros((OUT_CH,), dtype=jnp.float32)
    return {"x": x, "W": W, "gamma": gamma, "beta": beta}

def reference(x, W, gamma, beta):
    # DGCNN first EdgeConv block: kNN graph feature -> 1x1 conv -> BN (batch stats) -> LeakyReLU(0.2) -> max over k
    feat = get_graph_feature(x, k=K)  # [B, 6, N, k]
    h = jnp.einsum('oc,bcnk->bonk', W, feat)  # [B, 64, N, k]
    mean = jnp.mean(h, axis=(0, 2, 3), keepdims=True)
    var = jnp.var(h, axis=(0, 2, 3), keepdims=True)
    h = (h - mean) / jnp.sqrt(var + 1e-5)
    h = h * gamma[None, :, None, None] + beta[None, :, None, None]
    h = jnp.where(h >= 0, h, 0.2 * h)
    out = jnp.max(h, axis=3)  # [B, 64, N]
    return out

if __name__ == "__main__":
    import jax
    _d = setup_inputs()
    print(jax.jit(kernel)(*tuple(_d.values())))

</pallas_src>

<mosaic_0001>
#map = affine_map<(d0, d1) -> (0)>
module attributes {stable_mosaic.version = 14 : i64} {
  func.func @_sc_body(%arg0: i32, %arg1: i32, %arg2: memref<98304xf32, #tpu.memory_space<hbm>>, %arg3: memref<192xf32, #tpu.memory_space<hbm>>, %arg4: memref<4194304xf32, #tpu.memory_space<hbm>>, %arg5: memref<16384xf32, #tpu.memory_space<hbm>>, %arg6: memref<2048xf32, #tpu.memory_space<vmem>>, %arg7: memref<2048xf32, #tpu.memory_space<vmem>>, %arg8: memref<2048xf32, #tpu.memory_space<vmem>>, %arg9: memref<2048xf32, #tpu.memory_space<vmem>>, %arg10: memref<2048xf32, #tpu.memory_space<vmem>>, %arg11: memref<2048xf32, #tpu.memory_space<vmem>>, %arg12: memref<2048xf32, #tpu.memory_space<vmem>>, %arg13: memref<2048xf32, #tpu.memory_space<vmem>>, %arg14: memref<64xf32, #tpu.memory_space<vmem>>, %arg15: memref<64xi32, #tpu.memory_space<vmem>>, %arg16: memref<32xi32, #tpu.memory_space<vmem>>, %arg17: memref<32768xf32, #tpu.memory_space<vmem>>, %arg18: memref<512xf32, #tpu.memory_space<vmem>>, %arg19: memref<192xf32, #tpu.memory_space<vmem>>) attributes {dimension_semantics = [#tpu.dimension_semantics<core_parallel>, #tpu.dimension_semantics<subcore_parallel>], iteration_bounds = array<i64: 2, 16>, scalar_prefetch = 0 : i64, scratch_operands = 14 : i64, tpu.core_type = #tpu.core_type<sc_vector_subcore>, window_params = [{transform_indices = #map}, {transform_indices = #map}, {transform_indices = #map}, {transform_indices = #map}]} {
    %mul3A = arith.constant 2 : i32
    %mul3A_0 = arith.muli %arg1, %mul3A : i32
    %add3A = arith.addi %mul3A_0, %arg0 : i32
    %jit3A = arith.constant 2 : i32
    %div3A = arith.divsi %add3A, %jit3A : i32
    %sign3A = arith.constant 0 : i32
    %sign3A_1 = arith.cmpi sgt, %add3A, %sign3A : i32
    %sign3A_2 = arith.extui %sign3A_1 : i1 to i32
    %sign3A_3 = arith.constant 0 : i32
    %sign3A_4 = arith.cmpi slt, %add3A, %sign3A_3 : i32
    %sign3A_5 = arith.extui %sign3A_4 : i1 to i32
    %sign3A_6 = arith.subi %sign3A_2, %sign3A_5 : i32
    %sign3A_7 = arith.constant 0 : i32
    %sign3A_8 = arith.cmpi sgt, %jit3A, %sign3A_7 : i32
    %sign3A_9 = arith.extui %sign3A_8 : i1 to i32
    %sign3A_10 = arith.constant 0 : i32
    %sign3A_11 = arith.cmpi slt, %jit3A, %sign3A_10 : i32
    %sign3A_12 = arith.extui %sign3A_11 : i1 to i32
    %sign3A_13 = arith.subi %sign3A_9, %sign3A_12 : i32
    %ne3A = arith.cmpi ne, %sign3A_6, %sign3A_13 : i32
    %rem3A = arith.remsi %add3A, %jit3A : i32
    %ne3A_14 = arith.constant 0 : i32
    %ne3A_15 = arith.cmpi ne, %rem3A, %ne3A_14 : i32
    %and3A = arith.andi %ne3A, %ne3A_15 : i1
    %sub3A = arith.constant 1 : i32
    %sub3A_16 = arith.subi %div3A, %sub3A : i32
    %select_n3A = arith.select %and3A, %sub3A_16, %div3A : i32
    %jit3A_17 = arith.constant 2 : i32
    %eq3A = arith.constant 0 : i32
    %eq3A_18 = arith.cmpi eq, %jit3A_17, %eq3A : i32
    %jit3A_19 = arith.constant 1 : i32
    %select_n3A_20 = arith.select %eq3A_18, %jit3A_19, %jit3A_17 : i32
    %rem3A_21 = arith.remsi %add3A, %select_n3A_20 : i32
    %ne3A_22 = arith.constant 0 : i32
    %ne3A_23 = arith.cmpi ne, %rem3A_21, %ne3A_22 : i32
    %lt3A = arith.constant 0 : i32
    %lt3A_24 = arith.cmpi slt, %rem3A_21, %lt3A : i32
    %lt3A_25 = arith.constant 0 : i32
    %lt3A_26 = arith.cmpi slt, %select_n3A_20, %lt3A_25 : i32
    %ne3A_27 = arith.xori %lt3A_24, %lt3A_26 : i1
    %and3A_28 = arith.andi %ne3A_27, %ne3A_23 : i1
    %add3A_29 = arith.addi %rem3A_21, %select_n3A_20 : i32
    %select_n3A_30 = arith.select %and3A_28, %add3A_29, %rem3A_21 : i32
    %mul3A_31 = arith.constant 1024 : i32
    %mul3A_32 = arith.muli %select_n3A_30, %mul3A_31 : i32
    %mul3A_33 = arith.constant 0 : i32
    %mul3A_34 = arith.muli %add3A, %mul3A_33 : i32
    %broadcast_in_dim3A = vector.broadcast %mul3A_34 : i32 to vector<16xi32>
    %convert_element_type3A = arith.sitofp %broadcast_in_dim3A : vector<16xi32> to vector<16xf32>
    %add3A_35 = arith.constant 1 : i32
    %add3A_36 = vector.broadcast %add3A_35 : i32 to vector<16xi32>
    %add3A_37 = arith.addi %broadcast_in_dim3A, %add3A_36 : vector<16xi32>
    %broadcast_in_dim3A_38 = arith.constant true
    %broadcast_in_dim3A_39 = vector.broadcast %broadcast_in_dim3A_38 : i1 to vector<16xi1>
    %masked_cumsum3A = tpu.scan <sum>, %add3A_37 masked %broadcast_in_dim3A_39 : vector<16xi32>, vector<16xi1> -> vector<16xi32>
    %sub3A_40 = arith.constant 1 : i32
    %sub3A_41 = vector.broadcast %sub3A_40 : i32 to vector<16xi32>
    %sub3A_42 = arith.subi %masked_cumsum3A, %sub3A_41 : vector<16xi32>
    %lt3A_43 = arith.constant 4 : i32
    %lt3A_44 = vector.broadcast %lt3A_43 : i32 to vector<16xi32>
    %lt3A_45 = arith.cmpi slt, %sub3A_42, %lt3A_44 : vector<16xi32>
    %add3A_46 = arith.constant -3.000000e+38 : f32
    %add3A_47 = vector.broadcast %add3A_46 : f32 to vector<16xf32>
    %add3A_48 = arith.addf %convert_element_type3A, %add3A_47 : vector<16xf32>
    %mul3A_49 = arith.constant 3 : i32
    %mul3A_50 = arith.muli %select_n3A, %mul3A_49 : i32
    %add3A_51 = arith.constant 0 : i32
    %add3A_52 = arith.addi %mul3A_50, %add3A_51 : i32
    %mul3A_53 = arith.constant 2048 : i32
    %mul3A_54 = arith.muli %add3A_52, %mul3A_53 : i32
    "tpu.region"() ({
      %run_scoped3A = tpu.sem_alloc : memref<!tpu.dma_semaphore, #tpu.memory_space<semaphore_mem>>
      %dma_start3A = tpu.memref_slice %arg2[%mul3A_54] : memref<98304xf32, #tpu.memory_space<hbm>> -> memref<2048xf32, #tpu.memory_space<hbm>>
      %dma_start3A_173 = tpu.memref_slice %arg2[%mul3A_54] : memref<98304xf32, #tpu.memory_space<hbm>> -> memref<2048xf32, #tpu.memory_space<hbm>>
      tpu.enqueue_dma source(%dma_start3A_173 : memref<2048xf32, #tpu.memory_space<hbm>>) target(%arg6 : memref<2048xf32, #tpu.memory_space<vmem>>) target_semaphore(%run_scoped3A : memref<!tpu.dma_semaphore, #tpu.memory_space<semaphore_mem>>)
      %dma_wait3A = tpu.memref_slice %arg2[%mul3A_54] : memref<98304xf32, #tpu.memory_space<hbm>> -> memref<2048xf32, #tpu.memory_space<hbm>>
      %dma_wait3A_174 = tpu.memref_slice %arg2[%mul3A_54] : memref<98304xf32, #tpu.memory_space<hbm>> -> memref<2048xf32, #tpu.memory_space<hbm>>
      tpu.wait_dma2 semaphore(%run_scoped3A : memref<!tpu.dma_semaphore, #tpu.memory_space<semaphore_mem>>) src(%dma_wait3A_174 : memref<2048xf32, #tpu.memory_space<hbm>>) dst(%arg6 : memref<2048xf32, #tpu.memory_space<vmem>>)
      tpu.yield
    }) : () -> ()
    %mul3A_55 = arith.constant 3 : i32
    %mul3A_56 = arith.muli %select_n3A, %mul3A_55 : i32
    %add3A_57 = arith.constant 1 : i32
    %add3A_58 = arith.addi %mul3A_56, %add3A_57 : i32
    %mul3A_59 = arith.constant 2048 : i32
    %mul3A_60 = arith.muli %add3A_58, %mul3A_59 : i32
    "tpu.region"() ({
      %run_scoped3A = tpu.sem_alloc : memref<!tpu.dma_semaphore, #tpu.memory_space<semaphore_mem>>
      %dma_start3A = tpu.memref_slice %arg2[%mul3A_60] : memref<98304xf32, #tpu.memory_space<hbm>> -> memref<2048xf32, #tpu.memory_space<hbm>>
      %dma_start3A_173 = tpu.memref_slice %arg2[%mul3A_60] : memref<98304xf32, #tpu.memory_space<hbm>> -> memref<2048xf32, #tpu.memory_space<hbm>>
      tpu.enqueue_dma source(%dma_start3A_173 : memref<2048xf32, #tpu.memory_space<hbm>>) target(%arg7 : memref<2048xf32, #tpu.memory_space<vmem>>) target_semaphore(%run_scoped3A : memref<!tpu.dma_semaphore, #tpu.memory_space<semaphore_mem>>)
      %dma_wait3A = tpu.memref_slice %arg2[%mul3A_60] : memref<98304xf32, #tpu.memory_space<hbm>> -> memref<2048xf32, #tpu.memory_space<hbm>>
      %dma_wait3A_174 = tpu.memref_slice %arg2[%mul3A_60] : memref<98304xf32, #tpu.memory_space<hbm>> -> memref<2048xf32, #tpu.memory_space<hbm>>
      tpu.wait_dma2 semaphore(%run_scoped3A : memref<!tpu.dma_semaphore, #tpu.memory_space<semaphore_mem>>) src(%dma_wait3A_174 : memref<2048xf32, #tpu.memory_space<hbm>>) dst(%arg7 : memref<2048xf32, #tpu.memory_space<vmem>>)
      tpu.yield
    }) : () -> ()
    %mul3A_61 = arith.constant 3 : i32
    %mul3A_62 = arith.muli %select_n3A, %mul3A_61 : i32
    %add3A_63 = arith.constant 2 : i32
    %add3A_64 = arith.addi %mul3A_62, %add3A_63 : i32
    %mul3A_65 = arith.constant 2048 : i32
    %mul3A_66 = arith.muli %add3A_64, %mul3A_65 : i32
    "tpu.region"() ({
      %run_scoped3A = tpu.sem_alloc : memref<!tpu.dma_semaphore, #tpu.memory_space<semaphore_mem>>
      %dma_start3A = tpu.memref_slice %arg2[%mul3A_66] : memref<98304xf32, #tpu.memory_space<hbm>> -> memref<2048xf32, #tpu.memory_space<hbm>>
      %dma_start3A_173 = tpu.memref_slice %arg2[%mul3A_66] : memref<98304xf32, #tpu.memory_space<hbm>> -> memref<2048xf32, #tpu.memory_space<hbm>>
      tpu.enqueue_dma source(%dma_start3A_173 : memref<2048xf32, #tpu.memory_space<hbm>>) target(%arg8 : memref<2048xf32, #tpu.memory_space<vmem>>) target_semaphore(%run_scoped3A : memref<!tpu.dma_semaphore, #tpu.memory_space<semaphore_mem>>)
      %dma_wait3A = tpu.memref_slice %arg2[%mul3A_66] : memref<98304xf32, #tpu.memory_space<hbm>> -> memref<2048xf32, #tpu.memory_space<hbm>>
      %dma_wait3A_174 = tpu.memref_slice %arg2[%mul3A_66] : memref<98304xf32, #tpu.memory_space<hbm>> -> memref<2048xf32, #tpu.memory_space<hbm>>
      tpu.wait_dma2 semaphore(%run_scoped3A : memref<!tpu.dma_semaphore, #tpu.memory_space<semaphore_mem>>) src(%dma_wait3A_174 : memref<2048xf32, #tpu.memory_space<hbm>>) dst(%arg8 : memref<2048xf32, #tpu.memory_space<vmem>>)
      tpu.yield
    }) : () -> ()
    "tpu.region"() ({
      %run_scoped3A = tpu.sem_alloc : memref<!tpu.dma_semaphore, #tpu.memory_space<semaphore_mem>>
      tpu.enqueue_dma source(%arg3 : memref<192xf32, #tpu.memory_space<hbm>>) target(%arg19 : memref<192xf32, #tpu.memory_space<vmem>>) target_semaphore(%run_scoped3A : memref<!tpu.dma_semaphore, #tpu.memory_space<semaphore_mem>>)
      tpu.wait_dma2 semaphore(%run_scoped3A : memref<!tpu.dma_semaphore, #tpu.memory_space<semaphore_mem>>) src(%arg3 : memref<192xf32, #tpu.memory_space<hbm>>) dst(%arg19 : memref<192xf32, #tpu.memory_space<vmem>>)
      tpu.yield
    }) : () -> ()
    %scan3A = arith.constant 0 : i32
    %scan3A_67 = arith.constant 0 : i32
    %scan3A_68 = arith.constant 128 : i32
    %scan3A_69 = arith.addi %scan3A_67, %scan3A_68 : i32
    %scan3A_70 = arith.constant 1 : i32
    %scan3A_71 = scf.for %scan3A_173 = %scan3A_67 to %scan3A_69 step %scan3A_70 iter_args(%scan3A_174 = %scan3A) -> (i32)  : i32 {
      %mul3A_175 = arith.constant 16 : i32
      %mul3A_176 = arith.muli %scan3A_173, %mul3A_175 : i32
      %get3A_177 = arith.index_cast %mul3A_176 : i32 to index
      %get3A_178 = tpu.vector_load %arg6[%get3A_177] {strides = array<i32>} : memref<2048xf32, #tpu.memory_space<vmem>>, vector<16xf32>,
      %get3A_179 = arith.index_cast %mul3A_176 : i32 to index
      %get3A_180 = tpu.vector_load %arg7[%get3A_179] {strides = array<i32>} : memref<2048xf32, #tpu.memory_space<vmem>>, vector<16xf32>,
      %get3A_181 = arith.index_cast %mul3A_176 : i32 to index
      %get3A_182 = tpu.vector_load %arg8[%get3A_181] {strides = array<i32>} : memref<2048xf32, #tpu.memory_space<vmem>>, vector<16xf32>,
      %bitcast3A = vector.bitcast %get3A_178 : vector<16xf32> to vector<16xi32>
      %add3A_183 = arith.constant 32767 : i32
      %add3A_184 = vector.broadcast %add3A_183 : i32 to vector<16xi32>
      %add3A_185 = arith.addi %bitcast3A, %add3A_184 : vector<16xi32>
      %shift_right_logical3A = arith.constant 16 : i32
      %shift_right_logical3A_186 = vector.broadcast %shift_right_logical3A : i32 to vector<16xi32>
      %shift_right_logical3A_187 = arith.shrui %bitcast3A, %shift_right_logical3A_186 : vector<16xi32>
      %and3A_188 = arith.constant 1 : i32
      %and3A_189 = vector.broadcast %and3A_188 : i32 to vector<16xi32>
      %and3A_190 = arith.andi %shift_right_logical3A_187, %and3A_189 : vector<16xi32>
      %add3A_191 = arith.addi %add3A_185, %and3A_190 : vector<16xi32>
      %and3A_192 = arith.constant -65536 : i32
      %and3A_193 = vector.broadcast %and3A_192 : i32 to vector<16xi32>
      %and3A_194 = arith.andi %add3A_191, %and3A_193 : vector<16xi32>
      %bitcast3A_195 = vector.bitcast %and3A_194 : vector<16xi32> to vector<16xf32>
      %bitcast3A_196 = vector.bitcast %get3A_180 : vector<16xf32> to vector<16xi32>
      %add3A_197 = arith.constant 32767 : i32
      %add3A_198 = vector.broadcast %add3A_197 : i32 to vector<16xi32>
      %add3A_199 = arith.addi %bitcast3A_196, %add3A_198 : vector<16xi32>
      %shift_right_logical3A_200 = arith.constant 16 : i32
      %shift_right_logical3A_201 = vector.broadcast %shift_right_logical3A_200 : i32 to vector<16xi32>
      %shift_right_logical3A_202 = arith.shrui %bitcast3A_196, %shift_right_logical3A_201 : vector<16xi32>
      %and3A_203 = arith.constant 1 : i32
      %and3A_204 = vector.broadcast %and3A_203 : i32 to vector<16xi32>
      %and3A_205 = arith.andi %shift_right_logical3A_202, %and3A_204 : vector<16xi32>
      %add3A_206 = arith.addi %add3A_199, %and3A_205 : vector<16xi32>
      %and3A_207 = arith.constant -65536 : i32
      %and3A_208 = vector.broadcast %and3A_207 : i32 to vector<16xi32>
      %and3A_209 = arith.andi %add3A_206, %and3A_208 : vector<16xi32>
      %bitcast3A_210 = vector.bitcast %and3A_209 : vector<16xi32> to vector<16xf32>
      %bitcast3A_211 = vector.bitcast %get3A_182 : vector<16xf32> to vector<16xi32>
      %add3A_212 = arith.constant 32767 : i32
      %add3A_213 = vector.broadcast %add3A_212 : i32 to vector<16xi32>
      %add3A_214 = arith.addi %bitcast3A_211, %add3A_213 : vector<16xi32>
      %shift_right_logical3A_215 = arith.constant 16 : i32
      %shift_right_logical3A_216 = vector.broadcast %shift_right_logical3A_215 : i32 to vector<16xi32>
      %shift_right_logical3A_217 = arith.shrui %bitcast3A_211, %shift_right_logical3A_216 : vector<16xi32>
      %and3A_218 = arith.constant 1 : i32
      %and3A_219 = vector.broadcast %and3A_218 : i32 to vector<16xi32>
      %and3A_220 = arith.andi %shift_right_logical3A_217, %and3A_219 : vector<16xi32>
      %add3A_221 = arith.addi %add3A_214, %and3A_220 : vector<16xi32>
      %and3A_222 = arith.constant -65536 : i32
      %and3A_223 = vector.broadcast %and3A_222 : i32 to vector<16xi32>
      %and3A_224 = arith.andi %add3A_221, %and3A_223 : vector<16xi32>
      %bitcast3A_225 = vector.bitcast %and3A_224 : vector<16xi32> to vector<16xf32>
      %add3A_226 = arith.addf %bitcast3A_195, %bitcast3A_195 : vector<16xf32>
      %swap3A_227 = arith.index_cast %mul3A_176 : i32 to index
      %swap3A_228 = tpu.vector_load %arg9[%swap3A_227] {strides = array<i32>} : memref<2048xf32, #tpu.memory_space<vmem>>, vector<16xf32>,
      tpu.vector_store %arg9[%swap3A_227], %add3A_226 {strides = array<i32>} : memref<2048xf32, #tpu.memory_space<vmem>>, vector<16xf32>,
      %add3A_229 = arith.addf %bitcast3A_210, %bitcast3A_210 : vector<16xf32>
      %swap3A_230 = arith.index_cast %mul3A_176 : i32 to index
      %swap3A_231 = tpu.vector_load %arg10[%swap3A_230] {strides = array<i32>} : memref<2048xf32, #tpu.memory_space<vmem>>, vector<16xf32>,
      tpu.vector_store %arg10[%swap3A_230], %add3A_229 {strides = array<i32>} : memref<2048xf32, #tpu.memory_space<vmem>>, vector<16xf32>,
      %add3A_232 = arith.addf %bitcast3A_225, %bitcast3A_225 : vector<16xf32>
      %swap3A_233 = arith.index_cast %mul3A_176 : i32 to index
      %swap3A_234 = tpu.vector_load %arg11[%swap3A_233] {strides = array<i32>} : memref<2048xf32, #tpu.memory_space<vmem>>, vector<16xf32>,
      tpu.vector_store %arg11[%swap3A_233], %add3A_232 {strides = array<i32>} : memref<2048xf32, #tpu.memory_space<vmem>>, vector<16xf32>,
      %mul3A_235 = arith.mulf %get3A_178, %get3A_178 : vector<16xf32>
      %mul3A_236 = arith.mulf %get3A_180, %get3A_180 : vector<16xf32>
      %add3A_237 = arith.addf %mul3A_235, %mul3A_236 : vector<16xf32>
      %mul3A_238 = arith.mulf %get3A_182, %get3A_182 : vector<16xf32>
      %add3A_239 = arith.addf %add3A_237, %mul3A_238 : vector<16xf32>
      %neg3A = arith.constant 0.000000e+00 : f32
      %neg3A_240 = vector.broadcast %neg3A : f32 to vector<16xf32>
      %neg3A_241 = arith.subf %neg3A_240, %add3A_239 : vector<16xf32>
      %swap3A_242 = arith.index_cast %mul3A_176 : i32 to index
      %swap3A_243 = tpu.vector_load %arg12[%swap3A_242] {strides = array<i32>} : memref<2048xf32, #tpu.memory_space<vmem>>, vector<16xf32>,
      tpu.vector_store %arg12[%swap3A_242], %neg3A_241 {strides = array<i32>} : memref<2048xf32, #tpu.memory_space<vmem>>, vector<16xf32>,
      %scan3A_244 = arith.constant 0 : i32
      scf.yield %scan3A_244 : i32
    }
    %scan3A_72 = arith.constant 128 : i32
    %scan3A_73 = arith.constant 0 : i32
    %scan3A_74 = arith.constant 64 : i32
    %scan3A_75 = arith.addi %scan3A_73, %scan3A_74 : i32
    %scan3A_76 = arith.constant 1 : i32
    %scan3A_77:9 = scf.for %scan3A_173 = %scan3A_73 to %scan3A_75 step %scan3A_76 iter_args(%scan3A_174 = %convert_element_type3A, %scan3A_175 = %convert_element_type3A, %scan3A_176 = %convert_element_type3A, %scan3A_177 = %convert_element_type3A, %scan3A_178 = %convert_element_type3A, %scan3A_179 = %convert_element_type3A, %scan3A_180 = %convert_element_type3A, %scan3A_181 = %convert_element_type3A, %scan3A_182 = %convert_element_type3A) -> (vector<16xf32>, vector<16xf32>, vector<16xf32>, vector<16xf32>, vector<16xf32>, vector<16xf32>, vector<16xf32>, vector<16xf32>, vector<16xf32>)  : i32 {
      %mul3A_183 = arith.constant 16 : i32
      %mul3A_184 = arith.muli %scan3A_173, %mul3A_183 : i32
      %add3A_185 = arith.addi %mul3A_32, %mul3A_184 : i32
      %get3A_186 = arith.index_cast %add3A_185 : i32 to index
      %get3A_187 = tpu.vector_load %arg6[%get3A_186] {strides = array<i32>} : memref<2048xf32, #tpu.memory_space<vmem>>, vector<16xf32>,
      %get3A_188 = arith.index_cast %add3A_185 : i32 to index
      %get3A_189 = tpu.vector_load %arg7[%get3A_188] {strides = array<i32>} : memref<2048xf32, #tpu.memory_space<vmem>>, vector<16xf32>,
      %get3A_190 = arith.index_cast %add3A_185 : i32 to index
      %get3A_191 = tpu.vector_load %arg8[%get3A_190] {strides = array<i32>} : memref<2048xf32, #tpu.memory_space<vmem>>, vector<16xf32>,
      %add3A_192 = arith.addf %scan3A_174, %get3A_187 : vector<16xf32>
      %add3A_193 = arith.addf %scan3A_175, %get3A_189 : vector<16xf32>
      %add3A_194 = arith.addf %scan3A_176, %get3A_191 : vector<16xf32>
      %mul3A_195 = arith.mulf %get3A_187, %get3A_187 : vector<16xf32>
      %add3A_196 = arith.addf %scan3A_177, %mul3A_195 : vector<16xf32>
      %mul3A_197 = arith.mulf %get3A_189, %get3A_189 : vector<16xf32>
      %add3A_198 = arith.addf %scan3A_178, %mul3A_197 : vector<16xf32>
      %mul3A_199 = arith.mulf %get3A_191, %get3A_191 : vector<16xf32>
      %add3A_200 = arith.addf %scan3A_179, %mul3A_199 : vector<16xf32>
      %mul3A_201 = arith.mulf %get3A_187, %get3A_189 : vector<16xf32>
      %add3A_202 = arith.addf %scan3A_180, %mul3A_201 : vector<16xf32>
      %mul3A_203 = arith.mulf %get3A_187, %get3A_191 : vector<16xf32>
      %add3A_204 = arith.addf %scan3A_181, %mul3A_203 : vector<16xf32>
      %mul3A_205 = arith.mulf %get3A_189, %get3A_191 : vector<16xf32>
      %add3A_206 = arith.addf %scan3A_182, %mul3A_205 : vector<16xf32>
      scf.yield %add3A_192, %add3A_193, %add3A_194, %add3A_196, %add3A_198, %add3A_200, %add3A_202, %add3A_204, %add3A_206 : vector<16xf32>, vector<16xf32>, vector<16xf32>, vector<16xf32>, vector<16xf32>, vector<16xf32>, vector<16xf32>, vector<16xf32>, vector<16xf32>
    }
    %scan3A_78 = arith.constant 64 : i32
    %get3A = arith.constant 0 : index
    %get3A_79 = tpu.vector_load %arg19[%get3A] {strides = array<i32>} : memref<192xf32, #tpu.memory_space<vmem>>, vector<16xf32>,
    %get3A_80 = arith.constant 16 : index
    %get3A_81 = tpu.vector_load %arg19[%get3A_80] {strides = array<i32>} : memref<192xf32, #tpu.memory_space<vmem>>, vector<16xf32>,
    %get3A_82 = arith.constant 32 : index
    %get3A_83 = tpu.vector_load %arg19[%get3A_82] {strides = array<i32>} : memref<192xf32, #tpu.memory_space<vmem>>, vector<16xf32>,
    %get3A_84 = arith.constant 48 : index
    %get3A_85 = tpu.vector_load %arg19[%get3A_84] {strides = array<i32>} : memref<192xf32, #tpu.memory_space<vmem>>, vector<16xf32>,
    %get3A_86 = arith.constant 64 : index
    %get3A_87 = tpu.vector_load %arg19[%get3A_86] {strides = array<i32>} : memref<192xf32, #tpu.memory_space<vmem>>, vector<16xf32>,
    %get3A_88 = arith.constant 80 : index
    %get3A_89 = tpu.vector_load %arg19[%get3A_88] {strides = array<i32>} : memref<192xf32, #tpu.memory_space<vmem>>, vector<16xf32>,
    %get3A_90 = arith.constant 96 : index
    %get3A_91 = tpu.vector_load %arg19[%get3A_90] {strides = array<i32>} : memref<192xf32, #tpu.memory_space<vmem>>, vector<16xf32>,
    %get3A_92 = arith.constant 112 : index
    %get3A_93 = tpu.vector_load %arg19[%get3A_92] {strides = array<i32>} : memref<192xf32, #tpu.memory_space<vmem>>, vector<16xf32>,
    %get3A_94 = arith.constant 128 : index
    %get3A_95 = tpu.vector_load %arg19[%get3A_94] {strides = array<i32>} : memref<192xf32, #tpu.memory_space<vmem>>, vector<16xf32>,
    %get3A_96 = arith.constant 144 : index
    %get3A_97 = tpu.vector_load %arg19[%get3A_96] {strides = array<i32>} : memref<192xf32, #tpu.memory_space<vmem>>, vector<16xf32>,
    %get3A_98 = arith.constant 160 : index
    %get3A_99 = tpu.vector_load %arg19[%get3A_98] {strides = array<i32>} : memref<192xf32, #tpu.memory_space<vmem>>, vector<16xf32>,
    %get3A_100 = arith.constant 176 : index
    %get3A_101 = tpu.vector_load %arg19[%get3A_100] {strides = array<i32>} : memref<192xf32, #tpu.memory_space<vmem>>, vector<16xf32>,
    %scan3A_102 = arith.constant 0 : i32
    %scan3A_103 = arith.constant 4 : i32
    %scan3A_104 = arith.addi %scan3A_102, %scan3A_103 : i32
    %scan3A_105 = arith.constant 1 : i32
    %scan3A_106:18 = scf.for %scan3A_173 = %scan3A_102 to %scan3A_104 step %scan3A_105 iter_args(%scan3A_174 = %convert_element_type3A, %scan3A_175 = %convert_element_type3A, %scan3A_176 = %convert_element_type3A, %scan3A_177 = %convert_element_type3A, %scan3A_178 = %convert_element_type3A, %scan3A_179 = %convert_element_type3A, %scan3A_180 = %convert_element_type3A, %scan3A_181 = %convert_element_type3A, %scan3A_182 = %convert_element_type3A, %scan3A_183 = %convert_element_type3A, %scan3A_184 = %convert_element_type3A, %scan3A_185 = %convert_element_type3A, %scan3A_186 = %convert_element_type3A, %scan3A_187 = %convert_element_type3A, %scan3A_188 = %convert_element_type3A, %scan3A_189 = %convert_element_type3A, %scan3A_190 = %convert_element_type3A, %scan3A_191 = %convert_element_type3A) -> (vector<16xf32>, vector<16xf32>, vector<16xf32>, vector<16xf32>, vector<16xf32>, vector<16xf32>, vector<16xf32>, vector<16xf32>, vector<16xf32>, vector<16xf32>, vector<16xf32>, vector<16xf32>, vector<16xf32>, vector<16xf32>, vector<16xf32>, vector<16xf32>, vector<16xf32>, vector<16xf32>)  : i32 {
      %scan3A_192 = arith.constant 0 : i32
      %scan3A_193 = arith.constant 256 : i32
      %scan3A_194 = arith.addi %scan3A_192, %scan3A_193 : i32
      %scan3A_195 = arith.constant 1 : i32
      %scan3A_196:18 = scf.for %scan3A_206 = %scan3A_192 to %scan3A_194 step %scan3A_195 iter_args(%scan3A_207 = %scan3A_174, %scan3A_208 = %scan3A_175, %scan3A_209 = %scan3A_176, %scan3A_210 = %scan3A_177, %scan3A_211 = %scan3A_178, %scan3A_212 = %scan3A_179, %scan3A_213 = %scan3A_180, %scan3A_214 = %scan3A_181, %scan3A_215 = %scan3A_182, %scan3A_216 = %scan3A_183, %scan3A_217 = %scan3A_184, %scan3A_218 = %scan3A_185, %scan3A_219 = %scan3A_186, %scan3A_220 = %scan3A_187, %scan3A_221 = %scan3A_188, %scan3A_222 = %scan3A_189, %scan3A_223 = %scan3A_190, %scan3A_224 = %scan3A_191) -> (vector<16xf32>, vector<16xf32>, vector<16xf32>, vector<16xf32>, vector<16xf32>, vector<16xf32>, vector<16xf32>, vector<16xf32>, vector<16xf32>, vector<16xf32>, vector<16xf32>, vector<16xf32>, vector<16xf32>, vector<16xf32>, vector<16xf32>, vector<16xf32>, vector<16xf32>, vector<16xf32>)  : i32 {
        %mul3A_225 = arith.constant 256 : i32
        %mul3A_226 = arith.muli %scan3A_173, %mul3A_225 : i32
        %add3A_227 = arith.addi %mul3A_32, %mul3A_226 : i32
        %add3A_228 = arith.addi %add3A_227, %scan3A_206 : i32
        %broadcast_in_dim3A_229 = vector.broadcast %add3A_228 : i32 to vector<16xi32>
        %gather3A = tpu.vector_load_idx %arg6[%broadcast_in_dim3A_229] : memref<2048xf32, #tpu.memory_space<vmem>>[vector<16xi32>], vector<16xf32>,
        %gather3A_230 = tpu.vector_load_idx %arg7[%broadcast_in_dim3A_229] : memref<2048xf32, #tpu.memory_space<vmem>>[vector<16xi32>], vector<16xf32>,
        %gather3A_231 = tpu.vector_load_idx %arg8[%broadcast_in_dim3A_229] : memref<2048xf32, #tpu.memory_space<vmem>>[vector<16xi32>], vector<16xf32>,
        %gather3A_232 = tpu.vector_load_idx %arg12[%broadcast_in_dim3A_229] : memref<2048xf32, #tpu.memory_space<vmem>>[vector<16xi32>], vector<16xf32>,
        %gather3A_233 = tpu.vector_load_idx %arg9[%broadcast_in_dim3A_229] : memref<2048xf32, #tpu.memory_space<vmem>>[vector<16xi32>], vector<16xf32>,
        %mul3A_234 = arith.constant 5.000000e-01 : f32
        %mul3A_235 = vector.broadcast %mul3A_234 : f32 to vector<16xf32>
        %mul3A_236 = arith.mulf %gather3A_233, %mul3A_235 : vector<16xf32>
        %gather3A_237 = tpu.vector_load_idx %arg10[%broadcast_in_dim3A_229] : memref<2048xf32, #tpu.memory_space<vmem>>[vector<16xi32>], vector<16xf32>,
        %mul3A_238 = arith.constant 5.000000e-01 : f32
        %mul3A_239 = vector.broadcast %mul3A_238 : f32 to vector<16xf32>
        %mul3A_240 = arith.mulf %gather3A_237, %mul3A_239 : vector<16xf32>
        %gather3A_241 = tpu.vector_load_idx %arg11[%broadcast_in_dim3A_229] : memref<2048xf32, #tpu.memory_space<vmem>>[vector<16xi32>], vector<16xf32>,
        %mul3A_242 = arith.constant 5.000000e-01 : f32
        %mul3A_243 = vector.broadcast %mul3A_242 : f32 to vector<16xf32>
        %mul3A_244 = arith.mulf %gather3A_241, %mul3A_243 : vector<16xf32>
        %scan3A_245 = arith.constant 0 : i32
        %scan3A_246 = arith.constant 32 : i32
        %scan3A_247 = arith.addi %scan3A_245, %scan3A_246 : i32
        %scan3A_248 = arith.constant 1 : i32
        %scan3A_249:2 = scf.for %scan3A_1504 = %scan3A_245 to %scan3A_247 step %scan3A_248 iter_args(%scan3A_1505 = %add3A_48, %scan3A_1506 = %add3A_48) -> (vector<16xf32>, vector<16xf32>)  : i32 {
          %mul3A_1507 = arith.constant 64 : i32
          %mul3A_1508 = arith.muli %scan3A_1504, %mul3A_1507 : i32
          %add3A_1509 = arith.constant 0 : i32
          %add3A_1510 = arith.addi %mul3A_1508, %add3A_1509 : i32
          %get3A_1511 = arith.index_cast %add3A_1510 : i32 to index
          %get3A_1512 = tpu.vector_load %arg9[%get3A_1511] {strides = array<i32>} : memref<2048xf32, #tpu.memory_space<vmem>>, vector<16xf32>,
          %mul3A_1513 = arith.mulf %get3A_1512, %mul3A_236 : vector<16xf32>
          %get3A_1514 = arith.index_cast %add3A_1510 : i32 to index
          %get3A_1515 = tpu.vector_load %arg10[%get3A_1514] {strides = array<i32>} : memref<2048xf32, #tpu.memory_space<vmem>>, vector<16xf32>,
          %mul3A_1516 = arith.mulf %get3A_1515, %mul3A_240 : vector<16xf32>
          %add3A_1517 = arith.addf %mul3A_1516, %mul3A_1513 : vector<16xf32>
          %get3A_1518 = arith.index_cast %add3A_1510 : i32 to index
          %get3A_1519 = tpu.vector_load %arg11[%get3A_1518] {strides = array<i32>} : memref<2048xf32, #tpu.memory_space<vmem>>, vector<16xf32>,
          %mul3A_1520 = arith.mulf %get3A_1519, %mul3A_244 : vector<16xf32>
          %add3A_1521 = arith.addf %mul3A_1520, %add3A_1517 : vector<16xf32>
          %get3A_1522 = arith.index_cast %add3A_1510 : i32 to index
          %get3A_1523 = tpu.vector_load %arg12[%get3A_1522] {strides = array<i32>} : memref<2048xf32, #tpu.memory_space<vmem>>, vector<16xf32>,
          %add3A_1524 = arith.addf %add3A_1521, %get3A_1523 : vector<16xf32>
          %add3A_1525 = arith.addf %add3A_1524, %gather3A_232 : vector<16xf32>
          %swap3A_1526 = arith.index_cast %add3A_1510 : i32 to index
          %swap3A_1527 = tpu.vector_load %arg13[%swap3A_1526] {strides = array<i32>} : memref<2048xf32, #tpu.memory_space<vmem>>, vector<16xf32>,
          tpu.vector_store %arg13[%swap3A_1526], %add3A_1525 {strides = array<i32>} : memref<2048xf32, #tpu.memory_space<vmem>>, vector<16xf32>,
          %min3A_1528 = arith.minimumf %scan3A_1505, %add3A_1525 : vector<16xf32>
          %max3A_1529 = arith.maximumf %scan3A_1506, %min3A_1528 : vector<16xf32>
          %max3A_1530 = arith.maximumf %scan3A_1505, %add3A_1525 : vector<16xf32>
          %mul3A_1531 = arith.constant 64 : i32
          %mul3A_1532 = arith.muli %scan3A_1504, %mul3A_1531 : i32
          %add3A_1533 = arith.constant 16 : i32
          %add3A_1534 = arith.addi %mul3A_1532, %add3A_1533 : i32
          %get3A_1535 = arith.index_cast %add3A_1534 : i32 to index
          %get3A_1536 = tpu.vector_load %arg9[%get3A_1535] {strides = array<i32>} : memref<2048xf32, #tpu.memory_space<vmem>>, vector<16xf32>,
          %mul3A_1537 = arith.mulf %get3A_1536, %mul3A_236 : vector<16xf32>
          %get3A_1538 = arith.index_cast %add3A_1534 : i32 to index
          %get3A_1539 = tpu.vector_load %arg10[%get3A_1538] {strides = array<i32>} : memref<2048xf32, #tpu.memory_space<vmem>>, vector<16xf32>,
          %mul3A_1540 = arith.mulf %get3A_1539, %mul3A_240 : vector<16xf32>
          %add3A_1541 = arith.addf %mul3A_1540, %mul3A_1537 : vector<16xf32>
          %get3A_1542 = arith.index_cast %add3A_1534 : i32 to index
          %get3A_1543 = tpu.vector_load %arg11[%get3A_1542] {strides = array<i32>} : memref<2048xf32, #tpu.memory_space<vmem>>, vector<16xf32>,
          %mul3A_1544 = arith.mulf %get3A_1543, %mul3A_244 : vector<16xf32>
          %add3A_1545 = arith.addf %mul3A_1544, %add3A_1541 : vector<16xf32>
          %get3A_1546 = arith.index_cast %add3A_1534 : i32 to index
          %get3A_1547 = tpu.vector_load %arg12[%get3A_1546] {strides = array<i32>} : memref<2048xf32, #tpu.memory_space<vmem>>, vector<16xf32>,
          %add3A_1548 = arith.addf %add3A_1545, %get3A_1547 : vector<16xf32>
          %add3A_1549 = arith.addf %add3A_1548, %gather3A_232 : vector<16xf32>
          %swap3A_1550 = arith.index_cast %add3A_1534 : i32 to index
          %swap3A_1551 = tpu.vector_load %arg13[%swap3A_1550] {strides = array<i32>} : memref<2048xf32, #tpu.memory_space<vmem>>, vector<16xf32>,
          tpu.vector_store %arg13[%swap3A_1550], %add3A_1549 {strides = array<i32>} : memref<2048xf32, #tpu.memory_space<vmem>>, vector<16xf32>,
          %min3A_1552 = arith.minimumf %max3A_1530, %add3A_1549 : vector<16xf32>
          %max3A_1553 = arith.maximumf %max3A_1529, %min3A_1552 : vector<16xf32>
          %max3A_1554 = arith.maximumf %max3A_1530, %add3A_1549 : vector<16xf32>
          %mul3A_1555 = arith.constant 64 : i32
          %mul3A_1556 = arith.muli %scan3A_1504, %mul3A_1555 : i32
          %add3A_1557 = arith.constant 32 : i32
          %add3A_1558 = arith.addi %mul3A_1556, %add3A_1557 : i32
          %get3A_1559 = arith.index_cast %add3A_1558 : i32 to index
          %get3A_1560 = tpu.vector_load %arg9[%get3A_1559] {strides = array<i32>} : memref<2048xf32, #tpu.memory_space<vmem>>, vector<16xf32>,
          %mul3A_1561 = arith.mulf %get3A_1560, %mul3A_236 : vector<16xf32>
          %get3A_1562 = arith.index_cast %add3A_1558 : i32 to index
          %get3A_1563 = tpu.vector_load %arg10[%get3A_1562] {strides = array<i32>} : memref<2048xf32, #tpu.memory_space<vmem>>, vector<16xf32>,
          %mul3A_1564 = arith.mulf %get3A_1563, %mul3A_240 : vector<16xf32>
          %add3A_1565 = arith.addf %mul3A_1564, %mul3A_1561 : vector<16xf32>
          %get3A_1566 = arith.index_cast %add3A_1558 : i32 to index
          %get3A_1567 = tpu.vector_load %arg11[%get3A_1566] {strides = array<i32>} : memref<2048xf32, #tpu.memory_space<vmem>>, vector<16xf32>,
          %mul3A_1568 = arith.mulf %get3A_1567, %mul3A_244 : vector<16xf32>
          %add3A_1569 = arith.addf %mul3A_1568, %add3A_1565 : vector<16xf32>
          %get3A_1570 = arith.index_cast %add3A_1558 : i32 to index
          %get3A_1571 = tpu.vector_load %arg12[%get3A_1570] {strides = array<i32>} : memref<2048xf32, #tpu.memory_space<vmem>>, vector<16xf32>,
          %add3A_1572 = arith.addf %add3A_1569, %get3A_1571 : vector<16xf32>
          %add3A_1573 = arith.addf %add3A_1572, %gather3A_232 : vector<16xf32>
          %swap3A_1574 = arith.index_cast %add3A_1558 : i32 to index
          %swap3A_1575 = tpu.vector_load %arg13[%swap3A_1574] {strides = array<i32>} : memref<2048xf32, #tpu.memory_space<vmem>>, vector<16xf32>,
          tpu.vector_store %arg13[%swap3A_1574], %add3A_1573 {strides = array<i32>} : memref<2048xf32, #tpu.memory_space<vmem>>, vector<16xf32>,
          %min3A_1576 = arith.minimumf %max3A_1554, %add3A_1573 : vector<16xf32>
          %max3A_1577 = arith.maximumf %max3A_1553, %min3A_1576 : vector<16xf32>
          %max3A_1578 = arith.maximumf %max3A_1554, %add3A_1573 : vector<16xf32>
          %mul3A_1579 = arith.constant 64 : i32
          %mul3A_1580 = arith.muli %scan3A_1504, %mul3A_1579 : i32
          %add3A_1581 = arith.constant 48 : i32
          %add3A_1582 = arith.addi %mul3A_1580, %add3A_1581 : i32
          %get3A_1583 = arith.index_cast %add3A_1582 : i32 to index
          %get3A_1584 = tpu.vector_load %arg9[%get3A_1583] {strides = array<i32>} : memref<2048xf32, #tpu.memory_space<vmem>>, vector<16xf32>,
          %mul3A_1585 = arith.mulf %get3A_1584, %mul3A_236 : vector<16xf32>
          %get3A_1586 = arith.index_cast %add3A_1582 : i32 to index
          %get3A_1587 = tpu.vector_load %arg10[%get3A_1586] {strides = array<i32>} : memref<2048xf32, #tpu.memory_space<vmem>>, vector<16xf32>,
          %mul3A_1588 = arith.mulf %get3A_1587, %mul3A_240 : vector<16xf32>
          %add3A_1589 = arith.addf %mul3A_1588, %mul3A_1585 : vector<16xf32>
          %get3A_1590 = arith.index_cast %add3A_1582 : i32 to index
          %get3A_1591 = tpu.vector_load %arg11[%get3A_1590] {strides = array<i32>} : memref<2048xf32, #tpu.memory_space<vmem>>, vector<16xf32>,
          %mul3A_1592 = arith.mulf %get3A_1591, %mul3A_244 : vector<16xf32>
          %add3A_1593 = arith.addf %mul3A_1592, %add3A_1589 : vector<16xf32>
          %get3A_1594 = arith.index_cast %add3A_1582 : i32 to index
          %get3A_1595 = tpu.vector_load %arg12[%get3A_1594] {strides = array<i32>} : memref<2048xf32, #tpu.memory_space<vmem>>, vector<16xf32>,
          %add3A_1596 = arith.addf %add3A_1593, %get3A_1595 : vector<16xf32>
          %add3A_1597 = arith.addf %add3A_1596, %gather3A_232 : vector<16xf32>
          %swap3A_1598 = arith.index_cast %add3A_1582 : i32 to index
          %swap3A_1599 = tpu.vector_load %arg13[%swap3A_1598] {strides = array<i32>} : memref<2048xf32, #tpu.memory_space<vmem>>, vector<16xf32>,
          tpu.vector_store %arg13[%swap3A_1598], %add3A_1597 {strides = array<i32>} : memref<2048xf32, #tpu.memory_space<vmem>>, vector<16xf32>,
          %min3A_1600 = arith.minimumf %max3A_1578, %add3A_1597 : vector<16xf32>
          %max3A_1601 = arith.maximumf %max3A_1577, %min3A_1600 : vector<16xf32>
          %max3A_1602 = arith.maximumf %max3A_1578, %add3A_1597 : vector<16xf32>
          scf.yield %max3A_1602, %max3A_1601 : vector<16xf32>, vector<16xf32>
        }
        %scan3A_250 = arith.constant 32 : i32
        %sort3A = arith.constant dense<true> : vector<16xi1>
        %sort3A_251, %sort3A_252, %sort3A_253 = tpu.sort %scan3A_249#0, %scan3A_249#0 masked %sort3A : (vector<16xf32>, vector<16xf32>, vector<16xi1>) -> (vector<16xi1>, vector<16xf32>, vector<16xf32>)
        %sort3A_254 = arith.constant dense<true> : vector<16xi1>
        %sort3A_255, %sort3A_256, %sort3A_257 = tpu.sort %scan3A_249#1, %scan3A_249#1 masked %sort3A_254 : (vector<16xf32>, vector<16xf32>, vector<16xi1>) -> (vector<16xi1>, vector<16xf32>, vector<16xf32>)
        %rev3A = arith.constant 15 : i32
        %rev3A_258 = vector.broadcast %rev3A : i32 to vector<16xi32>
        %rev3A_259 = tpu.iota {dimensions = array<i32: 0>} : vector<16xi32>
        %rev3A_260 = arith.subi %rev3A_258, %rev3A_259 : vector<16xi32>
        %rev3A_261 = tpu.dynamic_gather %sort3A_256[%rev3A_260] in [0] : vector<16xf32>, vector<16xi32> -> vector<16xf32>
        %max3A = arith.maximumf %sort3A_252, %rev3A_261 : vector<16xf32>
        %min3A = arith.minimumf %sort3A_252, %rev3A_261 : vector<16xf32>
        %sort3A_262 = arith.constant dense<true> : vector<16xi1>
        %sort3A_263, %sort3A_264, %sort3A_265 = tpu.sort %min3A, %min3A masked %sort3A_262 : (vector<16xf32>, vector<16xf32>, vector<16xi1>) -> (vector<16xi1>, vector<16xf32>, vector<16xf32>)
        %slice3A = vector.extract_strided_slice %sort3A_264 {offsets = [12], sizes = [1], strides = [1]} : vector<16xf32> to vector<1xf32>
        %squeeze3A = vector.extract %slice3A[0] : f32 from vector<1xf32>
        %swap3A_266 = arith.constant 0 : index
        %swap3A_267 = tpu.vector_load %arg14[%swap3A_266] {strides = array<i32>} : memref<64xf32, #tpu.memory_space<vmem>>, vector<16xf32>,
        tpu.vector_store %arg14[%swap3A_266], %add3A_48 {strides = array<i32>} : memref<64xf32, #tpu.memory_space<vmem>>, vector<16xf32>,
        %swap3A_268 = arith.constant 16 : index
        %swap3A_269 = tpu.vector_load %arg14[%swap3A_268] {strides = array<i32>} : memref<64xf32, #tpu.memory_space<vmem>>, vector<16xf32>,
        tpu.vector_store %arg14[%swap3A_268], %add3A_48 {strides = array<i32>} : memref<64xf32, #tpu.memory_space<vmem>>, vector<16xf32>,
        %swap3A_270 = arith.constant 32 : index
        %swap3A_271 = tpu.vector_load %arg14[%swap3A_270] {strides = array<i32>} : memref<64xf32, #tpu.memory_space<vmem>>, vector<16xf32>,
        tpu.vector_store %arg14[%swap3A_270], %add3A_48 {strides = array<i32>} : memref<64xf32, #tpu.memory_space<vmem>>, vector<16xf32>,
        %swap3A_272 = arith.constant 48 : index
        %swap3A_273 = tpu.vector_load %arg14[%swap3A_272] {strides = array<i32>} : memref<64xf32, #tpu.memory_space<vmem>>, vector<16xf32>,
        tpu.vector_store %arg14[%swap3A_272], %add3A_48 {strides = array<i32>} : memref<64xf32, #tpu.memory_space<vmem>>, vector<16xf32>,
        %scan3A_274 = arith.constant 0 : i32
        %scan3A_275 = arith.constant 0 : i32
        %scan3A_276 = arith.constant 64 : i32
        %scan3A_277 = arith.addi %scan3A_275, %scan3A_276 : i32
        %scan3A_278 = arith.constant 1 : i32
        %scan3A_279 = scf.for %scan3A_1504 = %scan3A_275 to %scan3A_277 step %scan3A_278 iter_args(%scan3A_1505 = %scan3A_274) -> (i32)  : i32 {
          %mul3A_1506 = arith.constant 2 : i32
          %mul3A_1507 = arith.muli %scan3A_1504, %mul3A_1506 : i32
          %add3A_1508 = arith.constant 0 : i32
          %add3A_1509 = arith.addi %mul3A_1507, %add3A_1508 : i32
          %mul3A_1510 = arith.constant 16 : i32
          %mul3A_1511 = arith.muli %add3A_1509, %mul3A_1510 : i32
          %get3A_1512 = arith.index_cast %mul3A_1511 : i32 to index
          %get3A_1513 = tpu.vector_load %arg13[%get3A_1512] {strides = array<i32>} : memref<2048xf32, #tpu.memory_space<vmem>>, vector<16xf32>,
          %ge3A = vector.broadcast %squeeze3A : f32 to vector<16xf32>
          %ge3A_1514 = arith.cmpf oge, %get3A_1513, %ge3A : vector<16xf32>
          %swap3A_1515 = arith.index_cast %scan3A_1505 : i32 to index
          %swap3A_1516 = tpu.vector_load %arg14[%swap3A_1515] masked %ge3A_1514 {strides = array<i32>} : memref<64xf32, #tpu.memory_space<vmem>>, vector<16xf32>, vector<16xi1>
          tpu.vector_store %arg14[%swap3A_1515], %get3A_1513 masked %ge3A_1514 {strides = array<i32>} : memref<64xf32, #tpu.memory_space<vmem>>, vector<16xf32>, vector<16xi1>
          %mul3A_1517 = arith.constant 16 : i32
          %mul3A_1518 = arith.muli %add3A_1509, %mul3A_1517 : i32
          %add3A_1519 = vector.broadcast %mul3A_1518 : i32 to vector<16xi32>
          %add3A_1520 = arith.addi %sub3A_42, %add3A_1519 : vector<16xi32>
          %swap3A_1521 = arith.index_cast %scan3A_1505 : i32 to index
          %swap3A_1522 = tpu.vector_load %arg15[%swap3A_1521] masked %ge3A_1514 {strides = array<i32>} : memref<64xi32, #tpu.memory_space<vmem>>, vector<16xi32>, vector<16xi1>
          tpu.vector_store %arg15[%swap3A_1521], %add3A_1520 masked %ge3A_1514 {strides = array<i32>} : memref<64xi32, #tpu.memory_space<vmem>>, vector<16xi32>, vector<16xi1>
          %all_reduce_population_count3A_1523 = tpu.all_reduce %ge3A_1514 {dim = 0 : i64, kind = #tpu.reduction_kind<sum>} : vector<16xi1> -> vector<16xi32>
          %slice3A_1524 = vector.extract_strided_slice %all_reduce_population_count3A_1523 {offsets = [0], sizes = [1], strides = [1]} : vector<16xi32> to vector<1xi32>
          %squeeze3A_1525 = vector.extract %slice3A_1524[0] : i32 from vector<1xi32>
          %add3A_1526 = arith.addi %scan3A_1505, %squeeze3A_1525 : i32
          %min3A_1527 = arith.constant 48 : i32
          %min3A_1528 = arith.minsi %add3A_1526, %min3A_1527 : i32
          %mul3A_1529 = arith.constant 2 : i32
          %mul3A_1530 = arith.muli %scan3A_1504, %mul3A_1529 : i32
          %add3A_1531 = arith.constant 1 : i32
          %add3A_1532 = arith.addi %mul3A_1530, %add3A_1531 : i32
          %mul3A_1533 = arith.constant 16 : i32
          %mul3A_1534 = arith.muli %add3A_1532, %mul3A_1533 : i32
          %get3A_1535 = arith.index_cast %mul3A_1534 : i32 to index
          %get3A_1536 = tpu.vector_load %arg13[%get3A_1535] {strides = array<i32>} : memref<2048xf32, #tpu.memory_space<vmem>>, vector<16xf32>,
          %ge3A_1537 = vector.broadcast %squeeze3A : f32 to vector<16xf32>
          %ge3A_1538 = arith.cmpf oge, %get3A_1536, %ge3A_1537 : vector<16xf32>
          %swap3A_1539 = arith.index_cast %min3A_1528 : i32 to index
          %swap3A_1540 = tpu.vector_load %arg14[%swap3A_1539] masked %ge3A_1538 {strides = array<i32>} : memref<64xf32, #tpu.memory_space<vmem>>, vector<16xf32>, vector<16xi1>
          tpu.vector_store %arg14[%swap3A_1539], %get3A_1536 masked %ge3A_1538 {strides = array<i32>} : memref<64xf32, #tpu.memory_space<vmem>>, vector<16xf32>, vector<16xi1>
          %mul3A_1541 = arith.constant 16 : i32
          %mul3A_1542 = arith.muli %add3A_1532, %mul3A_1541 : i32
          %add3A_1543 = vector.broadcast %mul3A_1542 : i32 to vector<16xi32>
          %add3A_1544 = arith.addi %sub3A_42, %add3A_1543 : vector<16xi32>
          %swap3A_1545 = arith.index_cast %min3A_1528 : i32 to index
          %swap3A_1546 = tpu.vector_load %arg15[%swap3A_1545] masked %ge3A_1538 {strides = array<i32>} : memref<64xi32, #tpu.memory_space<vmem>>, vector<16xi32>, vector<16xi1>
          tpu.vector_store %arg15[%swap3A_1545], %add3A_1544 masked %ge3A_1538 {strides = array<i32>} : memref<64xi32, #tpu.memory_space<vmem>>, vector<16xi32>, vector<16xi1>
          %all_reduce_population_count3A_1547 = tpu.all_reduce %ge3A_1538 {dim = 0 : i64, kind = #tpu.reduction_kind<sum>} : vector<16xi1> -> vector<16xi32>
          %slice3A_1548 = vector.extract_strided_slice %all_reduce_population_count3A_1547 {offsets = [0], sizes = [1], strides = [1]} : vector<16xi32> to vector<1xi32>
          %squeeze3A_1549 = vector.extract %slice3A_1548[0] : i32 from vector<1xi32>
          %add3A_1550 = arith.addi %min3A_1528, %squeeze3A_1549 : i32
          %min3A_1551 = arith.constant 48 : i32
          %min3A_1552 = arith.minsi %add3A_1550, %min3A_1551 : i32
          scf.yield %min3A_1552 : i32
        }
        %scan3A_280 = arith.constant 64 : i32
        %get3A_281 = arith.constant 0 : index
        %get3A_282 = tpu.vector_load %arg14[%get3A_281] {strides = array<i32>} : memref<64xf32, #tpu.memory_space<vmem>>, vector<16xf32>,
        %get3A_283 = arith.constant 16 : index
        %get3A_284 = tpu.vector_load %arg14[%get3A_283] {strides = array<i32>} : memref<64xf32, #tpu.memory_space<vmem>>, vector<16xf32>,
        %get3A_285 = arith.constant 32 : index
        %get3A_286 = tpu.vector_load %arg14[%get3A_285] {strides = array<i32>} : memref<64xf32, #tpu.memory_space<vmem>>, vector<16xf32>,
        %get3A_287 = arith.constant 48 : index
        %get3A_288 = tpu.vector_load %arg14[%get3A_287] {strides = array<i32>} : memref<64xf32, #tpu.memory_space<vmem>>, vector<16xf32>,
        %sort3A_289 = arith.constant dense<true> : vector<16xi1>
        %sort3A_290, %sort3A_291, %sort3A_292 = tpu.sort %get3A_282, %get3A_282 masked %sort3A_289 : (vector<16xf32>, vector<16xf32>, vector<16xi1>) -> (vector<16xi1>, vector<16xf32>, vector<16xf32>)
        %sort3A_293 = arith.constant dense<true> : vector<16xi1>
        %sort3A_294, %sort3A_295, %sort3A_296 = tpu.sort %get3A_284, %get3A_284 masked %sort3A_293 : (vector<16xf32>, vector<16xf32>, vector<16xi1>) -> (vector<16xi1>, vector<16xf32>, vector<16xf32>)
        %sort3A_297 = arith.constant dense<true> : vector<16xi1>
        %sort3A_298, %sort3A_299, %sort3A_300 = tpu.sort %get3A_286, %get3A_286 masked %sort3A_297 : (vector<16xf32>, vector<16xf32>, vector<16xi1>) -> (vector<16xi1>, vector<16xf32>, vector<16xf32>)
        %sort3A_301 = arith.constant dense<true> : vector<16xi1>
        %sort3A_302, %sort3A_303, %sort3A_304 = tpu.sort %get3A_288, %get3A_288 masked %sort3A_301 : (vector<16xf32>, vector<16xf32>, vector<16xi1>) -> (vector<16xi1>, vector<16xf32>, vector<16xf32>)
        %rev3A_305 = arith.constant 15 : i32
        %rev3A_306 = vector.broadcast %rev3A_305 : i32 to vector<16xi32>
        %rev3A_307 = tpu.iota {dimensions = array<i32: 0>} : vector<16xi32>
        %rev3A_308 = arith.subi %rev3A_306, %rev3A_307 : vector<16xi32>
        %rev3A_309 = tpu.dynamic_gather %sort3A_295[%rev3A_308] in [0] : vector<16xf32>, vector<16xi32> -> vector<16xf32>
        %max3A_310 = arith.maximumf %sort3A_291, %rev3A_309 : vector<16xf32>
        %min3A_311 = arith.minimumf %sort3A_291, %rev3A_309 : vector<16xf32>
        %rev3A_312 = arith.constant 15 : i32
        %rev3A_313 = vector.broadcast %rev3A_312 : i32 to vector<16xi32>
        %rev3A_314 = tpu.iota {dimensions = array<i32: 0>} : vector<16xi32>
        %rev3A_315 = arith.subi %rev3A_313, %rev3A_314 : vector<16xi32>
        %rev3A_316 = tpu.dynamic_gather %sort3A_303[%rev3A_315] in [0] : vector<16xf32>, vector<16xi32> -> vector<16xf32>
        %max3A_317 = arith.maximumf %sort3A_299, %rev3A_316 : vector<16xf32>
        %min3A_318 = arith.minimumf %sort3A_299, %rev3A_316 : vector<16xf32>
        %sort3A_319 = arith.constant dense<true> : vector<16xi1>
        %sort3A_320, %sort3A_321, %sort3A_322 = tpu.sort %max3A_310, %max3A_310 masked %sort3A_319 : (vector<16xf32>, vector<16xf32>, vector<16xi1>) -> (vector<16xi1>, vector<16xf32>, vector<16xf32>)
        %sort3A_323 = arith.constant dense<true> : vector<16xi1>
        %sort3A_324, %sort3A_325, %sort3A_326 = tpu.sort %max3A_317, %max3A_317 masked %sort3A_323 : (vector<16xf32>, vector<16xf32>, vector<16xi1>) -> (vector<16xi1>, vector<16xf32>, vector<16xf32>)
        %sort3A_327 = arith.constant dense<true> : vector<16xi1>
        %sort3A_328, %sort3A_329, %sort3A_330 = tpu.sort %min3A_311, %min3A_311 masked %sort3A_327 : (vector<16xf32>, vector<16xf32>, vector<16xi1>) -> (vector<16xi1>, vector<16xf32>, vector<16xf32>)
        %sort3A_331 = arith.constant dense<true> : vector<16xi1>
        %sort3A_332, %sort3A_333, %sort3A_334 = tpu.sort %min3A_318, %min3A_318 masked %sort3A_331 : (vector<16xf32>, vector<16xf32>, vector<16xi1>) -> (vector<16xi1>, vector<16xf32>, vector<16xf32>)
        %rev3A_335 = arith.constant 15 : i32
        %rev3A_336 = vector.broadcast %rev3A_335 : i32 to vector<16xi32>
        %rev3A_337 = tpu.iota {dimensions = array<i32: 0>} : vector<16xi32>
        %rev3A_338 = arith.subi %rev3A_336, %rev3A_337 : vector<16xi32>
        %rev3A_339 = tpu.dynamic_gather %sort3A_325[%rev3A_338] in [0] : vector<16xf32>, vector<16xi32> -> vector<16xf32>
        %max3A_340 = arith.maximumf %sort3A_321, %rev3A_339 : vector<16xf32>
        %min3A_341 = arith.minimumf %sort3A_321, %rev3A_339 : vector<16xf32>
        %rev3A_342 = arith.constant 15 : i32
        %rev3A_343 = vector.broadcast %rev3A_342 : i32 to vector<16xi32>
        %rev3A_344 = tpu.iota {dimensions = array<i32: 0>} : vector<16xi32>
        %rev3A_345 = arith.subi %rev3A_343, %rev3A_344 : vector<16xi32>
        %rev3A_346 = tpu.dynamic_gather %sort3A_333[%rev3A_345] in [0] : vector<16xf32>, vector<16xi32> -> vector<16xf32>
        %max3A_347 = arith.maximumf %sort3A_329, %rev3A_346 : vector<16xf32>
        %min3A_348 = arith.minimumf %sort3A_329, %rev3A_346 : vector<16xf32>
        %sort3A_349 = arith.constant dense<true> : vector<16xi1>
        %sort3A_350, %sort3A_351, %sort3A_352 = tpu.sort %min3A_341, %min3A_341 masked %sort3A_349 : (vector<16xf32>, vector<16xf32>, vector<16xi1>) -> (vector<16xi1>, vector<16xf32>, vector<16xf32>)
        %sort3A_353 = arith.constant dense<true> : vector<16xi1>
        %sort3A_354, %sort3A_355, %sort3A_356 = tpu.sort %max3A_347, %max3A_347 masked %sort3A_353 : (vector<16xf32>, vector<16xf32>, vector<16xi1>) -> (vector<16xi1>, vector<16xf32>, vector<16xf32>)
        %rev3A_357 = arith.constant 15 : i32
        %rev3A_358 = vector.broadcast %rev3A_357 : i32 to vector<16xi32>
        %rev3A_359 = tpu.iota {dimensions = array<i32: 0>} : vector<16xi32>
        %rev3A_360 = arith.subi %rev3A_358, %rev3A_359 : vector<16xi32>
        %rev3A_361 = tpu.dynamic_gather %sort3A_355[%rev3A_360] in [0] : vector<16xf32>, vector<16xi32> -> vector<16xf32>
        %max3A_362 = arith.maximumf %sort3A_351, %rev3A_361 : vector<16xf32>
        %min3A_363 = arith.minimumf %sort3A_351, %rev3A_361 : vector<16xf32>
        %sort3A_364 = arith.constant dense<true> : vector<16xi1>
        %sort3A_365, %sort3A_366, %sort3A_367 = tpu.sort %max3A_362, %max3A_362 masked %sort3A_364 : (vector<16xf32>, vector<16xf32>, vector<16xi1>) -> (vector<16xi1>, vector<16xf32>, vector<16xf32>)
        %slice3A_368 = vector.extract_strided_slice %sort3A_366 {offsets = [12], sizes = [1], strides = [1]} : vector<16xf32> to vector<1xf32>
        %squeeze3A_369 = vector.extract %slice3A_368[0] : f32 from vector<1xf32>
        %gt3A = vector.broadcast %squeeze3A_369 : f32 to vector<16xf32>
        %gt3A_370 = arith.cmpf ogt, %get3A_282, %gt3A : vector<16xf32>
        %gt3A_371 = vector.broadcast %squeeze3A_369 : f32 to vector<16xf32>
        %gt3A_372 = arith.cmpf ogt, %get3A_284, %gt3A_371 : vector<16xf32>
        %gt3A_373 = vector.broadcast %squeeze3A_369 : f32 to vector<16xf32>
        %gt3A_374 = arith.cmpf ogt, %get3A_286, %gt3A_373 : vector<16xf32>
        %gt3A_375 = vector.broadcast %squeeze3A_369 : f32 to vector<16xf32>
        %gt3A_376 = arith.cmpf ogt, %get3A_288, %gt3A_375 : vector<16xf32>
        %eq3A_377 = vector.broadcast %squeeze3A_369 : f32 to vector<16xf32>
        %eq3A_378 = arith.cmpf oeq, %get3A_282, %eq3A_377 : vector<16xf32>
        %eq3A_379 = vector.broadcast %squeeze3A_369 : f32 to vector<16xf32>
        %eq3A_380 = arith.cmpf oeq, %get3A_284, %eq3A_379 : vector<16xf32>
        %eq3A_381 = vector.broadcast %squeeze3A_369 : f32 to vector<16xf32>
        %eq3A_382 = arith.cmpf oeq, %get3A_286, %eq3A_381 : vector<16xf32>
        %eq3A_383 = vector.broadcast %squeeze3A_369 : f32 to vector<16xf32>
        %eq3A_384 = arith.cmpf oeq, %get3A_288, %eq3A_383 : vector<16xf32>
        %all_reduce_population_count3A = tpu.all_reduce %gt3A_370 {dim = 0 : i64, kind = #tpu.reduction_kind<sum>} : vector<16xi1> -> vector<16xi32>
        %all_reduce_population_count3A_385 = tpu.all_reduce %gt3A_372 {dim = 0 : i64, kind = #tpu.reduction_kind<sum>} : vector<16xi1> -> vector<16xi32>
        %add3A_386 = arith.addi %all_reduce_population_count3A, %all_reduce_population_count3A_385 : vector<16xi32>
        %all_reduce_population_count3A_387 = tpu.all_reduce %gt3A_374 {dim = 0 : i64, kind = #tpu.reduction_kind<sum>} : vector<16xi1> -> vector<16xi32>
        %add3A_388 = arith.addi %add3A_386, %all_reduce_population_count3A_387 : vector<16xi32>
        %all_reduce_population_count3A_389 = tpu.all_reduce %gt3A_376 {dim = 0 : i64, kind = #tpu.reduction_kind<sum>} : vector<16xi1> -> vector<16xi32>
        %add3A_390 = arith.addi %add3A_388, %all_reduce_population_count3A_389 : vector<16xi32>
        %sub3A_391 = arith.constant 20 : i32
        %sub3A_392 = vector.broadcast %sub3A_391 : i32 to vector<16xi32>
        %sub3A_393 = arith.subi %sub3A_392, %add3A_390 : vector<16xi32>
        %convert_element_type3A_394 = arith.extui %eq3A_378 : vector<16xi1> to vector<16xi32>
        %broadcast_in_dim3A_395 = arith.constant true
        %broadcast_in_dim3A_396 = vector.broadcast %broadcast_in_dim3A_395 : i1 to vector<16xi1>
        %masked_cumsum3A_397 = tpu.scan <sum>, %convert_element_type3A_394 masked %broadcast_in_dim3A_396 : vector<16xi32>, vector<16xi1> -> vector<16xi32>
        %add3A_398 = arith.addi %masked_cumsum3A_397, %broadcast_in_dim3A : vector<16xi32>
        %le3A = arith.cmpi sle, %add3A_398, %sub3A_393 : vector<16xi32>
        %and3A_399 = arith.andi %eq3A_378, %le3A : vector<16xi1>
        %or3A = arith.ori %gt3A_370, %and3A_399 : vector<16xi1>
        %all_reduce_population_count3A_400 = tpu.all_reduce %eq3A_378 {dim = 0 : i64, kind = #tpu.reduction_kind<sum>} : vector<16xi1> -> vector<16xi32>
        %add3A_401 = arith.addi %broadcast_in_dim3A, %all_reduce_population_count3A_400 : vector<16xi32>
        %convert_element_type3A_402 = arith.extui %eq3A_380 : vector<16xi1> to vector<16xi32>
        %broadcast_in_dim3A_403 = arith.constant true
        %broadcast_in_dim3A_404 = vector.broadcast %broadcast_in_dim3A_403 : i1 to vector<16xi1>
        %masked_cumsum3A_405 = tpu.scan <sum>, %convert_element_type3A_402 masked %broadcast_in_dim3A_404 : vector<16xi32>, vector<16xi1> -> vector<16xi32>
        %add3A_406 = arith.addi %masked_cumsum3A_405, %add3A_401 : vector<16xi32>
        %le3A_407 = arith.cmpi sle, %add3A_406, %sub3A_393 : vector<16xi32>
        %and3A_408 = arith.andi %eq3A_380, %le3A_407 : vector<16xi1>
        %or3A_409 = arith.ori %gt3A_372, %and3A_408 : vector<16xi1>
        %all_reduce_population_count3A_410 = tpu.all_reduce %eq3A_380 {dim = 0 : i64, kind = #tpu.reduction_kind<sum>} : vector<16xi1> -> vector<16xi32>
        %add3A_411 = arith.addi %add3A_401, %all_reduce_population_count3A_410 : vector<16xi32>
        %convert_element_type3A_412 = arith.extui %eq3A_382 : vector<16xi1> to vector<16xi32>
        %broadcast_in_dim3A_413 = arith.constant true
        %broadcast_in_dim3A_414 = vector.broadcast %broadcast_in_dim3A_413 : i1 to vector<16xi1>
        %masked_cumsum3A_415 = tpu.scan <sum>, %convert_element_type3A_412 masked %broadcast_in_dim3A_414 : vector<16xi32>, vector<16xi1> -> vector<16xi32>
        %add3A_416 = arith.addi %masked_cumsum3A_415, %add3A_411 : vector<16xi32>
        %le3A_417 = arith.cmpi sle, %add3A_416, %sub3A_393 : vector<16xi32>
        %and3A_418 = arith.andi %eq3A_382, %le3A_417 : vector<16xi1>
        %or3A_419 = arith.ori %gt3A_374, %and3A_418 : vector<16xi1>
        %all_reduce_population_count3A_420 = tpu.all_reduce %eq3A_382 {dim = 0 : i64, kind = #tpu.reduction_kind<sum>} : vector<16xi1> -> vector<16xi32>
        %add3A_421 = arith.addi %add3A_411, %all_reduce_population_count3A_420 : vector<16xi32>
        %convert_element_type3A_422 = arith.extui %eq3A_384 : vector<16xi1> to vector<16xi32>
        %broadcast_in_dim3A_423 = arith.constant true
        %broadcast_in_dim3A_424 = vector.broadcast %broadcast_in_dim3A_423 : i1 to vector<16xi1>
        %masked_cumsum3A_425 = tpu.scan <sum>, %convert_element_type3A_422 masked %broadcast_in_dim3A_424 : vector<16xi32>, vector<16xi1> -> vector<16xi32>
        %add3A_426 = arith.addi %masked_cumsum3A_425, %add3A_421 : vector<16xi32>
        %le3A_427 = arith.cmpi sle, %add3A_426, %sub3A_393 : vector<16xi32>
        %and3A_428 = arith.andi %eq3A_384, %le3A_427 : vector<16xi1>
        %or3A_429 = arith.ori %gt3A_376, %and3A_428 : vector<16xi1>
        %all_reduce_population_count3A_430 = tpu.all_reduce %eq3A_384 {dim = 0 : i64, kind = #tpu.reduction_kind<sum>} : vector<16xi1> -> vector<16xi32>
        %add3A_431 = arith.addi %add3A_421, %all_reduce_population_count3A_430 : vector<16xi32>
        %swap3A_432 = arith.constant 16 : index
        %swap3A_433 = tpu.vector_load %arg16[%swap3A_432] {strides = array<i32>} : memref<32xi32, #tpu.memory_space<vmem>>, vector<16xi32>,
        tpu.vector_store %arg16[%swap3A_432], %broadcast_in_dim3A {strides = array<i32>} : memref<32xi32, #tpu.memory_space<vmem>>, vector<16xi32>,
        %get3A_434 = arith.constant 0 : index
        %get3A_435 = tpu.vector_load %arg15[%get3A_434] {strides = array<i32>} : memref<64xi32, #tpu.memory_space<vmem>>, vector<16xi32>,
        %swap3A_436 = arith.constant 0 : index
        %swap3A_437 = tpu.vector_load %arg16[%swap3A_436] masked %or3A {strides = array<i32>} : memref<32xi32, #tpu.memory_space<vmem>>, vector<16xi32>, vector<16xi1>
        tpu.vector_store %arg16[%swap3A_436], %get3A_435 masked %or3A {strides = array<i32>} : memref<32xi32, #tpu.memory_space<vmem>>, vector<16xi32>, vector<16xi1>
        %all_reduce_population_count3A_438 = tpu.all_reduce %or3A {dim = 0 : i64, kind = #tpu.reduction_kind<sum>} : vector<16xi1> -> vector<16xi32>
        %slice3A_439 = vector.extract_strided_slice %all_reduce_population_count3A_438 {offsets = [0], sizes = [1], strides = [1]} : vector<16xi32> to vector<1xi32>
        %squeeze3A_440 = vector.extract %slice3A_439[0] : i32 from vector<1xi32>
        %add3A_441 = arith.constant 0 : i32
        %add3A_442 = arith.addi %add3A_441, %squeeze3A_440 : i32
        %get3A_443 = arith.constant 16 : index
        %get3A_444 = tpu.vector_load %arg15[%get3A_443] {strides = array<i32>} : memref<64xi32, #tpu.memory_space<vmem>>, vector<16xi32>,
        %swap3A_445 = arith.index_cast %add3A_442 : i32 to index
        %swap3A_446 = tpu.vector_load %arg16[%swap3A_445] masked %or3A_409 {strides = array<i32>} : memref<32xi32, #tpu.memory_space<vmem>>, vector<16xi32>, vector<16xi1>
        tpu.vector_store %arg16[%swap3A_445], %get3A_444 masked %or3A_409 {strides = array<i32>} : memref<32xi32, #tpu.memory_space<vmem>>, vector<16xi32>, vector<16xi1>
        %all_reduce_population_count3A_447 = tpu.all_reduce %or3A_409 {dim = 0 : i64, kind = #tpu.reduction_kind<sum>} : vector<16xi1> -> vector<16xi32>
        %slice3A_448 = vector.extract_strided_slice %all_reduce_population_count3A_447 {offsets = [0], sizes = [1], strides = [1]} : vector<16xi32> to vector<1xi32>
        %squeeze3A_449 = vector.extract %slice3A_448[0] : i32 from vector<1xi32>
        %add3A_450 = arith.addi %add3A_442, %squeeze3A_449 : i32
        %get3A_451 = arith.constant 32 : index
        %get3A_452 = tpu.vector_load %arg15[%get3A_451] {strides = array<i32>} : memref<64xi32, #tpu.memory_space<vmem>>, vector<16xi32>,
        %swap3A_453 = arith.index_cast %add3A_450 : i32 to index
        %swap3A_454 = tpu.vector_load %arg16[%swap3A_453] masked %or3A_419 {strides = array<i32>} : memref<32xi32, #tpu.memory_space<vmem>>, vector<16xi32>, vector<16xi1>
        tpu.vector_store %arg16[%swap3A_453], %get3A_452 masked %or3A_419 {strides = array<i32>} : memref<32xi32, #tpu.memory_space<vmem>>, vector<16xi32>, vector<16xi1>
        %all_reduce_population_count3A_455 = tpu.all_reduce %or3A_419 {dim = 0 : i64, kind = #tpu.reduction_kind<sum>} : vector<16xi1> -> vector<16xi32>
        %slice3A_456 = vector.extract_strided_slice %all_reduce_population_count3A_455 {offsets = [0], sizes = [1], strides = [1]} : vector<16xi32> to vector<1xi32>
        %squeeze3A_457 = vector.extract %slice3A_456[0] : i32 from vector<1xi32>
        %add3A_458 = arith.addi %add3A_450, %squeeze3A_457 : i32
        %get3A_459 = arith.constant 48 : index
        %get3A_460 = tpu.vector_load %arg15[%get3A_459] {strides = array<i32>} : memref<64xi32, #tpu.memory_space<vmem>>, vector<16xi32>,
        %swap3A_461 = arith.index_cast %add3A_458 : i32 to index
        %swap3A_462 = tpu.vector_load %arg16[%swap3A_461] masked %or3A_429 {strides = array<i32>} : memref<32xi32, #tpu.memory_space<vmem>>, vector<16xi32>, vector<16xi1>
        tpu.vector_store %arg16[%swap3A_461], %get3A_460 masked %or3A_429 {strides = array<i32>} : memref<32xi32, #tpu.memory_space<vmem>>, vector<16xi32>, vector<16xi1>
        %all_reduce_population_count3A_463 = tpu.all_reduce %or3A_429 {dim = 0 : i64, kind = #tpu.reduction_kind<sum>} : vector<16xi1> -> vector<16xi32>
        %slice3A_464 = vector.extract_strided_slice %all_reduce_population_count3A_463 {offsets = [0], sizes = [1], strides = [1]} : vector<16xi32> to vector<1xi32>
        %squeeze3A_465 = vector.extract %slice3A_464[0] : i32 from vector<1xi32>
        %add3A_466 = arith.addi %add3A_458, %squeeze3A_465 : i32
        %get3A_467 = arith.constant 0 : index
        %get3A_468 = tpu.vector_load %arg16[%get3A_467] {strides = array<i32>} : memref<32xi32, #tpu.memory_space<vmem>>, vector<16xi32>,
        %get3A_469 = arith.constant 16 : index
        %get3A_470 = tpu.vector_load %arg16[%get3A_469] {strides = array<i32>} : memref<32xi32, #tpu.memory_space<vmem>>, vector<16xi32>,
        %gather3A_471 = tpu.vector_load_idx %arg6[%get3A_468] : memref<2048xf32, #tpu.memory_space<vmem>>[vector<16xi32>], vector<16xf32>,
        %gather3A_472 = tpu.vector_load_idx %arg7[%get3A_468] : memref<2048xf32, #tpu.memory_space<vmem>>[vector<16xi32>], vector<16xf32>,
        %gather3A_473 = tpu.vector_load_idx %arg8[%get3A_468] : memref<2048xf32, #tpu.memory_space<vmem>>[vector<16xi32>], vector<16xf32>,
        %gather3A_474 = tpu.vector_load_idx %arg6[%get3A_470] : memref<2048xf32, #tpu.memory_space<vmem>>[vector<16xi32>], vector<16xf32>,
        %gather3A_475 = tpu.vector_load_idx %arg7[%get3A_470] : memref<2048xf32, #tpu.memory_space<vmem>>[vector<16xi32>], vector<16xf32>,
        %gather3A_476 = tpu.vector_load_idx %arg8[%get3A_470] : memref<2048xf32, #tpu.memory_space<vmem>>[vector<16xi32>], vector<16xf32>,
        %add3A_477 = arith.constant 0 : i32
        %add3A_478 = vector.broadcast %add3A_477 : i32 to vector<16xi32>
        %add3A_479 = arith.addi %broadcast_in_dim3A, %add3A_478 : vector<16xi32>
        %reshape3A = vector.shape_cast %add3A_479 : vector<16xi32> to vector<16x1xi32>
        %gather3A_480 = vector.shape_cast %reshape3A : vector<16x1xi32> to vector<16xi32>
        %gather3A_481 = tpu.dynamic_gather %gather3A_471[%gather3A_480] in [0] : vector<16xf32>, vector<16xi32> -> vector<16xf32>
        %add3A_482 = arith.constant 0 : i32
        %add3A_483 = vector.broadcast %add3A_482 : i32 to vector<16xi32>
        %add3A_484 = arith.addi %broadcast_in_dim3A, %add3A_483 : vector<16xi32>
        %reshape3A_485 = vector.shape_cast %add3A_484 : vector<16xi32> to vector<16x1xi32>
        %gather3A_486 = vector.shape_cast %reshape3A_485 : vector<16x1xi32> to vector<16xi32>
        %gather3A_487 = tpu.dynamic_gather %gather3A_472[%gather3A_486] in [0] : vector<16xf32>, vector<16xi32> -> vector<16xf32>
        %add3A_488 = arith.constant 0 : i32
        %add3A_489 = vector.broadcast %add3A_488 : i32 to vector<16xi32>
        %add3A_490 = arith.addi %broadcast_in_dim3A, %add3A_489 : vector<16xi32>
        %reshape3A_491 = vector.shape_cast %add3A_490 : vector<16xi32> to vector<16x1xi32>
        %gather3A_492 = vector.shape_cast %reshape3A_491 : vector<16x1xi32> to vector<16xi32>
        %gather3A_493 = tpu.dynamic_gather %gather3A_473[%gather3A_492] in [0] : vector<16xf32>, vector<16xi32> -> vector<16xf32>
        %mul3A_494 = arith.mulf %get3A_79, %gather3A_481 : vector<16xf32>
        %mul3A_495 = arith.mulf %get3A_87, %gather3A_487 : vector<16xf32>
        %add3A_496 = arith.addf %mul3A_494, %mul3A_495 : vector<16xf32>
        %mul3A_497 = arith.mulf %get3A_95, %gather3A_493 : vector<16xf32>
        %add3A_498 = arith.addf %add3A_496, %mul3A_497 : vector<16xf32>
        %mul3A_499 = arith.mulf %get3A_81, %gather3A_481 : vector<16xf32>
        %mul3A_500 = arith.mulf %get3A_89, %gather3A_487 : vector<16xf32>
        %add3A_501 = arith.addf %mul3A_499, %mul3A_500 : vector<16xf32>
        %mul3A_502 = arith.mulf %get3A_97, %gather3A_493 : vector<16xf32>
        %add3A_503 = arith.addf %add3A_501, %mul3A_502 : vector<16xf32>
        %mul3A_504 = arith.mulf %get3A_83, %gather3A_481 : vector<16xf32>
        %mul3A_505 = arith.mulf %get3A_91, %gather3A_487 : vector<16xf32>
        %add3A_506 = arith.addf %mul3A_504, %mul3A_505 : vector<16xf32>
        %mul3A_507 = arith.mulf %get3A_99, %gather3A_493 : vector<16xf32>
        %add3A_508 = arith.addf %add3A_506, %mul3A_507 : vector<16xf32>
        %mul3A_509 = arith.mulf %get3A_85, %gather3A_481 : vector<16xf32>
        %mul3A_510 = arith.mulf %get3A_93, %gather3A_487 : vector<16xf32>
        %add3A_511 = arith.addf %mul3A_509, %mul3A_510 : vector<16xf32>
        %mul3A_512 = arith.mulf %get3A_101, %gather3A_493 : vector<16xf32>
        %add3A_513 = arith.addf %add3A_511, %mul3A_512 : vector<16xf32>
        %add3A_514 = arith.constant 1 : i32
        %add3A_515 = vector.broadcast %add3A_514 : i32 to vector<16xi32>
        %add3A_516 = arith.addi %broadcast_in_dim3A, %add3A_515 : vector<16xi32>
        %reshape3A_517 = vector.shape_cast %add3A_516 : vector<16xi32> to vector<16x1xi32>
        %gather3A_518 = vector.shape_cast %reshape3A_517 : vector<16x1xi32> to vector<16xi32>
        %gather3A_519 = tpu.dynamic_gather %gather3A_471[%gather3A_518] in [0] : vector<16xf32>, vector<16xi32> -> vector<16xf32>
        %add3A_520 = arith.constant 1 : i32
        %add3A_521 = vector.broadcast %add3A_520 : i32 to vector<16xi32>
        %add3A_522 = arith.addi %broadcast_in_dim3A, %add3A_521 : vector<16xi32>
        %reshape3A_523 = vector.shape_cast %add3A_522 : vector<16xi32> to vector<16x1xi32>
        %gather3A_524 = vector.shape_cast %reshape3A_523 : vector<16x1xi32> to vector<16xi32>
        %gather3A_525 = tpu.dynamic_gather %gather3A_472[%gather3A_524] in [0] : vector<16xf32>, vector<16xi32> -> vector<16xf32>
        %add3A_526 = arith.constant 1 : i32
        %add3A_527 = vector.broadcast %add3A_526 : i32 to vector<16xi32>
        %add3A_528 = arith.addi %broadcast_in_dim3A, %add3A_527 : vector<16xi32>
        %reshape3A_529 = vector.shape_cast %add3A_528 : vector<16xi32> to vector<16x1xi32>
        %gather3A_530 = vector.shape_cast %reshape3A_529 : vector<16x1xi32> to vector<16xi32>
        %gather3A_531 = tpu.dynamic_gather %gather3A_473[%gather3A_530] in [0] : vector<16xf32>, vector<16xi32> -> vector<16xf32>
        %mul3A_532 = arith.mulf %get3A_79, %gather3A_519 : vector<16xf32>
        %mul3A_533 = arith.mulf %get3A_87, %gather3A_525 : vector<16xf32>
        %add3A_534 = arith.addf %mul3A_532, %mul3A_533 : vector<16xf32>
        %mul3A_535 = arith.mulf %get3A_95, %gather3A_531 : vector<16xf32>
        %add3A_536 = arith.addf %add3A_534, %mul3A_535 : vector<16xf32>
        %max3A_537 = arith.maximumf %add3A_498, %add3A_536 : vector<16xf32>
        %min3A_538 = arith.minimumf %add3A_498, %add3A_536 : vector<16xf32>
        %mul3A_539 = arith.mulf %get3A_81, %gather3A_519 : vector<16xf32>
        %mul3A_540 = arith.mulf %get3A_89, %gather3A_525 : vector<16xf32>
        %add3A_541 = arith.addf %mul3A_539, %mul3A_540 : vector<16xf32>
        %mul3A_542 = arith.mulf %get3A_97, %gather3A_531 : vector<16xf32>
        %add3A_543 = arith.addf %add3A_541, %mul3A_542 : vector<16xf32>
        %max3A_544 = arith.maximumf %add3A_503, %add3A_543 : vector<16xf32>
        %min3A_545 = arith.minimumf %add3A_503, %add3A_543 : vector<16xf32>
        %mul3A_546 = arith.mulf %get3A_83, %gather3A_519 : vector<16xf32>
        %mul3A_547 = arith.mulf %get3A_91, %gather3A_525 : vector<16xf32>
        %add3A_548 = arith.addf %mul3A_546, %mul3A_547 : vector<16xf32>
        %mul3A_549 = arith.mulf %get3A_99, %gather3A_531 : vector<16xf32>
        %add3A_550 = arith.addf %add3A_548, %mul3A_549 : vector<16xf32>
        %max3A_551 = arith.maximumf %add3A_508, %add3A_550 : vector<16xf32>
        %min3A_552 = arith.minimumf %add3A_508, %add3A_550 : vector<16xf32>
        %mul3A_553 = arith.mulf %get3A_85, %gather3A_519 : vector<16xf32>
        %mul3A_554 = arith.mulf %get3A_93, %gather3A_525 : vector<16xf32>
        %add3A_555 = arith.addf %mul3A_553, %mul3A_554 : vector<16xf32>
        %mul3A_556 = arith.mulf %get3A_101, %gather3A_531 : vector<16xf32>
        %add3A_557 = arith.addf %add3A_555, %mul3A_556 : vector<16xf32>
        %max3A_558 = arith.maximumf %add3A_513, %add3A_557 : vector<16xf32>
        %min3A_559 = arith.minimumf %add3A_513, %add3A_557 : vector<16xf32>
        %add3A_560 = arith.constant 2 : i32
        %add3A_561 = vector.broadcast %add3A_560 : i32 to vector<16xi32>
        %add3A_562 = arith.addi %broadcast_in_dim3A, %add3A_561 : vector<16xi32>
        %reshape3A_563 = vector.shape_cast %add3A_562 : vector<16xi32> to vector<16x1xi32>
        %gather3A_564 = vector.shape_cast %reshape3A_563 : vector<16x1xi32> to vector<16xi32>
        %gather3A_565 = tpu.dynamic_gather %gather3A_471[%gather3A_564] in [0] : vector<16xf32>, vector<16xi32> -> vector<16xf32>
        %add3A_566 = arith.constant 2 : i32
        %add3A_567 = vector.broadcast %add3A_566 : i32 to vector<16xi32>
        %add3A_568 = arith.addi %broadcast_in_dim3A, %add3A_567 : vector<16xi32>
        %reshape3A_569 = vector.shape_cast %add3A_568 : vector<16xi32> to vector<16x1xi32>
        %gather3A_570 = vector.shape_cast %reshape3A_569 : vector<16x1xi32> to vector<16xi32>
        %gather3A_571 = tpu.dynamic_gather %gather3A_472[%gather3A_570] in [0] : vector<16xf32>, vector<16xi32> -> vector<16xf32>
        %add3A_572 = arith.constant 2 : i32
        %add3A_573 = vector.broadcast %add3A_572 : i32 to vector<16xi32>
        %add3A_574 = arith.addi %broadcast_in_dim3A, %add3A_573 : vector<16xi32>
        %reshape3A_575 = vector.shape_cast %add3A_574 : vector<16xi32> to vector<16x1xi32>
        %gather3A_576 = vector.shape_cast %reshape3A_575 : vector<16x1xi32> to vector<16xi32>
        %gather3A_577 = tpu.dynamic_gather %gather3A_473[%gather3A_576] in [0] : vector<16xf32>, vector<16xi32> -> vector<16xf32>
        %mul3A_578 = arith.mulf %get3A_79, %gather3A_565 : vector<16xf32>
        %mul3A_579 = arith.mulf %get3A_87, %gather3A_571 : vector<16xf32>
        %add3A_580 = arith.addf %mul3A_578, %mul3A_579 : vector<16xf32>
        %mul3A_581 = arith.mulf %get3A_95, %gather3A_577 : vector<16xf32>
        %add3A_582 = arith.addf %add3A_580, %mul3A_581 : vector<16xf32>
        %max3A_583 = arith.maximumf %max3A_537, %add3A_582 : vector<16xf32>
        %min3A_584 = arith.minimumf %min3A_538, %add3A_582 : vector<16xf32>
        %mul3A_585 = arith.mulf %get3A_81, %gather3A_565 : vector<16xf32>
        %mul3A_586 = arith.mulf %get3A_89, %gather3A_571 : vector<16xf32>
        %add3A_587 = arith.addf %mul3A_585, %mul3A_586 : vector<16xf32>
        %mul3A_588 = arith.mulf %get3A_97, %gather3A_577 : vector<16xf32>
        %add3A_589 = arith.addf %add3A_587, %mul3A_588 : vector<16xf32>
        %max3A_590 = arith.maximumf %max3A_544, %add3A_589 : vector<16xf32>
        %min3A_591 = arith.minimumf %min3A_545, %add3A_589 : vector<16xf32>
        %mul3A_592 = arith.mulf %get3A_83, %gather3A_565 : vector<16xf32>
        %mul3A_593 = arith.mulf %get3A_91, %gather3A_571 : vector<16xf32>
        %add3A_594 = arith.addf %mul3A_592, %mul3A_593 : vector<16xf32>
        %mul3A_595 = arith.mulf %get3A_99, %gather3A_577 : vector<16xf32>
        %add3A_596 = arith.addf %add3A_594, %mul3A_595 : vector<16xf32>
        %max3A_597 = arith.maximumf %max3A_551, %add3A_596 : vector<16xf32>
        %min3A_598 = arith.minimumf %min3A_552, %add3A_596 : vector<16xf32>
        %mul3A_599 = arith.mulf %get3A_85, %gather3A_565 : vector<16xf32>
        %mul3A_600 = arith.mulf %get3A_93, %gather3A_571 : vector<16xf32>
        %add3A_601 = arith.addf %mul3A_599, %mul3A_600 : vector<16xf32>
        %mul3A_602 = arith.mulf %get3A_101, %gather3A_577 : vector<16xf32>
        %add3A_603 = arith.addf %add3A_601, %mul3A_602 : vector<16xf32>
        %max3A_604 = arith.maximumf %max3A_558, %add3A_603 : vector<16xf32>
        %min3A_605 = arith.minimumf %min3A_559, %add3A_603 : vector<16xf32>
        %add3A_606 = arith.constant 3 : i32
        %add3A_607 = vector.broadcast %add3A_606 : i32 to vector<16xi32>
        %add3A_608 = arith.addi %broadcast_in_dim3A, %add3A_607 : vector<16xi32>
        %reshape3A_609 = vector.shape_cast %add3A_608 : vector<16xi32> to vector<16x1xi32>
        %gather3A_610 = vector.shape_cast %reshape3A_609 : vector<16x1xi32> to vector<16xi32>
        %gather3A_611 = tpu.dynamic_gather %gather3A_471[%gather3A_610] in [0] : vector<16xf32>, vector<16xi32> -> vector<16xf32>
        %add3A_612 = arith.constant 3 : i32
        %add3A_613 = vector.broadcast %add3A_612 : i32 to vector<16xi32>
        %add3A_614 = arith.addi %broadcast_in_dim3A, %add3A_613 : vector<16xi32>
        %reshape3A_615 = vector.shape_cast %add3A_614 : vector<16xi32> to vector<16x1xi32>
        %gather3A_616 = vector.shape_cast %reshape3A_615 : vector<16x1xi32> to vector<16xi32>
        %gather3A_617 = tpu.dynamic_gather %gather3A_472[%gather3A_616] in [0] : vector<16xf32>, vector<16xi32> -> vector<16xf32>
        %add3A_618 = arith.constant 3 : i32
        %add3A_619 = vector.broadcast %add3A_618 : i32 to vector<16xi32>
        %add3A_620 = arith.addi %broadcast_in_dim3A, %add3A_619 : vector<16xi32>
        %reshape3A_621 = vector.shape_cast %add3A_620 : vector<16xi32> to vector<16x1xi32>
        %gather3A_622 = vector.shape_cast %reshape3A_621 : vector<16x1xi32> to vector<16xi32>
        %gather3A_623 = tpu.dynamic_gather %gather3A_473[%gather3A_622] in [0] : vector<16xf32>, vector<16xi32> -> vector<16xf32>
        %mul3A_624 = arith.mulf %get3A_79, %gather3A_611 : vector<16xf32>
        %mul3A_625 = arith.mulf %get3A_87, %gather3A_617 : vector<16xf32>
        %add3A_626 = arith.addf %mul3A_624, %mul3A_625 : vector<16xf32>
        %mul3A_627 = arith.mulf %get3A_95, %gather3A_623 : vector<16xf32>
        %add3A_628 = arith.addf %add3A_626, %mul3A_627 : vector<16xf32>
        %max3A_629 = arith.maximumf %max3A_583, %add3A_628 : vector<16xf32>
        %min3A_630 = arith.minimumf %min3A_584, %add3A_628 : vector<16xf32>
        %mul3A_631 = arith.mulf %get3A_81, %gather3A_611 : vector<16xf32>
        %mul3A_632 = arith.mulf %get3A_89, %gather3A_617 : vector<16xf32>
        %add3A_633 = arith.addf %mul3A_631, %mul3A_632 : vector<16xf32>
        %mul3A_634 = arith.mulf %get3A_97, %gather3A_623 : vector<16xf32>
        %add3A_635 = arith.addf %add3A_633, %mul3A_634 : vector<16xf32>
        %max3A_636 = arith.maximumf %max3A_590, %add3A_635 : vector<16xf32>
        %min3A_637 = arith.minimumf %min3A_591, %add3A_635 : vector<16xf32>
        %mul3A_638 = arith.mulf %get3A_83, %gather3A_611 : vector<16xf32>
        %mul3A_639 = arith.mulf %get3A_91, %gather3A_617 : vector<16xf32>
        %add3A_640 = arith.addf %mul3A_638, %mul3A_639 : vector<16xf32>
        %mul3A_641 = arith.mulf %get3A_99, %gather3A_623 : vector<16xf32>
        %add3A_642 = arith.addf %add3A_640, %mul3A_641 : vector<16xf32>
        %max3A_643 = arith.maximumf %max3A_597, %add3A_642 : vector<16xf32>
        %min3A_644 = arith.minimumf %min3A_598, %add3A_642 : vector<16xf32>
        %mul3A_645 = arith.mulf %get3A_85, %gather3A_611 : vector<16xf32>
        %mul3A_646 = arith.mulf %get3A_93, %gather3A_617 : vector<16xf32>
        %add3A_647 = arith.addf %mul3A_645, %mul3A_646 : vector<16xf32>
        %mul3A_648 = arith.mulf %get3A_101, %gather3A_623 : vector<16xf32>
        %add3A_649 = arith.addf %add3A_647, %mul3A_648 : vector<16xf32>
        %max3A_650 = arith.maximumf %max3A_604, %add3A_649 : vector<16xf32>
        %min3A_651 = arith.minimumf %min3A_605, %add3A_649 : vector<16xf32>
        %add3A_652 = arith.constant 4 : i32
        %add3A_653 = vector.broadcast %add3A_652 : i32 to vector<16xi32>
        %add3A_654 = arith.addi %broadcast_in_dim3A, %add3A_653 : vector<16xi32>
        %reshape3A_655 = vector.shape_cast %add3A_654 : vector<16xi32> to vector<16x1xi32>
        %gather3A_656 = vector.shape_cast %reshape3A_655 : vector<16x1xi32> to vector<16xi32>
        %gather3A_657 = tpu.dynamic_gather %gather3A_471[%gather3A_656] in [0] : vector<16xf32>, vector<16xi32> -> vector<16xf32>
        %add3A_658 = arith.constant 4 : i32
        %add3A_659 = vector.broadcast %add3A_658 : i32 to vector<16xi32>
        %add3A_660 = arith.addi %broadcast_in_dim3A, %add3A_659 : vector<16xi32>
        %reshape3A_661 = vector.shape_cast %add3A_660 : vector<16xi32> to vector<16x1xi32>
        %gather3A_662 = vector.shape_cast %reshape3A_661 : vector<16x1xi32> to vector<16xi32>
        %gather3A_663 = tpu.dynamic_gather %gather3A_472[%gather3A_662] in [0] : vector<16xf32>, vector<16xi32> -> vector<16xf32>
        %add3A_664 = arith.constant 4 : i32
        %add3A_665 = vector.broadcast %add3A_664 : i32 to vector<16xi32>
        %add3A_666 = arith.addi %broadcast_in_dim3A, %add3A_665 : vector<16xi32>
        %reshape3A_667 = vector.shape_cast %add3A_666 : vector<16xi32> to vector<16x1xi32>
        %gather3A_668 = vector.shape_cast %reshape3A_667 : vector<16x1xi32> to vector<16xi32>
        %gather3A_669 = tpu.dynamic_gather %gather3A_473[%gather3A_668] in [0] : vector<16xf32>, vector<16xi32> -> vector<16xf32>
        %mul3A_670 = arith.mulf %get3A_79, %gather3A_657 : vector<16xf32>
        %mul3A_671 = arith.mulf %get3A_87, %gather3A_663 : vector<16xf32>
        %add3A_672 = arith.addf %mul3A_670, %mul3A_671 : vector<16xf32>
        %mul3A_673 = arith.mulf %get3A_95, %gather3A_669 : vector<16xf32>
        %add3A_674 = arith.addf %add3A_672, %mul3A_673 : vector<16xf32>
        %max3A_675 = arith.maximumf %max3A_629, %add3A_674 : vector<16xf32>
        %min3A_676 = arith.minimumf %min3A_630, %add3A_674 : vector<16xf32>
        %mul3A_677 = arith.mulf %get3A_81, %gather3A_657 : vector<16xf32>
        %mul3A_678 = arith.mulf %get3A_89, %gather3A_663 : vector<16xf32>
        %add3A_679 = arith.addf %mul3A_677, %mul3A_678 : vector<16xf32>
        %mul3A_680 = arith.mulf %get3A_97, %gather3A_669 : vector<16xf32>
        %add3A_681 = arith.addf %add3A_679, %mul3A_680 : vector<16xf32>
        %max3A_682 = arith.maximumf %max3A_636, %add3A_681 : vector<16xf32>
        %min3A_683 = arith.minimumf %min3A_637, %add3A_681 : vector<16xf32>
        %mul3A_684 = arith.mulf %get3A_83, %gather3A_657 : vector<16xf32>
        %mul3A_685 = arith.mulf %get3A_91, %gather3A_663 : vector<16xf32>
        %add3A_686 = arith.addf %mul3A_684, %mul3A_685 : vector<16xf32>
        %mul3A_687 = arith.mulf %get3A_99, %gather3A_669 : vector<16xf32>
        %add3A_688 = arith.addf %add3A_686, %mul3A_687 : vector<16xf32>
        %max3A_689 = arith.maximumf %max3A_643, %add3A_688 : vector<16xf32>
        %min3A_690 = arith.minimumf %min3A_644, %add3A_688 : vector<16xf32>
        %mul3A_691 = arith.mulf %get3A_85, %gather3A_657 : vector<16xf32>
        %mul3A_692 = arith.mulf %get3A_93, %gather3A_663 : vector<16xf32>
        %add3A_693 = arith.addf %mul3A_691, %mul3A_692 : vector<16xf32>
        %mul3A_694 = arith.mulf %get3A_101, %gather3A_669 : vector<16xf32>
        %add3A_695 = arith.addf %add3A_693, %mul3A_694 : vector<16xf32>
        %max3A_696 = arith.maximumf %max3A_650, %add3A_695 : vector<16xf32>
        %min3A_697 = arith.minimumf %min3A_651, %add3A_695 : vector<16xf32>
        %add3A_698 = arith.constant 5 : i32
        %add3A_699 = vector.broadcast %add3A_698 : i32 to vector<16xi32>
        %add3A_700 = arith.addi %broadcast_in_dim3A, %add3A_699 : vector<16xi32>
        %reshape3A_701 = vector.shape_cast %add3A_700 : vector<16xi32> to vector<16x1xi32>
        %gather3A_702 = vector.shape_cast %reshape3A_701 : vector<16x1xi32> to vector<16xi32>
        %gather3A_703 = tpu.dynamic_gather %gather3A_471[%gather3A_702] in [0] : vector<16xf32>, vector<16xi32> -> vector<16xf32>
        %add3A_704 = arith.constant 5 : i32
        %add3A_705 = vector.broadcast %add3A_704 : i32 to vector<16xi32>
        %add3A_706 = arith.addi %broadcast_in_dim3A, %add3A_705 : vector<16xi32>
        %reshape3A_707 = vector.shape_cast %add3A_706 : vector<16xi32> to vector<16x1xi32>
        %gather3A_708 = vector.shape_cast %reshape3A_707 : vector<16x1xi32> to vector<16xi32>
        %gather3A_709 = tpu.dynamic_gather %gather3A_472[%gather3A_708] in [0] : vector<16xf32>, vector<16xi32> -> vector<16xf32>
        %add3A_710 = arith.constant 5 : i32
        %add3A_711 = vector.broadcast %add3A_710 : i32 to vector<16xi32>
        %add3A_712 = arith.addi %broadcast_in_dim3A, %add3A_711 : vector<16xi32>
        %reshape3A_713 = vector.shape_cast %add3A_712 : vector<16xi32> to vector<16x1xi32>
        %gather3A_714 = vector.shape_cast %reshape3A_713 : vector<16x1xi32> to vector<16xi32>
        %gather3A_715 = tpu.dynamic_gather %gather3A_473[%gather3A_714] in [0] : vector<16xf32>, vector<16xi32> -> vector<16xf32>
        %mul3A_716 = arith.mulf %get3A_79, %gather3A_703 : vector<16xf32>
        %mul3A_717 = arith.mulf %get3A_87, %gather3A_709 : vector<16xf32>
        %add3A_718 = arith.addf %mul3A_716, %mul3A_717 : vector<16xf32>
        %mul3A_719 = arith.mulf %get3A_95, %gather3A_715 : vector<16xf32>
        %add3A_720 = arith.addf %add3A_718, %mul3A_719 : vector<16xf32>
        %max3A_721 = arith.maximumf %max3A_675, %add3A_720 : vector<16xf32>
        %min3A_722 = arith.minimumf %min3A_676, %add3A_720 : vector<16xf32>
        %mul3A_723 = arith.mulf %get3A_81, %gather3A_703 : vector<16xf32>
        %mul3A_724 = arith.mulf %get3A_89, %gather3A_709 : vector<16xf32>
        %add3A_725 = arith.addf %mul3A_723, %mul3A_724 : vector<16xf32>
        %mul3A_726 = arith.mulf %get3A_97, %gather3A_715 : vector<16xf32>
        %add3A_727 = arith.addf %add3A_725, %mul3A_726 : vector<16xf32>
        %max3A_728 = arith.maximumf %max3A_682, %add3A_727 : vector<16xf32>
        %min3A_729 = arith.minimumf %min3A_683, %add3A_727 : vector<16xf32>
        %mul3A_730 = arith.mulf %get3A_83, %gather3A_703 : vector<16xf32>
        %mul3A_731 = arith.mulf %get3A_91, %gather3A_709 : vector<16xf32>
        %add3A_732 = arith.addf %mul3A_730, %mul3A_731 : vector<16xf32>
        %mul3A_733 = arith.mulf %get3A_99, %gather3A_715 : vector<16xf32>
        %add3A_734 = arith.addf %add3A_732, %mul3A_733 : vector<16xf32>
        %max3A_735 = arith.maximumf %max3A_689, %add3A_734 : vector<16xf32>
        %min3A_736 = arith.minimumf %min3A_690, %add3A_734 : vector<16xf32>
        %mul3A_737 = arith.mulf %get3A_85, %gather3A_703 : vector<16xf32>
        %mul3A_738 = arith.mulf %get3A_93, %gather3A_709 : vector<16xf32>
        %add3A_739 = arith.addf %mul3A_737, %mul3A_738 : vector<16xf32>
        %mul3A_740 = arith.mulf %get3A_101, %gather3A_715 : vector<16xf32>
        %add3A_741 = arith.addf %add3A_739, %mul3A_740 : vector<16xf32>
        %max3A_742 = arith.maximumf %max3A_696, %add3A_741 : vector<16xf32>
        %min3A_743 = arith.minimumf %min3A_697, %add3A_741 : vector<16xf32>
        %add3A_744 = arith.constant 6 : i32
        %add3A_745 = vector.broadcast %add3A_744 : i32 to vector<16xi32>
        %add3A_746 = arith.addi %broadcast_in_dim3A, %add3A_745 : vector<16xi32>
        %reshape3A_747 = vector.shape_cast %add3A_746 : vector<16xi32> to vector<16x1xi32>
        %gather3A_748 = vector.shape_cast %reshape3A_747 : vector<16x1xi32> to vector<16xi32>
        %gather3A_749 = tpu.dynamic_gather %gather3A_471[%gather3A_748] in [0] : vector<16xf32>, vector<16xi32> -> vector<16xf32>
        %add3A_750 = arith.constant 6 : i32
        %add3A_751 = vector.broadcast %add3A_750 : i32 to vector<16xi32>
        %add3A_752 = arith.addi %broadcast_in_dim3A, %add3A_751 : vector<16xi32>
        %reshape3A_753 = vector.shape_cast %add3A_752 : vector<16xi32> to vector<16x1xi32>
        %gather3A_754 = vector.shape_cast %reshape3A_753 : vector<16x1xi32> to vector<16xi32>
        %gather3A_755 = tpu.dynamic_gather %gather3A_472[%gather3A_754] in [0] : vector<16xf32>, vector<16xi32> -> vector<16xf32>
        %add3A_756 = arith.constant 6 : i32
        %add3A_757 = vector.broadcast %add3A_756 : i32 to vector<16xi32>
        %add3A_758 = arith.addi %broadcast_in_dim3A, %add3A_757 : vector<16xi32>
        %reshape3A_759 = vector.shape_cast %add3A_758 : vector<16xi32> to vector<16x1xi32>
        %gather3A_760 = vector.shape_cast %reshape3A_759 : vector<16x1xi32> to vector<16xi32>
        %gather3A_761 = tpu.dynamic_gather %gather3A_473[%gather3A_760] in [0] : vector<16xf32>, vector<16xi32> -> vector<16xf32>
        %mul3A_762 = arith.mulf %get3A_79, %gather3A_749 : vector<16xf32>
        %mul3A_763 = arith.mulf %get3A_87, %gather3A_755 : vector<16xf32>
        %add3A_764 = arith.addf %mul3A_762, %mul3A_763 : vector<16xf32>
        %mul3A_765 = arith.mulf %get3A_95, %gather3A_761 : vector<16xf32>
        %add3A_766 = arith.addf %add3A_764, %mul3A_765 : vector<16xf32>
        %max3A_767 = arith.maximumf %max3A_721, %add3A_766 : vector<16xf32>
        %min3A_768 = arith.minimumf %min3A_722, %add3A_766 : vector<16xf32>
        %mul3A_769 = arith.mulf %get3A_81, %gather3A_749 : vector<16xf32>
        %mul3A_770 = arith.mulf %get3A_89, %gather3A_755 : vector<16xf32>
        %add3A_771 = arith.addf %mul3A_769, %mul3A_770 : vector<16xf32>
        %mul3A_772 = arith.mulf %get3A_97, %gather3A_761 : vector<16xf32>
        %add3A_773 = arith.addf %add3A_771, %mul3A_772 : vector<16xf32>
        %max3A_774 = arith.maximumf %max3A_728, %add3A_773 : vector<16xf32>
        %min3A_775 = arith.minimumf %min3A_729, %add3A_773 : vector<16xf32>
        %mul3A_776 = arith.mulf %get3A_83, %gather3A_749 : vector<16xf32>
        %mul3A_777 = arith.mulf %get3A_91, %gather3A_755 : vector<16xf32>
        %add3A_778 = arith.addf %mul3A_776, %mul3A_777 : vector<16xf32>
        %mul3A_779 = arith.mulf %get3A_99, %gather3A_761 : vector<16xf32>
        %add3A_780 = arith.addf %add3A_778, %mul3A_779 : vector<16xf32>
        %max3A_781 = arith.maximumf %max3A_735, %add3A_780 : vector<16xf32>
        %min3A_782 = arith.minimumf %min3A_736, %add3A_780 : vector<16xf32>
        %mul3A_783 = arith.mulf %get3A_85, %gather3A_749 : vector<16xf32>
        %mul3A_784 = arith.mulf %get3A_93, %gather3A_755 : vector<16xf32>
        %add3A_785 = arith.addf %mul3A_783, %mul3A_784 : vector<16xf32>
        %mul3A_786 = arith.mulf %get3A_101, %gather3A_761 : vector<16xf32>
        %add3A_787 = arith.addf %add3A_785, %mul3A_786 : vector<16xf32>
        %max3A_788 = arith.maximumf %max3A_742, %add3A_787 : vector<16xf32>
        %min3A_789 = arith.minimumf %min3A_743, %add3A_787 : vector<16xf32>
        %add3A_790 = arith.constant 7 : i32
        %add3A_791 = vector.broadcast %add3A_790 : i32 to vector<16xi32>
        %add3A_792 = arith.addi %broadcast_in_dim3A, %add3A_791 : vector<16xi32>
        %reshape3A_793 = vector.shape_cast %add3A_792 : vector<16xi32> to vector<16x1xi32>
        %gather3A_794 = vector.shape_cast %reshape3A_793 : vector<16x1xi32> to vector<16xi32>
        %gather3A_795 = tpu.dynamic_gather %gather3A_471[%gather3A_794] in [0] : vector<16xf32>, vector<16xi32> -> vector<16xf32>
        %add3A_796 = arith.constant 7 : i32
        %add3A_797 = vector.broadcast %add3A_796 : i32 to vector<16xi32>
        %add3A_798 = arith.addi %broadcast_in_dim3A, %add3A_797 : vector<16xi32>
        %reshape3A_799 = vector.shape_cast %add3A_798 : vector<16xi32> to vector<16x1xi32>
        %gather3A_800 = vector.shape_cast %reshape3A_799 : vector<16x1xi32> to vector<16xi32>
        %gather3A_801 = tpu.dynamic_gather %gather3A_472[%gather3A_800] in [0] : vector<16xf32>, vector<16xi32> -> vector<16xf32>
        %add3A_802 = arith.constant 7 : i32
        %add3A_803 = vector.broadcast %add3A_802 : i32 to vector<16xi32>
        %add3A_804 = arith.addi %broadcast_in_dim3A, %add3A_803 : vector<16xi32>
        %reshape3A_805 = vector.shape_cast %add3A_804 : vector<16xi32> to vector<16x1xi32>
        %gather3A_806 = vector.shape_cast %reshape3A_805 : vector<16x1xi32> to vector<16xi32>
        %gather3A_807 = tpu.dynamic_gather %gather3A_473[%gather3A_806] in [0] : vector<16xf32>, vector<16xi32> -> vector<16xf32>
        %mul3A_808 = arith.mulf %get3A_79, %gather3A_795 : vector<16xf32>
        %mul3A_809 = arith.mulf %get3A_87, %gather3A_801 : vector<16xf32>
        %add3A_810 = arith.addf %mul3A_808, %mul3A_809 : vector<16xf32>
        %mul3A_811 = arith.mulf %get3A_95, %gather3A_807 : vector<16xf32>
        %add3A_812 = arith.addf %add3A_810, %mul3A_811 : vector<16xf32>
        %max3A_813 = arith.maximumf %max3A_767, %add3A_812 : vector<16xf32>
        %min3A_814 = arith.minimumf %min3A_768, %add3A_812 : vector<16xf32>
        %mul3A_815 = arith.mulf %get3A_81, %gather3A_795 : vector<16xf32>
        %mul3A_816 = arith.mulf %get3A_89, %gather3A_801 : vector<16xf32>
        %add3A_817 = arith.addf %mul3A_815, %mul3A_816 : vector<16xf32>
        %mul3A_818 = arith.mulf %get3A_97, %gather3A_807 : vector<16xf32>
        %add3A_819 = arith.addf %add3A_817, %mul3A_818 : vector<16xf32>
        %max3A_820 = arith.maximumf %max3A_774, %add3A_819 : vector<16xf32>
        %min3A_821 = arith.minimumf %min3A_775, %add3A_819 : vector<16xf32>
        %mul3A_822 = arith.mulf %get3A_83, %gather3A_795 : vector<16xf32>
        %mul3A_823 = arith.mulf %get3A_91, %gather3A_801 : vector<16xf32>
        %add3A_824 = arith.addf %mul3A_822, %mul3A_823 : vector<16xf32>
        %mul3A_825 = arith.mulf %get3A_99, %gather3A_807 : vector<16xf32>
        %add3A_826 = arith.addf %add3A_824, %mul3A_825 : vector<16xf32>
        %max3A_827 = arith.maximumf %max3A_781, %add3A_826 : vector<16xf32>
        %min3A_828 = arith.minimumf %min3A_782, %add3A_826 : vector<16xf32>
        %mul3A_829 = arith.mulf %get3A_85, %gather3A_795 : vector<16xf32>
        %mul3A_830 = arith.mulf %get3A_93, %gather3A_801 : vector<16xf32>
        %add3A_831 = arith.addf %mul3A_829, %mul3A_830 : vector<16xf32>
        %mul3A_832 = arith.mulf %get3A_101, %gather3A_807 : vector<16xf32>
        %add3A_833 = arith.addf %add3A_831, %mul3A_832 : vector<16xf32>
        %max3A_834 = arith.maximumf %max3A_788, %add3A_833 : vector<16xf32>
        %min3A_835 = arith.minimumf %min3A_789, %add3A_833 : vector<16xf32>
        %add3A_836 = arith.constant 8 : i32
        %add3A_837 = vector.broadcast %add3A_836 : i32 to vector<16xi32>
        %add3A_838 = arith.addi %broadcast_in_dim3A, %add3A_837 : vector<16xi32>
        %reshape3A_839 = vector.shape_cast %add3A_838 : vector<16xi32> to vector<16x1xi32>
        %gather3A_840 = vector.shape_cast %reshape3A_839 : vector<16x1xi32> to vector<16xi32>
        %gather3A_841 = tpu.dynamic_gather %gather3A_471[%gather3A_840] in [0] : vector<16xf32>, vector<16xi32> -> vector<16xf32>
        %add3A_842 = arith.constant 8 : i32
        %add3A_843 = vector.broadcast %add3A_842 : i32 to vector<16xi32>
        %add3A_844 = arith.addi %broadcast_in_dim3A, %add3A_843 : vector<16xi32>
        %reshape3A_845 = vector.shape_cast %add3A_844 : vector<16xi32> to vector<16x1xi32>
        %gather3A_846 = vector.shape_cast %reshape3A_845 : vector<16x1xi32> to vector<16xi32>
        %gather3A_847 = tpu.dynamic_gather %gather3A_472[%gather3A_846] in [0] : vector<16xf32>, vector<16xi32> -> vector<16xf32>
        %add3A_848 = arith.constant 8 : i32
        %add3A_849 = vector.broadcast %add3A_848 : i32 to vector<16xi32>
        %add3A_850 = arith.addi %broadcast_in_dim3A, %add3A_849 : vector<16xi32>
        %reshape3A_851 = vector.shape_cast %add3A_850 : vector<16xi32> to vector<16x1xi32>
        %gather3A_852 = vector.shape_cast %reshape3A_851 : vector<16x1xi32> to vector<16xi32>
        %gather3A_853 = tpu.dynamic_gather %gather3A_473[%gather3A_852] in [0] : vector<16xf32>, vector<16xi32> -> vector<16xf32>
        %mul3A_854 = arith.mulf %get3A_79, %gather3A_841 : vector<16xf32>
        %mul3A_855 = arith.mulf %get3A_87, %gather3A_847 : vector<16xf32>
        %add3A_856 = arith.addf %mul3A_854, %mul3A_855 : vector<16xf32>
        %mul3A_857 = arith.mulf %get3A_95, %gather3A_853 : vector<16xf32>
        %add3A_858 = arith.addf %add3A_856, %mul3A_857 : vector<16xf32>
        %max3A_859 = arith.maximumf %max3A_813, %add3A_858 : vector<16xf32>
        %min3A_860 = arith.minimumf %min3A_814, %add3A_858 : vector<16xf32>
        %mul3A_861 = arith.mulf %get3A_81, %gather3A_841 : vector<16xf32>
        %mul3A_862 = arith.mulf %get3A_89, %gather3A_847 : vector<16xf32>
        %add3A_863 = arith.addf %mul3A_861, %mul3A_862 : vector<16xf32>
        %mul3A_864 = arith.mulf %get3A_97, %gather3A_853 : vector<16xf32>
        %add3A_865 = arith.addf %add3A_863, %mul3A_864 : vector<16xf32>
        %max3A_866 = arith.maximumf %max3A_820, %add3A_865 : vector<16xf32>
        %min3A_867 = arith.minimumf %min3A_821, %add3A_865 : vector<16xf32>
        %mul3A_868 = arith.mulf %get3A_83, %gather3A_841 : vector<16xf32>
        %mul3A_869 = arith.mulf %get3A_91, %gather3A_847 : vector<16xf32>
        %add3A_870 = arith.addf %mul3A_868, %mul3A_869 : vector<16xf32>
        %mul3A_871 = arith.mulf %get3A_99, %gather3A_853 : vector<16xf32>
        %add3A_872 = arith.addf %add3A_870, %mul3A_871 : vector<16xf32>
        %max3A_873 = arith.maximumf %max3A_827, %add3A_872 : vector<16xf32>
        %min3A_874 = arith.minimumf %min3A_828, %add3A_872 : vector<16xf32>
        %mul3A_875 = arith.mulf %get3A_85, %gather3A_841 : vector<16xf32>
        %mul3A_876 = arith.mulf %get3A_93, %gather3A_847 : vector<16xf32>
        %add3A_877 = arith.addf %mul3A_875, %mul3A_876 : vector<16xf32>
        %mul3A_878 = arith.mulf %get3A_101, %gather3A_853 : vector<16xf32>
        %add3A_879 = arith.addf %add3A_877, %mul3A_878 : vector<16xf32>
        %max3A_880 = arith.maximumf %max3A_834, %add3A_879 : vector<16xf32>
        %min3A_881 = arith.minimumf %min3A_835, %add3A_879 : vector<16xf32>
        %add3A_882 = arith.constant 9 : i32
        %add3A_883 = vector.broadcast %add3A_882 : i32 to vector<16xi32>
        %add3A_884 = arith.addi %broadcast_in_dim3A, %add3A_883 : vector<16xi32>
        %reshape3A_885 = vector.shape_cast %add3A_884 : vector<16xi32> to vector<16x1xi32>
        %gather3A_886 = vector.shape_cast %reshape3A_885 : vector<16x1xi32> to vector<16xi32>
        %gather3A_887 = tpu.dynamic_gather %gather3A_471[%gather3A_886] in [0] : vector<16xf32>, vector<16xi32> -> vector<16xf32>
        %add3A_888 = arith.constant 9 : i32
        %add3A_889 = vector.broadcast %add3A_888 : i32 to vector<16xi32>
        %add3A_890 = arith.addi %broadcast_in_dim3A, %add3A_889 : vector<16xi32>
        %reshape3A_891 = vector.shape_cast %add3A_890 : vector<16xi32> to vector<16x1xi32>
        %gather3A_892 = vector.shape_cast %reshape3A_891 : vector<16x1xi32> to vector<16xi32>
        %gather3A_893 = tpu.dynamic_gather %gather3A_472[%gather3A_892] in [0] : vector<16xf32>, vector<16xi32> -> vector<16xf32>
        %add3A_894 = arith.constant 9 : i32
        %add3A_895 = vector.broadcast %add3A_894 : i32 to vector<16xi32>
        %add3A_896 = arith.addi %broadcast_in_dim3A, %add3A_895 : vector<16xi32>
        %reshape3A_897 = vector.shape_cast %add3A_896 : vector<16xi32> to vector<16x1xi32>
        %gather3A_898 = vector.shape_cast %reshape3A_897 : vector<16x1xi32> to vector<16xi32>
        %gather3A_899 = tpu.dynamic_gather %gather3A_473[%gather3A_898] in [0] : vector<16xf32>, vector<16xi32> -> vector<16xf32>
        %mul3A_900 = arith.mulf %get3A_79, %gather3A_887 : vector<16xf32>
        %mul3A_901 = arith.mulf %get3A_87, %gather3A_893 : vector<16xf32>
        %add3A_902 = arith.addf %mul3A_900, %mul3A_901 : vector<16xf32>
        %mul3A_903 = arith.mulf %get3A_95, %gather3A_899 : vector<16xf32>
        %add3A_904 = arith.addf %add3A_902, %mul3A_903 : vector<16xf32>
        %max3A_905 = arith.maximumf %max3A_859, %add3A_904 : vector<16xf32>
        %min3A_906 = arith.minimumf %min3A_860, %add3A_904 : vector<16xf32>
        %mul3A_907 = arith.mulf %get3A_81, %gather3A_887 : vector<16xf32>
        %mul3A_908 = arith.mulf %get3A_89, %gather3A_893 : vector<16xf32>
        %add3A_909 = arith.addf %mul3A_907, %mul3A_908 : vector<16xf32>
        %mul3A_910 = arith.mulf %get3A_97, %gather3A_899 : vector<16xf32>
        %add3A_911 = arith.addf %add3A_909, %mul3A_910 : vector<16xf32>
        %max3A_912 = arith.maximumf %max3A_866, %add3A_911 : vector<16xf32>
        %min3A_913 = arith.minimumf %min3A_867, %add3A_911 : vector<16xf32>
        %mul3A_914 = arith.mulf %get3A_83, %gather3A_887 : vector<16xf32>
        %mul3A_915 = arith.mulf %get3A_91, %gather3A_893 : vector<16xf32>
        %add3A_916 = arith.addf %mul3A_914, %mul3A_915 : vector<16xf32>
        %mul3A_917 = arith.mulf %get3A_99, %gather3A_899 : vector<16xf32>
        %add3A_918 = arith.addf %add3A_916, %mul3A_917 : vector<16xf32>
        %max3A_919 = arith.maximumf %max3A_873, %add3A_918 : vector<16xf32>
        %min3A_920 = arith.minimumf %min3A_874, %add3A_918 : vector<16xf32>
        %mul3A_921 = arith.mulf %get3A_85, %gather3A_887 : vector<16xf32>
        %mul3A_922 = arith.mulf %get3A_93, %gather3A_893 : vector<16xf32>
        %add3A_923 = arith.addf %mul3A_921, %mul3A_922 : vector<16xf32>
        %mul3A_924 = arith.mulf %get3A_101, %gather3A_899 : vector<16xf32>
        %add3A_925 = arith.addf %add3A_923, %mul3A_924 : vector<16xf32>
        %max3A_926 = arith.maximumf %max3A_880, %add3A_925 : vector<16xf32>
        %min3A_927 = arith.minimumf %min3A_881, %add3A_925 : vector<16xf32>
        %add3A_928 = arith.constant 10 : i32
        %add3A_929 = vector.broadcast %add3A_928 : i32 to vector<16xi32>
        %add3A_930 = arith.addi %broadcast_in_dim3A, %add3A_929 : vector<16xi32>
        %reshape3A_931 = vector.shape_cast %add3A_930 : vector<16xi32> to vector<16x1xi32>
        %gather3A_932 = vector.shape_cast %reshape3A_931 : vector<16x1xi32> to vector<16xi32>
        %gather3A_933 = tpu.dynamic_gather %gather3A_471[%gather3A_932] in [0] : vector<16xf32>, vector<16xi32> -> vector<16xf32>
        %add3A_934 = arith.constant 10 : i32
        %add3A_935 = vector.broadcast %add3A_934 : i32 to vector<16xi32>
        %add3A_936 = arith.addi %broadcast_in_dim3A, %add3A_935 : vector<16xi32>
        %reshape3A_937 = vector.shape_cast %add3A_936 : vector<16xi32> to vector<16x1xi32>
        %gather3A_938 = vector.shape_cast %reshape3A_937 : vector<16x1xi32> to vector<16xi32>
        %gather3A_939 = tpu.dynamic_gather %gather3A_472[%gather3A_938] in [0] : vector<16xf32>, vector<16xi32> -> vector<16xf32>
        %add3A_940 = arith.constant 10 : i32
        %add3A_941 = vector.broadcast %add3A_940 : i32 to vector<16xi32>
        %add3A_942 = arith.addi %broadcast_in_dim3A, %add3A_941 : vector<16xi32>
        %reshape3A_943 = vector.shape_cast %add3A_942 : vector<16xi32> to vector<16x1xi32>
        %gather3A_944 = vector.shape_cast %reshape3A_943 : vector<16x1xi32> to vector<16xi32>
        %gather3A_945 = tpu.dynamic_gather %gather3A_473[%gather3A_944] in [0] : vector<16xf32>, vector<16xi32> -> vector<16xf32>
        %mul3A_946 = arith.mulf %get3A_79, %gather3A_933 : vector<16xf32>
        %mul3A_947 = arith.mulf %get3A_87, %gather3A_939 : vector<16xf32>
        %add3A_948 = arith.addf %mul3A_946, %mul3A_947 : vector<16xf32>
        %mul3A_949 = arith.mulf %get3A_95, %gather3A_945 : vector<16xf32>
        %add3A_950 = arith.addf %add3A_948, %mul3A_949 : vector<16xf32>
        %max3A_951 = arith.maximumf %max3A_905, %add3A_950 : vector<16xf32>
        %min3A_952 = arith.minimumf %min3A_906, %add3A_950 : vector<16xf32>
        %mul3A_953 = arith.mulf %get3A_81, %gather3A_933 : vector<16xf32>
        %mul3A_954 = arith.mulf %get3A_89, %gather3A_939 : vector<16xf32>
        %add3A_955 = arith.addf %mul3A_953, %mul3A_954 : vector<16xf32>
        %mul3A_956 = arith.mulf %get3A_97, %gather3A_945 : vector<16xf32>
        %add3A_957 = arith.addf %add3A_955, %mul3A_956 : vector<16xf32>
        %max3A_958 = arith.maximumf %max3A_912, %add3A_957 : vector<16xf32>
        %min3A_959 = arith.minimumf %min3A_913, %add3A_957 : vector<16xf32>
        %mul3A_960 = arith.mulf %get3A_83, %gather3A_933 : vector<16xf32>
        %mul3A_961 = arith.mulf %get3A_91, %gather3A_939 : vector<16xf32>
        %add3A_962 = arith.addf %mul3A_960, %mul3A_961 : vector<16xf32>
        %mul3A_963 = arith.mulf %get3A_99, %gather3A_945 : vector<16xf32>
        %add3A_964 = arith.addf %add3A_962, %mul3A_963 : vector<16xf32>
        %max3A_965 = arith.maximumf %max3A_919, %add3A_964 : vector<16xf32>
        %min3A_966 = arith.minimumf %min3A_920, %add3A_964 : vector<16xf32>
        %mul3A_967 = arith.mulf %get3A_85, %gather3A_933 : vector<16xf32>
        %mul3A_968 = arith.mulf %get3A_93, %gather3A_939 : vector<16xf32>
        %add3A_969 = arith.addf %mul3A_967, %mul3A_968 : vector<16xf32>
        %mul3A_970 = arith.mulf %get3A_101, %gather3A_945 : vector<16xf32>
        %add3A_971 = arith.addf %add3A_969, %mul3A_970 : vector<16xf32>
        %max3A_972 = arith.maximumf %max3A_926, %add3A_971 : vector<16xf32>
        %min3A_973 = arith.minimumf %min3A_927, %add3A_971 : vector<16xf32>
        %add3A_974 = arith.constant 11 : i32
        %add3A_975 = vector.broadcast %add3A_974 : i32 to vector<16xi32>
        %add3A_976 = arith.addi %broadcast_in_dim3A, %add3A_975 : vector<16xi32>
        %reshape3A_977 = vector.shape_cast %add3A_976 : vector<16xi32> to vector<16x1xi32>
        %gather3A_978 = vector.shape_cast %reshape3A_977 : vector<16x1xi32> to vector<16xi32>
        %gather3A_979 = tpu.dynamic_gather %gather3A_471[%gather3A_978] in [0] : vector<16xf32>, vector<16xi32> -> vector<16xf32>
        %add3A_980 = arith.constant 11 : i32
        %add3A_981 = vector.broadcast %add3A_980 : i32 to vector<16xi32>
        %add3A_982 = arith.addi %broadcast_in_dim3A, %add3A_981 : vector<16xi32>
        %reshape3A_983 = vector.shape_cast %add3A_982 : vector<16xi32> to vector<16x1xi32>
        %gather3A_984 = vector.shape_cast %reshape3A_983 : vector<16x1xi32> to vector<16xi32>
        %gather3A_985 = tpu.dynamic_gather %gather3A_472[%gather3A_984] in [0] : vector<16xf32>, vector<16xi32> -> vector<16xf32>
        %add3A_986 = arith.constant 11 : i32
        %add3A_987 = vector.broadcast %add3A_986 : i32 to vector<16xi32>
        %add3A_988 = arith.addi %broadcast_in_dim3A, %add3A_987 : vector<16xi32>
        %reshape3A_989 = vector.shape_cast %add3A_988 : vector<16xi32> to vector<16x1xi32>
        %gather3A_990 = vector.shape_cast %reshape3A_989 : vector<16x1xi32> to vector<16xi32>
        %gather3A_991 = tpu.dynamic_gather %gather3A_473[%gather3A_990] in [0] : vector<16xf32>, vector<16xi32> -> vector<16xf32>
        %mul3A_992 = arith.mulf %get3A_79, %gather3A_979 : vector<16xf32>
        %mul3A_993 = arith.mulf %get3A_87, %gather3A_985 : vector<16xf32>
        %add3A_994 = arith.addf %mul3A_992, %mul3A_993 : vector<16xf32>
        %mul3A_995 = arith.mulf %get3A_95, %gather3A_991 : vector<16xf32>
        %add3A_996 = arith.addf %add3A_994, %mul3A_995 : vector<16xf32>
        %max3A_997 = arith.maximumf %max3A_951, %add3A_996 : vector<16xf32>
        %min3A_998 = arith.minimumf %min3A_952, %add3A_996 : vector<16xf32>
        %mul3A_999 = arith.mulf %get3A_81, %gather3A_979 : vector<16xf32>
        %mul3A_1000 = arith.mulf %get3A_89, %gather3A_985 : vector<16xf32>
        %add3A_1001 = arith.addf %mul3A_999, %mul3A_1000 : vector<16xf32>
        %mul3A_1002 = arith.mulf %get3A_97, %gather3A_991 : vector<16xf32>
        %add3A_1003 = arith.addf %add3A_1001, %mul3A_1002 : vector<16xf32>
        %max3A_1004 = arith.maximumf %max3A_958, %add3A_1003 : vector<16xf32>
        %min3A_1005 = arith.minimumf %min3A_959, %add3A_1003 : vector<16xf32>
        %mul3A_1006 = arith.mulf %get3A_83, %gather3A_979 : vector<16xf32>
        %mul3A_1007 = arith.mulf %get3A_91, %gather3A_985 : vector<16xf32>
        %add3A_1008 = arith.addf %mul3A_1006, %mul3A_1007 : vector<16xf32>
        %mul3A_1009 = arith.mulf %get3A_99, %gather3A_991 : vector<16xf32>
        %add3A_1010 = arith.addf %add3A_1008, %mul3A_1009 : vector<16xf32>
        %max3A_1011 = arith.maximumf %max3A_965, %add3A_1010 : vector<16xf32>
        %min3A_1012 = arith.minimumf %min3A_966, %add3A_1010 : vector<16xf32>
        %mul3A_1013 = arith.mulf %get3A_85, %gather3A_979 : vector<16xf32>
        %mul3A_1014 = arith.mulf %get3A_93, %gather3A_985 : vector<16xf32>
        %add3A_1015 = arith.addf %mul3A_1013, %mul3A_1014 : vector<16xf32>
        %mul3A_1016 = arith.mulf %get3A_101, %gather3A_991 : vector<16xf32>
        %add3A_1017 = arith.addf %add3A_1015, %mul3A_1016 : vector<16xf32>
        %max3A_1018 = arith.maximumf %max3A_972, %add3A_1017 : vector<16xf32>
        %min3A_1019 = arith.minimumf %min3A_973, %add3A_1017 : vector<16xf32>
        %add3A_1020 = arith.constant 12 : i32
        %add3A_1021 = vector.broadcast %add3A_1020 : i32 to vector<16xi32>
        %add3A_1022 = arith.addi %broadcast_in_dim3A, %add3A_1021 : vector<16xi32>
        %reshape3A_1023 = vector.shape_cast %add3A_1022 : vector<16xi32> to vector<16x1xi32>
        %gather3A_1024 = vector.shape_cast %reshape3A_1023 : vector<16x1xi32> to vector<16xi32>
        %gather3A_1025 = tpu.dynamic_gather %gather3A_471[%gather3A_1024] in [0] : vector<16xf32>, vector<16xi32> -> vector<16xf32>
        %add3A_1026 = arith.constant 12 : i32
        %add3A_1027 = vector.broadcast %add3A_1026 : i32 to vector<16xi32>
        %add3A_1028 = arith.addi %broadcast_in_dim3A, %add3A_1027 : vector<16xi32>
        %reshape3A_1029 = vector.shape_cast %add3A_1028 : vector<16xi32> to vector<16x1xi32>
        %gather3A_1030 = vector.shape_cast %reshape3A_1029 : vector<16x1xi32> to vector<16xi32>
        %gather3A_1031 = tpu.dynamic_gather %gather3A_472[%gather3A_1030] in [0] : vector<16xf32>, vector<16xi32> -> vector<16xf32>
        %add3A_1032 = arith.constant 12 : i32
        %add3A_1033 = vector.broadcast %add3A_1032 : i32 to vector<16xi32>
        %add3A_1034 = arith.addi %broadcast_in_dim3A, %add3A_1033 : vector<16xi32>
        %reshape3A_1035 = vector.shape_cast %add3A_1034 : vector<16xi32> to vector<16x1xi32>
        %gather3A_1036 = vector.shape_cast %reshape3A_1035 : vector<16x1xi32> to vector<16xi32>
        %gather3A_1037 = tpu.dynamic_gather %gather3A_473[%gather3A_1036] in [0] : vector<16xf32>, vector<16xi32> -> vector<16xf32>
        %mul3A_1038 = arith.mulf %get3A_79, %gather3A_1025 : vector<16xf32>
        %mul3A_1039 = arith.mulf %get3A_87, %gather3A_1031 : vector<16xf32>
        %add3A_1040 = arith.addf %mul3A_1038, %mul3A_1039 : vector<16xf32>
        %mul3A_1041 = arith.mulf %get3A_95, %gather3A_1037 : vector<16xf32>
        %add3A_1042 = arith.addf %add3A_1040, %mul3A_1041 : vector<16xf32>
        %max3A_1043 = arith.maximumf %max3A_997, %add3A_1042 : vector<16xf32>
        %min3A_1044 = arith.minimumf %min3A_998, %add3A_1042 : vector<16xf32>
        %mul3A_1045 = arith.mulf %get3A_81, %gather3A_1025 : vector<16xf32>
        %mul3A_1046 = arith.mulf %get3A_89, %gather3A_1031 : vector<16xf32>
        %add3A_1047 = arith.addf %mul3A_1045, %mul3A_1046 : vector<16xf32>
        %mul3A_1048 = arith.mulf %get3A_97, %gather3A_1037 : vector<16xf32>
        %add3A_1049 = arith.addf %add3A_1047, %mul3A_1048 : vector<16xf32>
        %max3A_1050 = arith.maximumf %max3A_1004, %add3A_1049 : vector<16xf32>
        %min3A_1051 = arith.minimumf %min3A_1005, %add3A_1049 : vector<16xf32>
        %mul3A_1052 = arith.mulf %get3A_83, %gather3A_1025 : vector<16xf32>
        %mul3A_1053 = arith.mulf %get3A_91, %gather3A_1031 : vector<16xf32>
        %add3A_1054 = arith.addf %mul3A_1052, %mul3A_1053 : vector<16xf32>
        %mul3A_1055 = arith.mulf %get3A_99, %gather3A_1037 : vector<16xf32>
        %add3A_1056 = arith.addf %add3A_1054, %mul3A_1055 : vector<16xf32>
        %max3A_1057 = arith.maximumf %max3A_1011, %add3A_1056 : vector<16xf32>
        %min3A_1058 = arith.minimumf %min3A_1012, %add3A_1056 : vector<16xf32>
        %mul3A_1059 = arith.mulf %get3A_85, %gather3A_1025 : vector<16xf32>
        %mul3A_1060 = arith.mulf %get3A_93, %gather3A_1031 : vector<16xf32>
        %add3A_1061 = arith.addf %mul3A_1059, %mul3A_1060 : vector<16xf32>
        %mul3A_1062 = arith.mulf %get3A_101, %gather3A_1037 : vector<16xf32>
        %add3A_1063 = arith.addf %add3A_1061, %mul3A_1062 : vector<16xf32>
        %max3A_1064 = arith.maximumf %max3A_1018, %add3A_1063 : vector<16xf32>
        %min3A_1065 = arith.minimumf %min3A_1019, %add3A_1063 : vector<16xf32>
        %add3A_1066 = arith.constant 13 : i32
        %add3A_1067 = vector.broadcast %add3A_1066 : i32 to vector<16xi32>
        %add3A_1068 = arith.addi %broadcast_in_dim3A, %add3A_1067 : vector<16xi32>
        %reshape3A_1069 = vector.shape_cast %add3A_1068 : vector<16xi32> to vector<16x1xi32>
        %gather3A_1070 = vector.shape_cast %reshape3A_1069 : vector<16x1xi32> to vector<16xi32>
        %gather3A_1071 = tpu.dynamic_gather %gather3A_471[%gather3A_1070] in [0] : vector<16xf32>, vector<16xi32> -> vector<16xf32>
        %add3A_1072 = arith.constant 13 : i32
        %add3A_1073 = vector.broadcast %add3A_1072 : i32 to vector<16xi32>
        %add3A_1074 = arith.addi %broadcast_in_dim3A, %add3A_1073 : vector<16xi32>
        %reshape3A_1075 = vector.shape_cast %add3A_1074 : vector<16xi32> to vector<16x1xi32>
        %gather3A_1076 = vector.shape_cast %reshape3A_1075 : vector<16x1xi32> to vector<16xi32>
        %gather3A_1077 = tpu.dynamic_gather %gather3A_472[%gather3A_1076] in [0] : vector<16xf32>, vector<16xi32> -> vector<16xf32>
        %add3A_1078 = arith.constant 13 : i32
        %add3A_1079 = vector.broadcast %add3A_1078 : i32 to vector<16xi32>
        %add3A_1080 = arith.addi %broadcast_in_dim3A, %add3A_1079 : vector<16xi32>
        %reshape3A_1081 = vector.shape_cast %add3A_1080 : vector<16xi32> to vector<16x1xi32>
        %gather3A_1082 = vector.shape_cast %reshape3A_1081 : vector<16x1xi32> to vector<16xi32>
        %gather3A_1083 = tpu.dynamic_gather %gather3A_473[%gather3A_1082] in [0] : vector<16xf32>, vector<16xi32> -> vector<16xf32>
        %mul3A_1084 = arith.mulf %get3A_79, %gather3A_1071 : vector<16xf32>
        %mul3A_1085 = arith.mulf %get3A_87, %gather3A_1077 : vector<16xf32>
        %add3A_1086 = arith.addf %mul3A_1084, %mul3A_1085 : vector<16xf32>
        %mul3A_1087 = arith.mulf %get3A_95, %gather3A_1083 : vector<16xf32>
        %add3A_1088 = arith.addf %add3A_1086, %mul3A_1087 : vector<16xf32>
        %max3A_1089 = arith.maximumf %max3A_1043, %add3A_1088 : vector<16xf32>
        %min3A_1090 = arith.minimumf %min3A_1044, %add3A_1088 : vector<16xf32>
        %mul3A_1091 = arith.mulf %get3A_81, %gather3A_1071 : vector<16xf32>
        %mul3A_1092 = arith.mulf %get3A_89, %gather3A_1077 : vector<16xf32>
        %add3A_1093 = arith.addf %mul3A_1091, %mul3A_1092 : vector<16xf32>
        %mul3A_1094 = arith.mulf %get3A_97, %gather3A_1083 : vector<16xf32>
        %add3A_1095 = arith.addf %add3A_1093, %mul3A_1094 : vector<16xf32>
        %max3A_1096 = arith.maximumf %max3A_1050, %add3A_1095 : vector<16xf32>
        %min3A_1097 = arith.minimumf %min3A_1051, %add3A_1095 : vector<16xf32>
        %mul3A_1098 = arith.mulf %get3A_83, %gather3A_1071 : vector<16xf32>
        %mul3A_1099 = arith.mulf %get3A_91, %gather3A_1077 : vector<16xf32>
        %add3A_1100 = arith.addf %mul3A_1098, %mul3A_1099 : vector<16xf32>
        %mul3A_1101 = arith.mulf %get3A_99, %gather3A_1083 : vector<16xf32>
        %add3A_1102 = arith.addf %add3A_1100, %mul3A_1101 : vector<16xf32>
        %max3A_1103 = arith.maximumf %max3A_1057, %add3A_1102 : vector<16xf32>
        %min3A_1104 = arith.minimumf %min3A_1058, %add3A_1102 : vector<16xf32>
        %mul3A_1105 = arith.mulf %get3A_85, %gather3A_1071 : vector<16xf32>
        %mul3A_1106 = arith.mulf %get3A_93, %gather3A_1077 : vector<16xf32>
        %add3A_1107 = arith.addf %mul3A_1105, %mul3A_1106 : vector<16xf32>
        %mul3A_1108 = arith.mulf %get3A_101, %gather3A_1083 : vector<16xf32>
        %add3A_1109 = arith.addf %add3A_1107, %mul3A_1108 : vector<16xf32>
        %max3A_1110 = arith.maximumf %max3A_1064, %add3A_1109 : vector<16xf32>
        %min3A_1111 = arith.minimumf %min3A_1065, %add3A_1109 : vector<16xf32>
        %add3A_1112 = arith.constant 14 : i32
        %add3A_1113 = vector.broadcast %add3A_1112 : i32 to vector<16xi32>
        %add3A_1114 = arith.addi %broadcast_in_dim3A, %add3A_1113 : vector<16xi32>
        %reshape3A_1115 = vector.shape_cast %add3A_1114 : vector<16xi32> to vector<16x1xi32>
        %gather3A_1116 = vector.shape_cast %reshape3A_1115 : vector<16x1xi32> to vector<16xi32>
        %gather3A_1117 = tpu.dynamic_gather %gather3A_471[%gather3A_1116] in [0] : vector<16xf32>, vector<16xi32> -> vector<16xf32>
        %add3A_1118 = arith.constant 14 : i32
        %add3A_1119 = vector.broadcast %add3A_1118 : i32 to vector<16xi32>
        %add3A_1120 = arith.addi %broadcast_in_dim3A, %add3A_1119 : vector<16xi32>
        %reshape3A_1121 = vector.shape_cast %add3A_1120 : vector<16xi32> to vector<16x1xi32>
        %gather3A_1122 = vector.shape_cast %reshape3A_1121 : vector<16x1xi32> to vector<16xi32>
        %gather3A_1123 = tpu.dynamic_gather %gather3A_472[%gather3A_1122] in [0] : vector<16xf32>, vector<16xi32> -> vector<16xf32>
        %add3A_1124 = arith.constant 14 : i32
        %add3A_1125 = vector.broadcast %add3A_1124 : i32 to vector<16xi32>
        %add3A_1126 = arith.addi %broadcast_in_dim3A, %add3A_1125 : vector<16xi32>
        %reshape3A_1127 = vector.shape_cast %add3A_1126 : vector<16xi32> to vector<16x1xi32>
        %gather3A_1128 = vector.shape_cast %reshape3A_1127 : vector<16x1xi32> to vector<16xi32>
        %gather3A_1129 = tpu.dynamic_gather %gather3A_473[%gather3A_1128] in [0] : vector<16xf32>, vector<16xi32> -> vector<16xf32>
        %mul3A_1130 = arith.mulf %get3A_79, %gather3A_1117 : vector<16xf32>
        %mul3A_1131 = arith.mulf %get3A_87, %gather3A_1123 : vector<16xf32>
        %add3A_1132 = arith.addf %mul3A_1130, %mul3A_1131 : vector<16xf32>
        %mul3A_1133 = arith.mulf %get3A_95, %gather3A_1129 : vector<16xf32>
        %add3A_1134 = arith.addf %add3A_1132, %mul3A_1133 : vector<16xf32>
        %max3A_1135 = arith.maximumf %max3A_1089, %add3A_1134 : vector<16xf32>
        %min3A_1136 = arith.minimumf %min3A_1090, %add3A_1134 : vector<16xf32>
        %mul3A_1137 = arith.mulf %get3A_81, %gather3A_1117 : vector<16xf32>
        %mul3A_1138 = arith.mulf %get3A_89, %gather3A_1123 : vector<16xf32>
        %add3A_1139 = arith.addf %mul3A_1137, %mul3A_1138 : vector<16xf32>
        %mul3A_1140 = arith.mulf %get3A_97, %gather3A_1129 : vector<16xf32>
        %add3A_1141 = arith.addf %add3A_1139, %mul3A_1140 : vector<16xf32>
        %max3A_1142 = arith.maximumf %max3A_1096, %add3A_1141 : vector<16xf32>
        %min3A_1143 = arith.minimumf %min3A_1097, %add3A_1141 : vector<16xf32>
        %mul3A_1144 = arith.mulf %get3A_83, %gather3A_1117 : vector<16xf32>
        %mul3A_1145 = arith.mulf %get3A_91, %gather3A_1123 : vector<16xf32>
        %add3A_1146 = arith.addf %mul3A_1144, %mul3A_1145 : vector<16xf32>
        %mul3A_1147 = arith.mulf %get3A_99, %gather3A_1129 : vector<16xf32>
        %add3A_1148 = arith.addf %add3A_1146, %mul3A_1147 : vector<16xf32>
        %max3A_1149 = arith.maximumf %max3A_1103, %add3A_1148 : vector<16xf32>
        %min3A_1150 = arith.minimumf %min3A_1104, %add3A_1148 : vector<16xf32>
        %mul3A_1151 = arith.mulf %get3A_85, %gather3A_1117 : vector<16xf32>
        %mul3A_1152 = arith.mulf %get3A_93, %gather3A_1123 : vector<16xf32>
        %add3A_1153 = arith.addf %mul3A_1151, %mul3A_1152 : vector<16xf32>
        %mul3A_1154 = arith.mulf %get3A_101, %gather3A_1129 : vector<16xf32>
        %add3A_1155 = arith.addf %add3A_1153, %mul3A_1154 : vector<16xf32>
        %max3A_1156 = arith.maximumf %max3A_1110, %add3A_1155 : vector<16xf32>
        %min3A_1157 = arith.minimumf %min3A_1111, %add3A_1155 : vector<16xf32>
        %add3A_1158 = arith.constant 15 : i32
        %add3A_1159 = vector.broadcast %add3A_1158 : i32 to vector<16xi32>
        %add3A_1160 = arith.addi %broadcast_in_dim3A, %add3A_1159 : vector<16xi32>
        %reshape3A_1161 = vector.shape_cast %add3A_1160 : vector<16xi32> to vector<16x1xi32>
        %gather3A_1162 = vector.shape_cast %reshape3A_1161 : vector<16x1xi32> to vector<16xi32>
        %gather3A_1163 = tpu.dynamic_gather %gather3A_471[%gather3A_1162] in [0] : vector<16xf32>, vector<16xi32> -> vector<16xf32>
        %add3A_1164 = arith.constant 15 : i32
        %add3A_1165 = vector.broadcast %add3A_1164 : i32 to vector<16xi32>
        %add3A_1166 = arith.addi %broadcast_in_dim3A, %add3A_1165 : vector<16xi32>
        %reshape3A_1167 = vector.shape_cast %add3A_1166 : vector<16xi32> to vector<16x1xi32>
        %gather3A_1168 = vector.shape_cast %reshape3A_1167 : vector<16x1xi32> to vector<16xi32>
        %gather3A_1169 = tpu.dynamic_gather %gather3A_472[%gather3A_1168] in [0] : vector<16xf32>, vector<16xi32> -> vector<16xf32>
        %add3A_1170 = arith.constant 15 : i32
        %add3A_1171 = vector.broadcast %add3A_1170 : i32 to vector<16xi32>
        %add3A_1172 = arith.addi %broadcast_in_dim3A, %add3A_1171 : vector<16xi32>
        %reshape3A_1173 = vector.shape_cast %add3A_1172 : vector<16xi32> to vector<16x1xi32>
        %gather3A_1174 = vector.shape_cast %reshape3A_1173 : vector<16x1xi32> to vector<16xi32>
        %gather3A_1175 = tpu.dynamic_gather %gather3A_473[%gather3A_1174] in [0] : vector<16xf32>, vector<16xi32> -> vector<16xf32>
        %mul3A_1176 = arith.mulf %get3A_79, %gather3A_1163 : vector<16xf32>
        %mul3A_1177 = arith.mulf %get3A_87, %gather3A_1169 : vector<16xf32>
        %add3A_1178 = arith.addf %mul3A_1176, %mul3A_1177 : vector<16xf32>
        %mul3A_1179 = arith.mulf %get3A_95, %gather3A_1175 : vector<16xf32>
        %add3A_1180 = arith.addf %add3A_1178, %mul3A_1179 : vector<16xf32>
        %max3A_1181 = arith.maximumf %max3A_1135, %add3A_1180 : vector<16xf32>
        %min3A_1182 = arith.minimumf %min3A_1136, %add3A_1180 : vector<16xf32>
        %mul3A_1183 = arith.mulf %get3A_81, %gather3A_1163 : vector<16xf32>
        %mul3A_1184 = arith.mulf %get3A_89, %gather3A_1169 : vector<16xf32>
        %add3A_1185 = arith.addf %mul3A_1183, %mul3A_1184 : vector<16xf32>
        %mul3A_1186 = arith.mulf %get3A_97, %gather3A_1175 : vector<16xf32>
        %add3A_1187 = arith.addf %add3A_1185, %mul3A_1186 : vector<16xf32>
        %max3A_1188 = arith.maximumf %max3A_1142, %add3A_1187 : vector<16xf32>
        %min3A_1189 = arith.minimumf %min3A_1143, %add3A_1187 : vector<16xf32>
        %mul3A_1190 = arith.mulf %get3A_83, %gather3A_1163 : vector<16xf32>
        %mul3A_1191 = arith.mulf %get3A_91, %gather3A_1169 : vector<16xf32>
        %add3A_1192 = arith.addf %mul3A_1190, %mul3A_1191 : vector<16xf32>
        %mul3A_1193 = arith.mulf %get3A_99, %gather3A_1175 : vector<16xf32>
        %add3A_1194 = arith.addf %add3A_1192, %mul3A_1193 : vector<16xf32>
        %max3A_1195 = arith.maximumf %max3A_1149, %add3A_1194 : vector<16xf32>
        %min3A_1196 = arith.minimumf %min3A_1150, %add3A_1194 : vector<16xf32>
        %mul3A_1197 = arith.mulf %get3A_85, %gather3A_1163 : vector<16xf32>
        %mul3A_1198 = arith.mulf %get3A_93, %gather3A_1169 : vector<16xf32>
        %add3A_1199 = arith.addf %mul3A_1197, %mul3A_1198 : vector<16xf32>
        %mul3A_1200 = arith.mulf %get3A_101, %gather3A_1175 : vector<16xf32>
        %add3A_1201 = arith.addf %add3A_1199, %mul3A_1200 : vector<16xf32>
        %max3A_1202 = arith.maximumf %max3A_1156, %add3A_1201 : vector<16xf32>
        %min3A_1203 = arith.minimumf %min3A_1157, %add3A_1201 : vector<16xf32>
        %add3A_1204 = arith.constant 0 : i32
        %add3A_1205 = vector.broadcast %add3A_1204 : i32 to vector<16xi32>
        %add3A_1206 = arith.addi %broadcast_in_dim3A, %add3A_1205 : vector<16xi32>
        %reshape3A_1207 = vector.shape_cast %add3A_1206 : vector<16xi32> to vector<16x1xi32>
        %gather3A_1208 = vector.shape_cast %reshape3A_1207 : vector<16x1xi32> to vector<16xi32>
        %gather3A_1209 = tpu.dynamic_gather %gather3A_474[%gather3A_1208] in [0] : vector<16xf32>, vector<16xi32> -> vector<16xf32>
        %add3A_1210 = arith.constant 0 : i32
        %add3A_1211 = vector.broadcast %add3A_1210 : i32 to vector<16xi32>
        %add3A_1212 = arith.addi %broadcast_in_dim3A, %add3A_1211 : vector<16xi32>
        %reshape3A_1213 = vector.shape_cast %add3A_1212 : vector<16xi32> to vector<16x1xi32>
        %gather3A_1214 = vector.shape_cast %reshape3A_1213 : vector<16x1xi32> to vector<16xi32>
        %gather3A_1215 = tpu.dynamic_gather %gather3A_475[%gather3A_1214] in [0] : vector<16xf32>, vector<16xi32> -> vector<16xf32>
        %add3A_1216 = arith.constant 0 : i32
        %add3A_1217 = vector.broadcast %add3A_1216 : i32 to vector<16xi32>
        %add3A_1218 = arith.addi %broadcast_in_dim3A, %add3A_1217 : vector<16xi32>
        %reshape3A_1219 = vector.shape_cast %add3A_1218 : vector<16xi32> to vector<16x1xi32>
        %gather3A_1220 = vector.shape_cast %reshape3A_1219 : vector<16x1xi32> to vector<16xi32>
        %gather3A_1221 = tpu.dynamic_gather %gather3A_476[%gather3A_1220] in [0] : vector<16xf32>, vector<16xi32> -> vector<16xf32>
        %mul3A_1222 = arith.mulf %get3A_79, %gather3A_1209 : vector<16xf32>
        %mul3A_1223 = arith.mulf %get3A_87, %gather3A_1215 : vector<16xf32>
        %add3A_1224 = arith.addf %mul3A_1222, %mul3A_1223 : vector<16xf32>
        %mul3A_1225 = arith.mulf %get3A_95, %gather3A_1221 : vector<16xf32>
        %add3A_1226 = arith.addf %add3A_1224, %mul3A_1225 : vector<16xf32>
        %max3A_1227 = arith.maximumf %max3A_1181, %add3A_1226 : vector<16xf32>
        %min3A_1228 = arith.minimumf %min3A_1182, %add3A_1226 : vector<16xf32>
        %mul3A_1229 = arith.mulf %get3A_81, %gather3A_1209 : vector<16xf32>
        %mul3A_1230 = arith.mulf %get3A_89, %gather3A_1215 : vector<16xf32>
        %add3A_1231 = arith.addf %mul3A_1229, %mul3A_1230 : vector<16xf32>
        %mul3A_1232 = arith.mulf %get3A_97, %gather3A_1221 : vector<16xf32>
        %add3A_1233 = arith.addf %add3A_1231, %mul3A_1232 : vector<16xf32>
        %max3A_1234 = arith.maximumf %max3A_1188, %add3A_1233 : vector<16xf32>
        %min3A_1235 = arith.minimumf %min3A_1189, %add3A_1233 : vector<16xf32>
        %mul3A_1236 = arith.mulf %get3A_83, %gather3A_1209 : vector<16xf32>
        %mul3A_1237 = arith.mulf %get3A_91, %gather3A_1215 : vector<16xf32>
        %add3A_1238 = arith.addf %mul3A_1236, %mul3A_1237 : vector<16xf32>
        %mul3A_1239 = arith.mulf %get3A_99, %gather3A_1221 : vector<16xf32>
        %add3A_1240 = arith.addf %add3A_1238, %mul3A_1239 : vector<16xf32>
        %max3A_1241 = arith.maximumf %max3A_1195, %add3A_1240 : vector<16xf32>
        %min3A_1242 = arith.minimumf %min3A_1196, %add3A_1240 : vector<16xf32>
        %mul3A_1243 = arith.mulf %get3A_85, %gather3A_1209 : vector<16xf32>
        %mul3A_1244 = arith.mulf %get3A_93, %gather3A_1215 : vector<16xf32>
        %add3A_1245 = arith.addf %mul3A_1243, %mul3A_1244 : vector<16xf32>
        %mul3A_1246 = arith.mulf %get3A_101, %gather3A_1221 : vector<16xf32>
        %add3A_1247 = arith.addf %add3A_1245, %mul3A_1246 : vector<16xf32>
        %max3A_1248 = arith.maximumf %max3A_1202, %add3A_1247 : vector<16xf32>
        %min3A_1249 = arith.minimumf %min3A_1203, %add3A_1247 : vector<16xf32>
        %add3A_1250 = arith.constant 1 : i32
        %add3A_1251 = vector.broadcast %add3A_1250 : i32 to vector<16xi32>
        %add3A_1252 = arith.addi %broadcast_in_dim3A, %add3A_1251 : vector<16xi32>
        %reshape3A_1253 = vector.shape_cast %add3A_1252 : vector<16xi32> to vector<16x1xi32>
        %gather3A_1254 = vector.shape_cast %reshape3A_1253 : vector<16x1xi32> to vector<16xi32>
        %gather3A_1255 = tpu.dynamic_gather %gather3A_474[%gather3A_1254] in [0] : vector<16xf32>, vector<16xi32> -> vector<16xf32>
        %add3A_1256 = arith.constant 1 : i32
        %add3A_1257 = vector.broadcast %add3A_1256 : i32 to vector<16xi32>
        %add3A_1258 = arith.addi %broadcast_in_dim3A, %add3A_1257 : vector<16xi32>
        %reshape3A_1259 = vector.shape_cast %add3A_1258 : vector<16xi32> to vector<16x1xi32>
        %gather3A_1260 = vector.shape_cast %reshape3A_1259 : vector<16x1xi32> to vector<16xi32>
        %gather3A_1261 = tpu.dynamic_gather %gather3A_475[%gather3A_1260] in [0] : vector<16xf32>, vector<16xi32> -> vector<16xf32>
        %add3A_1262 = arith.constant 1 : i32
        %add3A_1263 = vector.broadcast %add3A_1262 : i32 to vector<16xi32>
        %add3A_1264 = arith.addi %broadcast_in_dim3A, %add3A_1263 : vector<16xi32>
        %reshape3A_1265 = vector.shape_cast %add3A_1264 : vector<16xi32> to vector<16x1xi32>
        %gather3A_1266 = vector.shape_cast %reshape3A_1265 : vector<16x1xi32> to vector<16xi32>
        %gather3A_1267 = tpu.dynamic_gather %gather3A_476[%gather3A_1266] in [0] : vector<16xf32>, vector<16xi32> -> vector<16xf32>
        %mul3A_1268 = arith.mulf %get3A_79, %gather3A_1255 : vector<16xf32>
        %mul3A_1269 = arith.mulf %get3A_87, %gather3A_1261 : vector<16xf32>
        %add3A_1270 = arith.addf %mul3A_1268, %mul3A_1269 : vector<16xf32>
        %mul3A_1271 = arith.mulf %get3A_95, %gather3A_1267 : vector<16xf32>
        %add3A_1272 = arith.addf %add3A_1270, %mul3A_1271 : vector<16xf32>
        %max3A_1273 = arith.maximumf %max3A_1227, %add3A_1272 : vector<16xf32>
        %min3A_1274 = arith.minimumf %min3A_1228, %add3A_1272 : vector<16xf32>
        %mul3A_1275 = arith.mulf %get3A_81, %gather3A_1255 : vector<16xf32>
        %mul3A_1276 = arith.mulf %get3A_89, %gather3A_1261 : vector<16xf32>
        %add3A_1277 = arith.addf %mul3A_1275, %mul3A_1276 : vector<16xf32>
        %mul3A_1278 = arith.mulf %get3A_97, %gather3A_1267 : vector<16xf32>
        %add3A_1279 = arith.addf %add3A_1277, %mul3A_1278 : vector<16xf32>
        %max3A_1280 = arith.maximumf %max3A_1234, %add3A_1279 : vector<16xf32>
        %min3A_1281 = arith.minimumf %min3A_1235, %add3A_1279 : vector<16xf32>
        %mul3A_1282 = arith.mulf %get3A_83, %gather3A_1255 : vector<16xf32>
        %mul3A_1283 = arith.mulf %get3A_91, %gather3A_1261 : vector<16xf32>
        %add3A_1284 = arith.addf %mul3A_1282, %mul3A_1283 : vector<16xf32>
        %mul3A_1285 = arith.mulf %get3A_99, %gather3A_1267 : vector<16xf32>
        %add3A_1286 = arith.addf %add3A_1284, %mul3A_1285 : vector<16xf32>
        %max3A_1287 = arith.maximumf %max3A_1241, %add3A_1286 : vector<16xf32>
        %min3A_1288 = arith.minimumf %min3A_1242, %add3A_1286 : vector<16xf32>
        %mul3A_1289 = arith.mulf %get3A_85, %gather3A_1255 : vector<16xf32>
        %mul3A_1290 = arith.mulf %get3A_93, %gather3A_1261 : vector<16xf32>
        %add3A_1291 = arith.addf %mul3A_1289, %mul3A_1290 : vector<16xf32>
        %mul3A_1292 = arith.mulf %get3A_101, %gather3A_1267 : vector<16xf32>
        %add3A_1293 = arith.addf %add3A_1291, %mul3A_1292 : vector<16xf32>
        %max3A_1294 = arith.maximumf %max3A_1248, %add3A_1293 : vector<16xf32>
        %min3A_1295 = arith.minimumf %min3A_1249, %add3A_1293 : vector<16xf32>
        %add3A_1296 = arith.constant 2 : i32
        %add3A_1297 = vector.broadcast %add3A_1296 : i32 to vector<16xi32>
        %add3A_1298 = arith.addi %broadcast_in_dim3A, %add3A_1297 : vector<16xi32>
        %reshape3A_1299 = vector.shape_cast %add3A_1298 : vector<16xi32> to vector<16x1xi32>
        %gather3A_1300 = vector.shape_cast %reshape3A_1299 : vector<16x1xi32> to vector<16xi32>
        %gather3A_1301 = tpu.dynamic_gather %gather3A_474[%gather3A_1300] in [0] : vector<16xf32>, vector<16xi32> -> vector<16xf32>
        %add3A_1302 = arith.constant 2 : i32
        %add3A_1303 = vector.broadcast %add3A_1302 : i32 to vector<16xi32>
        %add3A_1304 = arith.addi %broadcast_in_dim3A, %add3A_1303 : vector<16xi32>
        %reshape3A_1305 = vector.shape_cast %add3A_1304 : vector<16xi32> to vector<16x1xi32>
        %gather3A_1306 = vector.shape_cast %reshape3A_1305 : vector<16x1xi32> to vector<16xi32>
        %gather3A_1307 = tpu.dynamic_gather %gather3A_475[%gather3A_1306] in [0] : vector<16xf32>, vector<16xi32> -> vector<16xf32>
        %add3A_1308 = arith.constant 2 : i32
        %add3A_1309 = vector.broadcast %add3A_1308 : i32 to vector<16xi32>
        %add3A_1310 = arith.addi %broadcast_in_dim3A, %add3A_1309 : vector<16xi32>
        %reshape3A_1311 = vector.shape_cast %add3A_1310 : vector<16xi32> to vector<16x1xi32>
        %gather3A_1312 = vector.shape_cast %reshape3A_1311 : vector<16x1xi32> to vector<16xi32>
        %gather3A_1313 = tpu.dynamic_gather %gather3A_476[%gather3A_1312] in [0] : vector<16xf32>, vector<16xi32> -> vector<16xf32>
        %mul3A_1314 = arith.mulf %get3A_79, %gather3A_1301 : vector<16xf32>
        %mul3A_1315 = arith.mulf %get3A_87, %gather3A_1307 : vector<16xf32>
        %add3A_1316 = arith.addf %mul3A_1314, %mul3A_1315 : vector<16xf32>
        %mul3A_1317 = arith.mulf %get3A_95, %gather3A_1313 : vector<16xf32>
        %add3A_1318 = arith.addf %add3A_1316, %mul3A_1317 : vector<16xf32>
        %max3A_1319 = arith.maximumf %max3A_1273, %add3A_1318 : vector<16xf32>
        %min3A_1320 = arith.minimumf %min3A_1274, %add3A_1318 : vector<16xf32>
        %mul3A_1321 = arith.mulf %get3A_81, %gather3A_1301 : vector<16xf32>
        %mul3A_1322 = arith.mulf %get3A_89, %gather3A_1307 : vector<16xf32>
        %add3A_1323 = arith.addf %mul3A_1321, %mul3A_1322 : vector<16xf32>
        %mul3A_1324 = arith.mulf %get3A_97, %gather3A_1313 : vector<16xf32>
        %add3A_1325 = arith.addf %add3A_1323, %mul3A_1324 : vector<16xf32>
        %max3A_1326 = arith.maximumf %max3A_1280, %add3A_1325 : vector<16xf32>
        %min3A_1327 = arith.minimumf %min3A_1281, %add3A_1325 : vector<16xf32>
        %mul3A_1328 = arith.mulf %get3A_83, %gather3A_1301 : vector<16xf32>
        %mul3A_1329 = arith.mulf %get3A_91, %gather3A_1307 : vector<16xf32>
        %add3A_1330 = arith.addf %mul3A_1328, %mul3A_1329 : vector<16xf32>
        %mul3A_1331 = arith.mulf %get3A_99, %gather3A_1313 : vector<16xf32>
        %add3A_1332 = arith.addf %add3A_1330, %mul3A_1331 : vector<16xf32>
        %max3A_1333 = arith.maximumf %max3A_1287, %add3A_1332 : vector<16xf32>
        %min3A_1334 = arith.minimumf %min3A_1288, %add3A_1332 : vector<16xf32>
        %mul3A_1335 = arith.mulf %get3A_85, %gather3A_1301 : vector<16xf32>
        %mul3A_1336 = arith.mulf %get3A_93, %gather3A_1307 : vector<16xf32>
        %add3A_1337 = arith.addf %mul3A_1335, %mul3A_1336 : vector<16xf32>
        %mul3A_1338 = arith.mulf %get3A_101, %gather3A_1313 : vector<16xf32>
        %add3A_1339 = arith.addf %add3A_1337, %mul3A_1338 : vector<16xf32>
        %max3A_1340 = arith.maximumf %max3A_1294, %add3A_1339 : vector<16xf32>
        %min3A_1341 = arith.minimumf %min3A_1295, %add3A_1339 : vector<16xf32>
        %add3A_1342 = arith.constant 3 : i32
        %add3A_1343 = vector.broadcast %add3A_1342 : i32 to vector<16xi32>
        %add3A_1344 = arith.addi %broadcast_in_dim3A, %add3A_1343 : vector<16xi32>
        %reshape3A_1345 = vector.shape_cast %add3A_1344 : vector<16xi32> to vector<16x1xi32>
        %gather3A_1346 = vector.shape_cast %reshape3A_1345 : vector<16x1xi32> to vector<16xi32>
        %gather3A_1347 = tpu.dynamic_gather %gather3A_474[%gather3A_1346] in [0] : vector<16xf32>, vector<16xi32> -> vector<16xf32>
        %add3A_1348 = arith.constant 3 : i32
        %add3A_1349 = vector.broadcast %add3A_1348 : i32 to vector<16xi32>
        %add3A_1350 = arith.addi %broadcast_in_dim3A, %add3A_1349 : vector<16xi32>
        %reshape3A_1351 = vector.shape_cast %add3A_1350 : vector<16xi32> to vector<16x1xi32>
        %gather3A_1352 = vector.shape_cast %reshape3A_1351 : vector<16x1xi32> to vector<16xi32>
        %gather3A_1353 = tpu.dynamic_gather %gather3A_475[%gather3A_1352] in [0] : vector<16xf32>, vector<16xi32> -> vector<16xf32>
        %add3A_1354 = arith.constant 3 : i32
        %add3A_1355 = vector.broadcast %add3A_1354 : i32 to vector<16xi32>
        %add3A_1356 = arith.addi %broadcast_in_dim3A, %add3A_1355 : vector<16xi32>
        %reshape3A_1357 = vector.shape_cast %add3A_1356 : vector<16xi32> to vector<16x1xi32>
        %gather3A_1358 = vector.shape_cast %reshape3A_1357 : vector<16x1xi32> to vector<16xi32>
        %gather3A_1359 = tpu.dynamic_gather %gather3A_476[%gather3A_1358] in [0] : vector<16xf32>, vector<16xi32> -> vector<16xf32>
        %mul3A_1360 = arith.mulf %get3A_79, %gather3A_1347 : vector<16xf32>
        %mul3A_1361 = arith.mulf %get3A_87, %gather3A_1353 : vector<16xf32>
        %add3A_1362 = arith.addf %mul3A_1360, %mul3A_1361 : vector<16xf32>
        %mul3A_1363 = arith.mulf %get3A_95, %gather3A_1359 : vector<16xf32>
        %add3A_1364 = arith.addf %add3A_1362, %mul3A_1363 : vector<16xf32>
        %max3A_1365 = arith.maximumf %max3A_1319, %add3A_1364 : vector<16xf32>
        %min3A_1366 = arith.minimumf %min3A_1320, %add3A_1364 : vector<16xf32>
        %mul3A_1367 = arith.mulf %get3A_81, %gather3A_1347 : vector<16xf32>
        %mul3A_1368 = arith.mulf %get3A_89, %gather3A_1353 : vector<16xf32>
        %add3A_1369 = arith.addf %mul3A_1367, %mul3A_1368 : vector<16xf32>
        %mul3A_1370 = arith.mulf %get3A_97, %gather3A_1359 : vector<16xf32>
        %add3A_1371 = arith.addf %add3A_1369, %mul3A_1370 : vector<16xf32>
        %max3A_1372 = arith.maximumf %max3A_1326, %add3A_1371 : vector<16xf32>
        %min3A_1373 = arith.minimumf %min3A_1327, %add3A_1371 : vector<16xf32>
        %mul3A_1374 = arith.mulf %get3A_83, %gather3A_1347 : vector<16xf32>
        %mul3A_1375 = arith.mulf %get3A_91, %gather3A_1353 : vector<16xf32>
        %add3A_1376 = arith.addf %mul3A_1374, %mul3A_1375 : vector<16xf32>
        %mul3A_1377 = arith.mulf %get3A_99, %gather3A_1359 : vector<16xf32>
        %add3A_1378 = arith.addf %add3A_1376, %mul3A_1377 : vector<16xf32>
        %max3A_1379 = arith.maximumf %max3A_1333, %add3A_1378 : vector<16xf32>
        %min3A_1380 = arith.minimumf %min3A_1334, %add3A_1378 : vector<16xf32>
        %mul3A_1381 = arith.mulf %get3A_85, %gather3A_1347 : vector<16xf32>
        %mul3A_1382 = arith.mulf %get3A_93, %gather3A_1353 : vector<16xf32>
        %add3A_1383 = arith.addf %mul3A_1381, %mul3A_1382 : vector<16xf32>
        %mul3A_1384 = arith.mulf %get3A_101, %gather3A_1359 : vector<16xf32>
        %add3A_1385 = arith.addf %add3A_1383, %mul3A_1384 : vector<16xf32>
        %max3A_1386 = arith.maximumf %max3A_1340, %add3A_1385 : vector<16xf32>
        %min3A_1387 = arith.minimumf %min3A_1341, %add3A_1385 : vector<16xf32>
        %sub3A_1388 = arith.subi %add3A_228, %mul3A_32 : i32
        %jit3A_1389 = arith.constant 256 : i32
        %eq3A_1390 = arith.constant 0 : i32
        %eq3A_1391 = arith.cmpi eq, %jit3A_1389, %eq3A_1390 : i32
        %jit3A_1392 = arith.constant 1 : i32
        %select_n3A_1393 = arith.select %eq3A_1391, %jit3A_1392, %jit3A_1389 : i32
        %rem3A_1394 = arith.remsi %sub3A_1388, %select_n3A_1393 : i32
        %ne3A_1395 = arith.constant 0 : i32
        %ne3A_1396 = arith.cmpi ne, %rem3A_1394, %ne3A_1395 : i32
        %lt3A_1397 = arith.constant 0 : i32
        %lt3A_1398 = arith.cmpi slt, %rem3A_1394, %lt3A_1397 : i32
        %lt3A_1399 = arith.constant 0 : i32
        %lt3A_1400 = arith.cmpi slt, %select_n3A_1393, %lt3A_1399 : i32
        %ne3A_1401 = arith.xori %lt3A_1398, %lt3A_1400 : i1
        %and3A_1402 = arith.andi %ne3A_1401, %ne3A_1396 : i1
        %add3A_1403 = arith.addi %rem3A_1394, %select_n3A_1393 : i32
        %select_n3A_1404 = arith.select %and3A_1402, %add3A_1403, %rem3A_1394 : i32
        %mul3A_1405 = arith.constant 128 : i32
        %mul3A_1406 = arith.muli %select_n3A_1404, %mul3A_1405 : i32
        %add3A_1407 = arith.constant 0 : i32
        %add3A_1408 = arith.addi %mul3A_1406, %add3A_1407 : i32
        %swap3A_1409 = arith.index_cast %add3A_1408 : i32 to index
        %swap3A_1410 = tpu.vector_load %arg17[%swap3A_1409] {strides = array<i32>} : memref<32768xf32, #tpu.memory_space<vmem>>, vector<16xf32>,
        tpu.vector_store %arg17[%swap3A_1409], %max3A_1365 {strides = array<i32>} : memref<32768xf32, #tpu.memory_space<vmem>>, vector<16xf32>,
        %add3A_1411 = arith.constant 64 : i32
        %add3A_1412 = arith.addi %mul3A_1406, %add3A_1411 : i32
        %add3A_1413 = arith.constant 0 : i32
        %add3A_1414 = arith.addi %add3A_1412, %add3A_1413 : i32
        %swap3A_1415 = arith.index_cast %add3A_1414 : i32 to index
        %swap3A_1416 = tpu.vector_load %arg17[%swap3A_1415] {strides = array<i32>} : memref<32768xf32, #tpu.memory_space<vmem>>, vector<16xf32>,
        tpu.vector_store %arg17[%swap3A_1415], %min3A_1366 {strides = array<i32>} : memref<32768xf32, #tpu.memory_space<vmem>>, vector<16xf32>,
        %add3A_1417 = arith.constant 16 : i32
        %add3A_1418 = arith.addi %mul3A_1406, %add3A_1417 : i32
        %swap3A_1419 = arith.index_cast %add3A_1418 : i32 to index
        %swap3A_1420 = tpu.vector_load %arg17[%swap3A_1419] {strides = array<i32>} : memref<32768xf32, #tpu.memory_space<vmem>>, vector<16xf32>,
        tpu.vector_store %arg17[%swap3A_1419], %max3A_1372 {strides = array<i32>} : memref<32768xf32, #tpu.memory_space<vmem>>, vector<16xf32>,
        %add3A_1421 = arith.constant 64 : i32
        %add3A_1422 = arith.addi %mul3A_1406, %add3A_1421 : i32
        %add3A_1423 = arith.constant 16 : i32
        %add3A_1424 = arith.addi %add3A_1422, %add3A_1423 : i32
        %swap3A_1425 = arith.index_cast %add3A_1424 : i32 to index
        %swap3A_1426 = tpu.vector_load %arg17[%swap3A_1425] {strides = array<i32>} : memref<32768xf32, #tpu.memory_space<vmem>>, vector<16xf32>,
        tpu.vector_store %arg17[%swap3A_1425], %min3A_1373 {strides = array<i32>} : memref<32768xf32, #tpu.memory_space<vmem>>, vector<16xf32>,
        %add3A_1427 = arith.constant 32 : i32
        %add3A_1428 = arith.addi %mul3A_1406, %add3A_1427 : i32
        %swap3A_1429 = arith.index_cast %add3A_1428 : i32 to index
        %swap3A_1430 = tpu.vector_load %arg17[%swap3A_1429] {strides = array<i32>} : memref<32768xf32, #tpu.memory_space<vmem>>, vector<16xf32>,
        tpu.vector_store %arg17[%swap3A_1429], %max3A_1379 {strides = array<i32>} : memref<32768xf32, #tpu.memory_space<vmem>>, vector<16xf32>,
        %add3A_1431 = arith.constant 64 : i32
        %add3A_1432 = arith.addi %mul3A_1406, %add3A_1431 : i32
        %add3A_1433 = arith.constant 32 : i32
        %add3A_1434 = arith.addi %add3A_1432, %add3A_1433 : i32
        %swap3A_1435 = arith.index_cast %add3A_1434 : i32 to index
        %swap3A_1436 = tpu.vector_load %arg17[%swap3A_1435] {strides = array<i32>} : memref<32768xf32, #tpu.memory_space<vmem>>, vector<16xf32>,
        tpu.vector_store %arg17[%swap3A_1435], %min3A_1380 {strides = array<i32>} : memref<32768xf32, #tpu.memory_space<vmem>>, vector<16xf32>,
        %add3A_1437 = arith.constant 48 : i32
        %add3A_1438 = arith.addi %mul3A_1406, %add3A_1437 : i32
        %swap3A_1439 = arith.index_cast %add3A_1438 : i32 to index
        %swap3A_1440 = tpu.vector_load %arg17[%swap3A_1439] {strides = array<i32>} : memref<32768xf32, #tpu.memory_space<vmem>>, vector<16xf32>,
        tpu.vector_store %arg17[%swap3A_1439], %max3A_1386 {strides = array<i32>} : memref<32768xf32, #tpu.memory_space<vmem>>, vector<16xf32>,
        %add3A_1441 = arith.constant 64 : i32
        %add3A_1442 = arith.addi %mul3A_1406, %add3A_1441 : i32
        %add3A_1443 = arith.constant 48 : i32
        %add3A_1444 = arith.addi %add3A_1442, %add3A_1443 : i32
        %swap3A_1445 = arith.index_cast %add3A_1444 : i32 to index
        %swap3A_1446 = tpu.vector_load %arg17[%swap3A_1445] {strides = array<i32>} : memref<32768xf32, #tpu.memory_space<vmem>>, vector<16xf32>,
        tpu.vector_store %arg17[%swap3A_1445], %min3A_1387 {strides = array<i32>} : memref<32768xf32, #tpu.memory_space<vmem>>, vector<16xf32>,
        %jit3A_1447 = arith.constant 0.000000e+00 : f32
        %broadcast_in_dim3A_1448 = vector.broadcast %jit3A_1447 : f32 to vector<16xf32>
        %select_n3A_1449 = arith.select %lt3A_45, %gather3A_474, %broadcast_in_dim3A_1448 : vector<16xi1>, vector<16xf32>
        %jit3A_1450 = arith.constant 0.000000e+00 : f32
        %broadcast_in_dim3A_1451 = vector.broadcast %jit3A_1450 : f32 to vector<16xf32>
        %select_n3A_1452 = arith.select %lt3A_45, %gather3A_475, %broadcast_in_dim3A_1451 : vector<16xi1>, vector<16xf32>
        %jit3A_1453 = arith.constant 0.000000e+00 : f32
        %broadcast_in_dim3A_1454 = vector.broadcast %jit3A_1453 : f32 to vector<16xf32>
        %select_n3A_1455 = arith.select %lt3A_45, %gather3A_476, %broadcast_in_dim3A_1454 : vector<16xi1>, vector<16xf32>
        %add3A_1456 = arith.addf %gather3A_471, %select_n3A_1449 : vector<16xf32>
        %add3A_1457 = arith.addf %gather3A_472, %select_n3A_1452 : vector<16xf32>
        %add3A_1458 = arith.addf %gather3A_473, %select_n3A_1455 : vector<16xf32>
        %add3A_1459 = arith.addf %scan3A_207, %add3A_1456 : vector<16xf32>
        %add3A_1460 = arith.addf %scan3A_208, %add3A_1457 : vector<16xf32>
        %add3A_1461 = arith.addf %scan3A_209, %add3A_1458 : vector<16xf32>
        %mul3A_1462 = arith.mulf %gather3A_471, %gather3A_471 : vector<16xf32>
        %add3A_1463 = arith.addf %scan3A_210, %mul3A_1462 : vector<16xf32>
        %mul3A_1464 = arith.mulf %select_n3A_1449, %select_n3A_1449 : vector<16xf32>
        %add3A_1465 = arith.addf %add3A_1463, %mul3A_1464 : vector<16xf32>
        %mul3A_1466 = arith.mulf %gather3A_472, %gather3A_472 : vector<16xf32>
        %add3A_1467 = arith.addf %scan3A_211, %mul3A_1466 : vector<16xf32>
        %mul3A_1468 = arith.mulf %select_n3A_1452, %select_n3A_1452 : vector<16xf32>
        %add3A_1469 = arith.addf %add3A_1467, %mul3A_1468 : vector<16xf32>
        %mul3A_1470 = arith.mulf %gather3A_473, %gather3A_473 : vector<16xf32>
        %add3A_1471 = arith.addf %scan3A_212, %mul3A_1470 : vector<16xf32>
        %mul3A_1472 = arith.mulf %select_n3A_1455, %select_n3A_1455 : vector<16xf32>
        %add3A_1473 = arith.addf %add3A_1471, %mul3A_1472 : vector<16xf32>
        %mul3A_1474 = arith.mulf %gather3A_471, %gather3A_472 : vector<16xf32>
        %add3A_1475 = arith.addf %scan3A_213, %mul3A_1474 : vector<16xf32>
        %mul3A_1476 = arith.mulf %select_n3A_1449, %select_n3A_1452 : vector<16xf32>
        %add3A_1477 = arith.addf %add3A_1475, %mul3A_1476 : vector<16xf32>
        %mul3A_1478 = arith.mulf %gather3A_471, %gather3A_473 : vector<16xf32>
        %add3A_1479 = arith.addf %scan3A_214, %mul3A_1478 : vector<16xf32>
        %mul3A_1480 = arith.mulf %select_n3A_1449, %select_n3A_1455 : vector<16xf32>
        %add3A_1481 = arith.addf %add3A_1479, %mul3A_1480 : vector<16xf32>
        %mul3A_1482 = arith.mulf %gather3A_472, %gather3A_473 : vector<16xf32>
        %add3A_1483 = arith.addf %scan3A_215, %mul3A_1482 : vector<16xf32>
        %mul3A_1484 = arith.mulf %select_n3A_1452, %select_n3A_1455 : vector<16xf32>
        %add3A_1485 = arith.addf %add3A_1483, %mul3A_1484 : vector<16xf32>
        %mul3A_1486 = arith.mulf %gather3A, %add3A_1456 : vector<16xf32>
        %add3A_1487 = arith.addf %scan3A_216, %mul3A_1486 : vector<16xf32>
        %mul3A_1488 = arith.mulf %gather3A, %add3A_1457 : vector<16xf32>
        %add3A_1489 = arith.addf %scan3A_217, %mul3A_1488 : vector<16xf32>
        %mul3A_1490 = arith.mulf %gather3A, %add3A_1458 : vector<16xf32>
        %add3A_1491 = arith.addf %scan3A_218, %mul3A_1490 : vector<16xf32>
        %mul3A_1492 = arith.mulf %gather3A_230, %add3A_1456 : vector<16xf32>
        %add3A_1493 = arith.addf %scan3A_219, %mul3A_1492 : vector<16xf32>
        %mul3A_1494 = arith.mulf %gather3A_230, %add3A_1457 : vector<16xf32>
        %add3A_1495 = arith.addf %scan3A_220, %mul3A_1494 : vector<16xf32>
        %mul3A_1496 = arith.mulf %gather3A_230, %add3A_1458 : vector<16xf32>
        %add3A_1497 = arith.addf %scan3A_221, %mul3A_1496 : vector<16xf32>
        %mul3A_1498 = arith.mulf %gather3A_231, %add3A_1456 : vector<16xf32>
        %add3A_1499 = arith.addf %scan3A_222, %mul3A_1498 : vector<16xf32>
        %mul3A_1500 = arith.mulf %gather3A_231, %add3A_1457 : vector<16xf32>
        %add3A_1501 = arith.addf %scan3A_223, %mul3A_1500 : vector<16xf32>
        %mul3A_1502 = arith.mulf %gather3A_231, %add3A_1458 : vector<16xf32>
        %add3A_1503 = arith.addf %scan3A_224, %mul3A_1502 : vector<16xf32>
        scf.yield %add3A_1459, %add3A_1460, %add3A_1461, %add3A_1465, %add3A_1469, %add3A_1473, %add3A_1477, %add3A_1481, %add3A_1485, %add3A_1487, %add3A_1489, %add3A_1491, %add3A_1493, %add3A_1495, %add3A_1497, %add3A_1499, %add3A_1501, %add3A_1503 : vector<16xf32>, vector<16xf32>, vector<16xf32>, vector<16xf32>, vector<16xf32>, vector<16xf32>, vector<16xf32>, vector<16xf32>, vector<16xf32>, vector<16xf32>, vector<16xf32>, vector<16xf32>, vector<16xf32>, vector<16xf32>, vector<16xf32>, vector<16xf32>, vector<16xf32>, vector<16xf32>
      }
      %scan3A_197 = arith.constant 256 : i32
      %mul3A_198 = arith.constant 2048 : i32
      %mul3A_199 = arith.muli %select_n3A, %mul3A_198 : i32
      %add3A_200 = arith.addi %mul3A_199, %mul3A_32 : i32
      %mul3A_201 = arith.constant 256 : i32
      %mul3A_202 = arith.muli %scan3A_173, %mul3A_201 : i32
      %add3A_203 = arith.addi %add3A_200, %mul3A_202 : i32
      %mul3A_204 = arith.constant 128 : i32
      %mul3A_205 = arith.muli %add3A_203, %mul3A_204 : i32
      "tpu.region"() ({
        %run_scoped3A = tpu.sem_alloc : memref<!tpu.dma_semaphore, #tpu.memory_space<semaphore_mem>>
        %dma_start3A = tpu.memref_slice %arg4[%mul3A_205] : memref<4194304xf32, #tpu.memory_space<hbm>> -> memref<32768xf32, #tpu.memory_space<hbm>>
        %dma_start3A_206 = tpu.memref_slice %arg4[%mul3A_205] : memref<4194304xf32, #tpu.memory_space<hbm>> -> memref<32768xf32, #tpu.memory_space<hbm>>
        tpu.enqueue_dma source(%arg17 : memref<32768xf32, #tpu.memory_space<vmem>>) target(%dma_start3A_206 : memref<32768xf32, #tpu.memory_space<hbm>>) target_semaphore(%run_scoped3A : memref<!tpu.dma_semaphore, #tpu.memory_space<semaphore_mem>>)
        %dma_wait3A = tpu.memref_slice %arg4[%mul3A_205] : memref<4194304xf32, #tpu.memory_space<hbm>> -> memref<32768xf32, #tpu.memory_space<hbm>>
        %dma_wait3A_207 = tpu.memref_slice %arg4[%mul3A_205] : memref<4194304xf32, #tpu.memory_space<hbm>> -> memref<32768xf32, #tpu.memory_space<hbm>>
        tpu.wait_dma2 semaphore(%run_scoped3A : memref<!tpu.dma_semaphore, #tpu.memory_space<semaphore_mem>>) src(%arg17 : memref<32768xf32, #tpu.memory_space<vmem>>) dst(%dma_wait3A_207 : memref<32768xf32, #tpu.memory_space<hbm>>)
        tpu.yield
      }) : () -> ()
      scf.yield %scan3A_196#0, %scan3A_196#1, %scan3A_196#2, %scan3A_196#3, %scan3A_196#4, %scan3A_196#5, %scan3A_196#6, %scan3A_196#7, %scan3A_196#8, %scan3A_196#9, %scan3A_196#10, %scan3A_196#11, %scan3A_196#12, %scan3A_196#13, %scan3A_196#14, %scan3A_196#15, %scan3A_196#16, %scan3A_196#17 : vector<16xf32>, vector<16xf32>, vector<16xf32>, vector<16xf32>, vector<16xf32>, vector<16xf32>, vector<16xf32>, vector<16xf32>, vector<16xf32>, vector<16xf32>, vector<16xf32>, vector<16xf32>, vector<16xf32>, vector<16xf32>, vector<16xf32>, vector<16xf32>, vector<16xf32>, vector<16xf32>
    }
    %scan3A_107 = arith.constant 4 : i32
    %swap3A = arith.constant 0 : index
    %swap3A_108 = tpu.vector_load %arg18[%swap3A] {strides = array<i32>} : memref<512xf32, #tpu.memory_space<vmem>>, vector<16xf32>,
    tpu.vector_store %arg18[%swap3A], %scan3A_106#0 {strides = array<i32>} : memref<512xf32, #tpu.memory_space<vmem>>, vector<16xf32>,
    %swap3A_109 = arith.constant 16 : index
    %swap3A_110 = tpu.vector_load %arg18[%swap3A_109] {strides = array<i32>} : memref<512xf32, #tpu.memory_space<vmem>>, vector<16xf32>,
    tpu.vector_store %arg18[%swap3A_109], %scan3A_106#1 {strides = array<i32>} : memref<512xf32, #tpu.memory_space<vmem>>, vector<16xf32>,
    %swap3A_111 = arith.constant 32 : index
    %swap3A_112 = tpu.vector_load %arg18[%swap3A_111] {strides = array<i32>} : memref<512xf32, #tpu.memory_space<vmem>>, vector<16xf32>,
    tpu.vector_store %arg18[%swap3A_111], %scan3A_106#2 {strides = array<i32>} : memref<512xf32, #tpu.memory_space<vmem>>, vector<16xf32>,
    %swap3A_113 = arith.constant 48 : index
    %swap3A_114 = tpu.vector_load %arg18[%swap3A_113] {strides = array<i32>} : memref<512xf32, #tpu.memory_space<vmem>>, vector<16xf32>,
    tpu.vector_store %arg18[%swap3A_113], %scan3A_106#3 {strides = array<i32>} : memref<512xf32, #tpu.memory_space<vmem>>, vector<16xf32>,
    %swap3A_115 = arith.constant 64 : index
    %swap3A_116 = tpu.vector_load %arg18[%swap3A_115] {strides = array<i32>} : memref<512xf32, #tpu.memory_space<vmem>>, vector<16xf32>,
    tpu.vector_store %arg18[%swap3A_115], %scan3A_106#4 {strides = array<i32>} : memref<512xf32, #tpu.memory_space<vmem>>, vector<16xf32>,
    %swap3A_117 = arith.constant 80 : index
    %swap3A_118 = tpu.vector_load %arg18[%swap3A_117] {strides = array<i32>} : memref<512xf32, #tpu.memory_space<vmem>>, vector<16xf32>,
    tpu.vector_store %arg18[%swap3A_117], %scan3A_106#5 {strides = array<i32>} : memref<512xf32, #tpu.memory_space<vmem>>, vector<16xf32>,
    %swap3A_119 = arith.constant 96 : index
    %swap3A_120 = tpu.vector_load %arg18[%swap3A_119] {strides = array<i32>} : memref<512xf32, #tpu.memory_space<vmem>>, vector<16xf32>,
    tpu.vector_store %arg18[%swap3A_119], %scan3A_106#6 {strides = array<i32>} : memref<512xf32, #tpu.memory_space<vmem>>, vector<16xf32>,
    %swap3A_121 = arith.constant 112 : index
    %swap3A_122 = tpu.vector_load %arg18[%swap3A_121] {strides = array<i32>} : memref<512xf32, #tpu.memory_space<vmem>>, vector<16xf32>,
    tpu.vector_store %arg18[%swap3A_121], %scan3A_106#7 {strides = array<i32>} : memref<512xf32, #tpu.memory_space<vmem>>, vector<16xf32>,
    %swap3A_123 = arith.constant 128 : index
    %swap3A_124 = tpu.vector_load %arg18[%swap3A_123] {strides = array<i32>} : memref<512xf32, #tpu.memory_space<vmem>>, vector<16xf32>,
    tpu.vector_store %arg18[%swap3A_123], %scan3A_106#8 {strides = array<i32>} : memref<512xf32, #tpu.memory_space<vmem>>, vector<16xf32>,
    %swap3A_125 = arith.constant 144 : index
    %swap3A_126 = tpu.vector_load %arg18[%swap3A_125] {strides = array<i32>} : memref<512xf32, #tpu.memory_space<vmem>>, vector<16xf32>,
    tpu.vector_store %arg18[%swap3A_125], %scan3A_106#9 {strides = array<i32>} : memref<512xf32, #tpu.memory_space<vmem>>, vector<16xf32>,
    %swap3A_127 = arith.constant 160 : index
    %swap3A_128 = tpu.vector_load %arg18[%swap3A_127] {strides = array<i32>} : memref<512xf32, #tpu.memory_space<vmem>>, vector<16xf32>,
    tpu.vector_store %arg18[%swap3A_127], %scan3A_106#10 {strides = array<i32>} : memref<512xf32, #tpu.memory_space<vmem>>, vector<16xf32>,
    %swap3A_129 = arith.constant 176 : index
    %swap3A_130 = tpu.vector_load %arg18[%swap3A_129] {strides = array<i32>} : memref<512xf32, #tpu.memory_space<vmem>>, vector<16xf32>,
    tpu.vector_store %arg18[%swap3A_129], %scan3A_106#11 {strides = array<i32>} : memref<512xf32, #tpu.memory_space<vmem>>, vector<16xf32>,
    %swap3A_131 = arith.constant 192 : index
    %swap3A_132 = tpu.vector_load %arg18[%swap3A_131] {strides = array<i32>} : memref<512xf32, #tpu.memory_space<vmem>>, vector<16xf32>,
    tpu.vector_store %arg18[%swap3A_131], %scan3A_106#12 {strides = array<i32>} : memref<512xf32, #tpu.memory_space<vmem>>, vector<16xf32>,
    %swap3A_133 = arith.constant 208 : index
    %swap3A_134 = tpu.vector_load %arg18[%swap3A_133] {strides = array<i32>} : memref<512xf32, #tpu.memory_space<vmem>>, vector<16xf32>,
    tpu.vector_store %arg18[%swap3A_133], %scan3A_106#13 {strides = array<i32>} : memref<512xf32, #tpu.memory_space<vmem>>, vector<16xf32>,
    %swap3A_135 = arith.constant 224 : index
    %swap3A_136 = tpu.vector_load %arg18[%swap3A_135] {strides = array<i32>} : memref<512xf32, #tpu.memory_space<vmem>>, vector<16xf32>,
    tpu.vector_store %arg18[%swap3A_135], %scan3A_106#14 {strides = array<i32>} : memref<512xf32, #tpu.memory_space<vmem>>, vector<16xf32>,
    %swap3A_137 = arith.constant 240 : index
    %swap3A_138 = tpu.vector_load %arg18[%swap3A_137] {strides = array<i32>} : memref<512xf32, #tpu.memory_space<vmem>>, vector<16xf32>,
    tpu.vector_store %arg18[%swap3A_137], %scan3A_106#15 {strides = array<i32>} : memref<512xf32, #tpu.memory_space<vmem>>, vector<16xf32>,
    %swap3A_139 = arith.constant 256 : index
    %swap3A_140 = tpu.vector_load %arg18[%swap3A_139] {strides = array<i32>} : memref<512xf32, #tpu.memory_space<vmem>>, vector<16xf32>,
    tpu.vector_store %arg18[%swap3A_139], %scan3A_106#16 {strides = array<i32>} : memref<512xf32, #tpu.memory_space<vmem>>, vector<16xf32>,
    %swap3A_141 = arith.constant 272 : index
    %swap3A_142 = tpu.vector_load %arg18[%swap3A_141] {strides = array<i32>} : memref<512xf32, #tpu.memory_space<vmem>>, vector<16xf32>,
    tpu.vector_store %arg18[%swap3A_141], %scan3A_106#17 {strides = array<i32>} : memref<512xf32, #tpu.memory_space<vmem>>, vector<16xf32>,
    %swap3A_143 = arith.constant 288 : index
    %swap3A_144 = tpu.vector_load %arg18[%swap3A_143] {strides = array<i32>} : memref<512xf32, #tpu.memory_space<vmem>>, vector<16xf32>,
    tpu.vector_store %arg18[%swap3A_143], %scan3A_77#0 {strides = array<i32>} : memref<512xf32, #tpu.memory_space<vmem>>, vector<16xf32>,
    %swap3A_145 = arith.constant 304 : index
    %swap3A_146 = tpu.vector_load %arg18[%swap3A_145] {strides = array<i32>} : memref<512xf32, #tpu.memory_space<vmem>>, vector<16xf32>,
    tpu.vector_store %arg18[%swap3A_145], %scan3A_77#1 {strides = array<i32>} : memref<512xf32, #tpu.memory_space<vmem>>, vector<16xf32>,
    %swap3A_147 = arith.constant 320 : index
    %swap3A_148 = tpu.vector_load %arg18[%swap3A_147] {strides = array<i32>} : memref<512xf32, #tpu.memory_space<vmem>>, vector<16xf32>,
    tpu.vector_store %arg18[%swap3A_147], %scan3A_77#2 {strides = array<i32>} : memref<512xf32, #tpu.memory_space<vmem>>, vector<16xf32>,
    %swap3A_149 = arith.constant 336 : index
    %swap3A_150 = tpu.vector_load %arg18[%swap3A_149] {strides = array<i32>} : memref<512xf32, #tpu.memory_space<vmem>>, vector<16xf32>,
    tpu.vector_store %arg18[%swap3A_149], %scan3A_77#3 {strides = array<i32>} : memref<512xf32, #tpu.memory_space<vmem>>, vector<16xf32>,
    %swap3A_151 = arith.constant 352 : index
    %swap3A_152 = tpu.vector_load %arg18[%swap3A_151] {strides = array<i32>} : memref<512xf32, #tpu.memory_space<vmem>>, vector<16xf32>,
    tpu.vector_store %arg18[%swap3A_151], %scan3A_77#4 {strides = array<i32>} : memref<512xf32, #tpu.memory_space<vmem>>, vector<16xf32>,
    %swap3A_153 = arith.constant 368 : index
    %swap3A_154 = tpu.vector_load %arg18[%swap3A_153] {strides = array<i32>} : memref<512xf32, #tpu.memory_space<vmem>>, vector<16xf32>,
    tpu.vector_store %arg18[%swap3A_153], %scan3A_77#5 {strides = array<i32>} : memref<512xf32, #tpu.memory_space<vmem>>, vector<16xf32>,
    %swap3A_155 = arith.constant 384 : index
    %swap3A_156 = tpu.vector_load %arg18[%swap3A_155] {strides = array<i32>} : memref<512xf32, #tpu.memory_space<vmem>>, vector<16xf32>,
    tpu.vector_store %arg18[%swap3A_155], %scan3A_77#6 {strides = array<i32>} : memref<512xf32, #tpu.memory_space<vmem>>, vector<16xf32>,
    %swap3A_157 = arith.constant 400 : index
    %swap3A_158 = tpu.vector_load %arg18[%swap3A_157] {strides = array<i32>} : memref<512xf32, #tpu.memory_space<vmem>>, vector<16xf32>,
    tpu.vector_store %arg18[%swap3A_157], %scan3A_77#7 {strides = array<i32>} : memref<512xf32, #tpu.memory_space<vmem>>, vector<16xf32>,
    %swap3A_159 = arith.constant 416 : index
    %swap3A_160 = tpu.vector_load %arg18[%swap3A_159] {strides = array<i32>} : memref<512xf32, #tpu.memory_space<vmem>>, vector<16xf32>,
    tpu.vector_store %arg18[%swap3A_159], %scan3A_77#8 {strides = array<i32>} : memref<512xf32, #tpu.memory_space<vmem>>, vector<16xf32>,
    %swap3A_161 = arith.constant 432 : index
    %swap3A_162 = tpu.vector_load %arg18[%swap3A_161] {strides = array<i32>} : memref<512xf32, #tpu.memory_space<vmem>>, vector<16xf32>,
    tpu.vector_store %arg18[%swap3A_161], %convert_element_type3A {strides = array<i32>} : memref<512xf32, #tpu.memory_space<vmem>>, vector<16xf32>,
    %swap3A_163 = arith.constant 448 : index
    %swap3A_164 = tpu.vector_load %arg18[%swap3A_163] {strides = array<i32>} : memref<512xf32, #tpu.memory_space<vmem>>, vector<16xf32>,
    tpu.vector_store %arg18[%swap3A_163], %convert_element_type3A {strides = array<i32>} : memref<512xf32, #tpu.memory_space<vmem>>, vector<16xf32>,
    %swap3A_165 = arith.constant 464 : index
    %swap3A_166 = tpu.vector_load %arg18[%swap3A_165] {strides = array<i32>} : memref<512xf32, #tpu.memory_space<vmem>>, vector<16xf32>,
    tpu.vector_store %arg18[%swap3A_165], %convert_element_type3A {strides = array<i32>} : memref<512xf32, #tpu.memory_space<vmem>>, vector<16xf32>,
    %swap3A_167 = arith.constant 480 : index
    %swap3A_168 = tpu.vector_load %arg18[%swap3A_167] {strides = array<i32>} : memref<512xf32, #tpu.memory_space<vmem>>, vector<16xf32>,
    tpu.vector_store %arg18[%swap3A_167], %convert_element_type3A {strides = array<i32>} : memref<512xf32, #tpu.memory_space<vmem>>, vector<16xf32>,
    %swap3A_169 = arith.constant 496 : index
    %swap3A_170 = tpu.vector_load %arg18[%swap3A_169] {strides = array<i32>} : memref<512xf32, #tpu.memory_space<vmem>>, vector<16xf32>,
    tpu.vector_store %arg18[%swap3A_169], %convert_element_type3A {strides = array<i32>} : memref<512xf32, #tpu.memory_space<vmem>>, vector<16xf32>,
    %mul3A_171 = arith.constant 512 : i32
    %mul3A_172 = arith.muli %add3A, %mul3A_171 : i32
    "tpu.region"() ({
      %run_scoped3A = tpu.sem_alloc : memref<!tpu.dma_semaphore, #tpu.memory_space<semaphore_mem>>
      %dma_start3A = tpu.memref_slice %arg5[%mul3A_172] : memref<16384xf32, #tpu.memory_space<hbm>> -> memref<512xf32, #tpu.memory_space<hbm>>
      %dma_start3A_173 = tpu.memref_slice %arg5[%mul3A_172] : memref<16384xf32, #tpu.memory_space<hbm>> -> memref<512xf32, #tpu.memory_space<hbm>>
      tpu.enqueue_dma source(%arg18 : memref<512xf32, #tpu.memory_space<vmem>>) target(%dma_start3A_173 : memref<512xf32, #tpu.memory_space<hbm>>) target_semaphore(%run_scoped3A : memref<!tpu.dma_semaphore, #tpu.memory_space<semaphore_mem>>)
      %dma_wait3A = tpu.memref_slice %arg5[%mul3A_172] : memref<16384xf32, #tpu.memory_space<hbm>> -> memref<512xf32, #tpu.memory_space<hbm>>
      %dma_wait3A_174 = tpu.memref_slice %arg5[%mul3A_172] : memref<16384xf32, #tpu.memory_space<hbm>> -> memref<512xf32, #tpu.memory_space<hbm>>
      tpu.wait_dma2 semaphore(%run_scoped3A : memref<!tpu.dma_semaphore, #tpu.memory_space<semaphore_mem>>) src(%arg18 : memref<512xf32, #tpu.memory_space<vmem>>) dst(%dma_wait3A_174 : memref<512xf32, #tpu.memory_space<hbm>>)
      tpu.yield
    }) : () -> ()
    return
  }
}

module attributes {stable_mosaic.version = 14 : i64} {
  func.func @_tc_stats_body(%arg0: memref<32x512xf32, #tpu.memory_space<vmem>>, %arg1: memref<8x64xf32, #tpu.memory_space<vmem>>, %arg2: memref<1x64xf32, #tpu.memory_space<vmem>>, %arg3: memref<1x64xf32, #tpu.memory_space<vmem>>, %arg4: memref<8x64xf32, #tpu.memory_space<vmem>>) attributes {dimension_semantics = [], scalar_prefetch = 0 : i64, scratch_operands = 0 : i64, tpu.core_type = #tpu.core_type<tc>} {
    %get3A = arith.constant 0 : index
    %get3A_0 = arith.constant 0 : index
    %get3A_1 = vector.load %arg0[%get3A, %get3A_0] : memref<32x512xf32, #tpu.memory_space<vmem>>, vector<32x16xf32>
    %reduce_sum3A = vector.shape_cast %get3A_1 : vector<32x16xf32> to vector<1x32x16xf32>
    %reduce_sum3A_2 = arith.constant dense<0.000000e+00> : vector<1xf32>
    %reduce_sum3A_3 = vector.multi_reduction <add>, %reduce_sum3A, %reduce_sum3A_2 [1, 2] : vector<1x32x16xf32> to vector<1xf32>
    %reduce_sum3A_4 = vector.shape_cast %reduce_sum3A_3 : vector<1xf32> to vector<1x1x1xf32>
    %reduce_sum3A_5 = vector.extract %reduce_sum3A_4[0, 0, 0] : f32 from vector<1x1x1xf32>
    %get3A_6 = arith.constant 0 : index
    %get3A_7 = arith.constant 16 : index
    %get3A_8 = vector.load %arg0[%get3A_6, %get3A_7] : memref<32x512xf32, #tpu.memory_space<vmem>>, vector<32x16xf32>
    %reduce_sum3A_9 = vector.shape_cast %get3A_8 : vector<32x16xf32> to vector<1x32x16xf32>
    %reduce_sum3A_10 = arith.constant dense<0.000000e+00> : vector<1xf32>
    %reduce_sum3A_11 = vector.multi_reduction <add>, %reduce_sum3A_9, %reduce_sum3A_10 [1, 2] : vector<1x32x16xf32> to vector<1xf32>
    %reduce_sum3A_12 = vector.shape_cast %reduce_sum3A_11 : vector<1xf32> to vector<1x1x1xf32>
    %reduce_sum3A_13 = vector.extract %reduce_sum3A_12[0, 0, 0] : f32 from vector<1x1x1xf32>
    %get3A_14 = arith.constant 0 : index
    %get3A_15 = arith.constant 32 : index
    %get3A_16 = vector.load %arg0[%get3A_14, %get3A_15] : memref<32x512xf32, #tpu.memory_space<vmem>>, vector<32x16xf32>
    %reduce_sum3A_17 = vector.shape_cast %get3A_16 : vector<32x16xf32> to vector<1x32x16xf32>
    %reduce_sum3A_18 = arith.constant dense<0.000000e+00> : vector<1xf32>
    %reduce_sum3A_19 = vector.multi_reduction <add>, %reduce_sum3A_17, %reduce_sum3A_18 [1, 2] : vector<1x32x16xf32> to vector<1xf32>
    %reduce_sum3A_20 = vector.shape_cast %reduce_sum3A_19 : vector<1xf32> to vector<1x1x1xf32>
    %reduce_sum3A_21 = vector.extract %reduce_sum3A_20[0, 0, 0] : f32 from vector<1x1x1xf32>
    %get3A_22 = arith.constant 0 : index
    %get3A_23 = arith.constant 48 : index
    %get3A_24 = vector.load %arg0[%get3A_22, %get3A_23] : memref<32x512xf32, #tpu.memory_space<vmem>>, vector<32x16xf32>
    %reduce_sum3A_25 = vector.shape_cast %get3A_24 : vector<32x16xf32> to vector<1x32x16xf32>
    %reduce_sum3A_26 = arith.constant dense<0.000000e+00> : vector<1xf32>
    %reduce_sum3A_27 = vector.multi_reduction <add>, %reduce_sum3A_25, %reduce_sum3A_26 [1, 2] : vector<1x32x16xf32> to vector<1xf32>
    %reduce_sum3A_28 = vector.shape_cast %reduce_sum3A_27 : vector<1xf32> to vector<1x1x1xf32>
    %reduce_sum3A_29 = vector.extract %reduce_sum3A_28[0, 0, 0] : f32 from vector<1x1x1xf32>
    %get3A_30 = arith.constant 0 : index
    %get3A_31 = arith.constant 64 : index
    %get3A_32 = vector.load %arg0[%get3A_30, %get3A_31] : memref<32x512xf32, #tpu.memory_space<vmem>>, vector<32x16xf32>
    %reduce_sum3A_33 = vector.shape_cast %get3A_32 : vector<32x16xf32> to vector<1x32x16xf32>
    %reduce_sum3A_34 = arith.constant dense<0.000000e+00> : vector<1xf32>
    %reduce_sum3A_35 = vector.multi_reduction <add>, %reduce_sum3A_33, %reduce_sum3A_34 [1, 2] : vector<1x32x16xf32> to vector<1xf32>
    %reduce_sum3A_36 = vector.shape_cast %reduce_sum3A_35 : vector<1xf32> to vector<1x1x1xf32>
    %reduce_sum3A_37 = vector.extract %reduce_sum3A_36[0, 0, 0] : f32 from vector<1x1x1xf32>
    %get3A_38 = arith.constant 0 : index
    %get3A_39 = arith.constant 80 : index
    %get3A_40 = vector.load %arg0[%get3A_38, %get3A_39] : memref<32x512xf32, #tpu.memory_space<vmem>>, vector<32x16xf32>
    %reduce_sum3A_41 = vector.shape_cast %get3A_40 : vector<32x16xf32> to vector<1x32x16xf32>
    %reduce_sum3A_42 = arith.constant dense<0.000000e+00> : vector<1xf32>
    %reduce_sum3A_43 = vector.multi_reduction <add>, %reduce_sum3A_41, %reduce_sum3A_42 [1, 2] : vector<1x32x16xf32> to vector<1xf32>
    %reduce_sum3A_44 = vector.shape_cast %reduce_sum3A_43 : vector<1xf32> to vector<1x1x1xf32>
    %reduce_sum3A_45 = vector.extract %reduce_sum3A_44[0, 0, 0] : f32 from vector<1x1x1xf32>
    %get3A_46 = arith.constant 0 : index
    %get3A_47 = arith.constant 96 : index
    %get3A_48 = vector.load %arg0[%get3A_46, %get3A_47] : memref<32x512xf32, #tpu.memory_space<vmem>>, vector<32x16xf32>
    %reduce_sum3A_49 = vector.shape_cast %get3A_48 : vector<32x16xf32> to vector<1x32x16xf32>
    %reduce_sum3A_50 = arith.constant dense<0.000000e+00> : vector<1xf32>
    %reduce_sum3A_51 = vector.multi_reduction <add>, %reduce_sum3A_49, %reduce_sum3A_50 [1, 2] : vector<1x32x16xf32> to vector<1xf32>
    %reduce_sum3A_52 = vector.shape_cast %reduce_sum3A_51 : vector<1xf32> to vector<1x1x1xf32>
    %reduce_sum3A_53 = vector.extract %reduce_sum3A_52[0, 0, 0] : f32 from vector<1x1x1xf32>
    %get3A_54 = arith.constant 0 : index
    %get3A_55 = arith.constant 112 : index
    %get3A_56 = vector.load %arg0[%get3A_54, %get3A_55] : memref<32x512xf32, #tpu.memory_space<vmem>>, vector<32x16xf32>
    %reduce_sum3A_57 = vector.shape_cast %get3A_56 : vector<32x16xf32> to vector<1x32x16xf32>
    %reduce_sum3A_58 = arith.constant dense<0.000000e+00> : vector<1xf32>
    %reduce_sum3A_59 = vector.multi_reduction <add>, %reduce_sum3A_57, %reduce_sum3A_58 [1, 2] : vector<1x32x16xf32> to vector<1xf32>
    %reduce_sum3A_60 = vector.shape_cast %reduce_sum3A_59 : vector<1xf32> to vector<1x1x1xf32>
    %reduce_sum3A_61 = vector.extract %reduce_sum3A_60[0, 0, 0] : f32 from vector<1x1x1xf32>
    %get3A_62 = arith.constant 0 : index
    %get3A_63 = arith.constant 128 : index
    %get3A_64 = vector.load %arg0[%get3A_62, %get3A_63] : memref<32x512xf32, #tpu.memory_space<vmem>>, vector<32x16xf32>
    %reduce_sum3A_65 = vector.shape_cast %get3A_64 : vector<32x16xf32> to vector<1x32x16xf32>
    %reduce_sum3A_66 = arith.constant dense<0.000000e+00> : vector<1xf32>
    %reduce_sum3A_67 = vector.multi_reduction <add>, %reduce_sum3A_65, %reduce_sum3A_66 [1, 2] : vector<1x32x16xf32> to vector<1xf32>
    %reduce_sum3A_68 = vector.shape_cast %reduce_sum3A_67 : vector<1xf32> to vector<1x1x1xf32>
    %reduce_sum3A_69 = vector.extract %reduce_sum3A_68[0, 0, 0] : f32 from vector<1x1x1xf32>
    %get3A_70 = arith.constant 0 : index
    %get3A_71 = arith.constant 144 : index
    %get3A_72 = vector.load %arg0[%get3A_70, %get3A_71] : memref<32x512xf32, #tpu.memory_space<vmem>>, vector<32x16xf32>
    %reduce_sum3A_73 = vector.shape_cast %get3A_72 : vector<32x16xf32> to vector<1x32x16xf32>
    %reduce_sum3A_74 = arith.constant dense<0.000000e+00> : vector<1xf32>
    %reduce_sum3A_75 = vector.multi_reduction <add>, %reduce_sum3A_73, %reduce_sum3A_74 [1, 2] : vector<1x32x16xf32> to vector<1xf32>
    %reduce_sum3A_76 = vector.shape_cast %reduce_sum3A_75 : vector<1xf32> to vector<1x1x1xf32>
    %reduce_sum3A_77 = vector.extract %reduce_sum3A_76[0, 0, 0] : f32 from vector<1x1x1xf32>
    %get3A_78 = arith.constant 0 : index
    %get3A_79 = arith.constant 160 : index
    %get3A_80 = vector.load %arg0[%get3A_78, %get3A_79] : memref<32x512xf32, #tpu.memory_space<vmem>>, vector<32x16xf32>
    %reduce_sum3A_81 = vector.shape_cast %get3A_80 : vector<32x16xf32> to vector<1x32x16xf32>
    %reduce_sum3A_82 = arith.constant dense<0.000000e+00> : vector<1xf32>
    %reduce_sum3A_83 = vector.multi_reduction <add>, %reduce_sum3A_81, %reduce_sum3A_82 [1, 2] : vector<1x32x16xf32> to vector<1xf32>
    %reduce_sum3A_84 = vector.shape_cast %reduce_sum3A_83 : vector<1xf32> to vector<1x1x1xf32>
    %reduce_sum3A_85 = vector.extract %reduce_sum3A_84[0, 0, 0] : f32 from vector<1x1x1xf32>
    %get3A_86 = arith.constant 0 : index
    %get3A_87 = arith.constant 176 : index
    %get3A_88 = vector.load %arg0[%get3A_86, %get3A_87] : memref<32x512xf32, #tpu.memory_space<vmem>>, vector<32x16xf32>
    %reduce_sum3A_89 = vector.shape_cast %get3A_88 : vector<32x16xf32> to vector<1x32x16xf32>
    %reduce_sum3A_90 = arith.constant dense<0.000000e+00> : vector<1xf32>
    %reduce_sum3A_91 = vector.multi_reduction <add>, %reduce_sum3A_89, %reduce_sum3A_90 [1, 2] : vector<1x32x16xf32> to vector<1xf32>
    %reduce_sum3A_92 = vector.shape_cast %reduce_sum3A_91 : vector<1xf32> to vector<1x1x1xf32>
    %reduce_sum3A_93 = vector.extract %reduce_sum3A_92[0, 0, 0] : f32 from vector<1x1x1xf32>
    %get3A_94 = arith.constant 0 : index
    %get3A_95 = arith.constant 192 : index
    %get3A_96 = vector.load %arg0[%get3A_94, %get3A_95] : memref<32x512xf32, #tpu.memory_space<vmem>>, vector<32x16xf32>
    %reduce_sum3A_97 = vector.shape_cast %get3A_96 : vector<32x16xf32> to vector<1x32x16xf32>
    %reduce_sum3A_98 = arith.constant dense<0.000000e+00> : vector<1xf32>
    %reduce_sum3A_99 = vector.multi_reduction <add>, %reduce_sum3A_97, %reduce_sum3A_98 [1, 2] : vector<1x32x16xf32> to vector<1xf32>
    %reduce_sum3A_100 = vector.shape_cast %reduce_sum3A_99 : vector<1xf32> to vector<1x1x1xf32>
    %reduce_sum3A_101 = vector.extract %reduce_sum3A_100[0, 0, 0] : f32 from vector<1x1x1xf32>
    %get3A_102 = arith.constant 0 : index
    %get3A_103 = arith.constant 208 : index
    %get3A_104 = vector.load %arg0[%get3A_102, %get3A_103] : memref<32x512xf32, #tpu.memory_space<vmem>>, vector<32x16xf32>
    %reduce_sum3A_105 = vector.shape_cast %get3A_104 : vector<32x16xf32> to vector<1x32x16xf32>
    %reduce_sum3A_106 = arith.constant dense<0.000000e+00> : vector<1xf32>
    %reduce_sum3A_107 = vector.multi_reduction <add>, %reduce_sum3A_105, %reduce_sum3A_106 [1, 2] : vector<1x32x16xf32> to vector<1xf32>
    %reduce_sum3A_108 = vector.shape_cast %reduce_sum3A_107 : vector<1xf32> to vector<1x1x1xf32>
    %reduce_sum3A_109 = vector.extract %reduce_sum3A_108[0, 0, 0] : f32 from vector<1x1x1xf32>
    %get3A_110 = arith.constant 0 : index
    %get3A_111 = arith.constant 224 : index
    %get3A_112 = vector.load %arg0[%get3A_110, %get3A_111] : memref<32x512xf32, #tpu.memory_space<vmem>>, vector<32x16xf32>
    %reduce_sum3A_113 = vector.shape_cast %get3A_112 : vector<32x16xf32> to vector<1x32x16xf32>
    %reduce_sum3A_114 = arith.constant dense<0.000000e+00> : vector<1xf32>
    %reduce_sum3A_115 = vector.multi_reduction <add>, %reduce_sum3A_113, %reduce_sum3A_114 [1, 2] : vector<1x32x16xf32> to vector<1xf32>
    %reduce_sum3A_116 = vector.shape_cast %reduce_sum3A_115 : vector<1xf32> to vector<1x1x1xf32>
    %reduce_sum3A_117 = vector.extract %reduce_sum3A_116[0, 0, 0] : f32 from vector<1x1x1xf32>
    %get3A_118 = arith.constant 0 : index
    %get3A_119 = arith.constant 240 : index
    %get3A_120 = vector.load %arg0[%get3A_118, %get3A_119] : memref<32x512xf32, #tpu.memory_space<vmem>>, vector<32x16xf32>
    %reduce_sum3A_121 = vector.shape_cast %get3A_120 : vector<32x16xf32> to vector<1x32x16xf32>
    %reduce_sum3A_122 = arith.constant dense<0.000000e+00> : vector<1xf32>
    %reduce_sum3A_123 = vector.multi_reduction <add>, %reduce_sum3A_121, %reduce_sum3A_122 [1, 2] : vector<1x32x16xf32> to vector<1xf32>
    %reduce_sum3A_124 = vector.shape_cast %reduce_sum3A_123 : vector<1xf32> to vector<1x1x1xf32>
    %reduce_sum3A_125 = vector.extract %reduce_sum3A_124[0, 0, 0] : f32 from vector<1x1x1xf32>
    %get3A_126 = arith.constant 0 : index
    %get3A_127 = arith.constant 256 : index
    %get3A_128 = vector.load %arg0[%get3A_126, %get3A_127] : memref<32x512xf32, #tpu.memory_space<vmem>>, vector<32x16xf32>
    %reduce_sum3A_129 = vector.shape_cast %get3A_128 : vector<32x16xf32> to vector<1x32x16xf32>
    %reduce_sum3A_130 = arith.constant dense<0.000000e+00> : vector<1xf32>
    %reduce_sum3A_131 = vector.multi_reduction <add>, %reduce_sum3A_129, %reduce_sum3A_130 [1, 2] : vector<1x32x16xf32> to vector<1xf32>
    %reduce_sum3A_132 = vector.shape_cast %reduce_sum3A_131 : vector<1xf32> to vector<1x1x1xf32>
    %reduce_sum3A_133 = vector.extract %reduce_sum3A_132[0, 0, 0] : f32 from vector<1x1x1xf32>
    %get3A_134 = arith.constant 0 : index
    %get3A_135 = arith.constant 272 : index
    %get3A_136 = vector.load %arg0[%get3A_134, %get3A_135] : memref<32x512xf32, #tpu.memory_space<vmem>>, vector<32x16xf32>
    %reduce_sum3A_137 = vector.shape_cast %get3A_136 : vector<32x16xf32> to vector<1x32x16xf32>
    %reduce_sum3A_138 = arith.constant dense<0.000000e+00> : vector<1xf32>
    %reduce_sum3A_139 = vector.multi_reduction <add>, %reduce_sum3A_137, %reduce_sum3A_138 [1, 2] : vector<1x32x16xf32> to vector<1xf32>
    %reduce_sum3A_140 = vector.shape_cast %reduce_sum3A_139 : vector<1xf32> to vector<1x1x1xf32>
    %reduce_sum3A_141 = vector.extract %reduce_sum3A_140[0, 0, 0] : f32 from vector<1x1x1xf32>
    %get3A_142 = arith.constant 0 : index
    %get3A_143 = arith.constant 288 : index
    %get3A_144 = vector.load %arg0[%get3A_142, %get3A_143] : memref<32x512xf32, #tpu.memory_space<vmem>>, vector<32x16xf32>
    %reduce_sum3A_145 = vector.shape_cast %get3A_144 : vector<32x16xf32> to vector<1x32x16xf32>
    %reduce_sum3A_146 = arith.constant dense<0.000000e+00> : vector<1xf32>
    %reduce_sum3A_147 = vector.multi_reduction <add>, %reduce_sum3A_145, %reduce_sum3A_146 [1, 2] : vector<1x32x16xf32> to vector<1xf32>
    %reduce_sum3A_148 = vector.shape_cast %reduce_sum3A_147 : vector<1xf32> to vector<1x1x1xf32>
    %reduce_sum3A_149 = vector.extract %reduce_sum3A_148[0, 0, 0] : f32 from vector<1x1x1xf32>
    %get3A_150 = arith.constant 0 : index
    %get3A_151 = arith.constant 304 : index
    %get3A_152 = vector.load %arg0[%get3A_150, %get3A_151] : memref<32x512xf32, #tpu.memory_space<vmem>>, vector<32x16xf32>
    %reduce_sum3A_153 = vector.shape_cast %get3A_152 : vector<32x16xf32> to vector<1x32x16xf32>
    %reduce_sum3A_154 = arith.constant dense<0.000000e+00> : vector<1xf32>
    %reduce_sum3A_155 = vector.multi_reduction <add>, %reduce_sum3A_153, %reduce_sum3A_154 [1, 2] : vector<1x32x16xf32> to vector<1xf32>
    %reduce_sum3A_156 = vector.shape_cast %reduce_sum3A_155 : vector<1xf32> to vector<1x1x1xf32>
    %reduce_sum3A_157 = vector.extract %reduce_sum3A_156[0, 0, 0] : f32 from vector<1x1x1xf32>
    %get3A_158 = arith.constant 0 : index
    %get3A_159 = arith.constant 320 : index
    %get3A_160 = vector.load %arg0[%get3A_158, %get3A_159] : memref<32x512xf32, #tpu.memory_space<vmem>>, vector<32x16xf32>
    %reduce_sum3A_161 = vector.shape_cast %get3A_160 : vector<32x16xf32> to vector<1x32x16xf32>
    %reduce_sum3A_162 = arith.constant dense<0.000000e+00> : vector<1xf32>
    %reduce_sum3A_163 = vector.multi_reduction <add>, %reduce_sum3A_161, %reduce_sum3A_162 [1, 2] : vector<1x32x16xf32> to vector<1xf32>
    %reduce_sum3A_164 = vector.shape_cast %reduce_sum3A_163 : vector<1xf32> to vector<1x1x1xf32>
    %reduce_sum3A_165 = vector.extract %reduce_sum3A_164[0, 0, 0] : f32 from vector<1x1x1xf32>
    %get3A_166 = arith.constant 0 : index
    %get3A_167 = arith.constant 336 : index
    %get3A_168 = vector.load %arg0[%get3A_166, %get3A_167] : memref<32x512xf32, #tpu.memory_space<vmem>>, vector<32x16xf32>
    %reduce_sum3A_169 = vector.shape_cast %get3A_168 : vector<32x16xf32> to vector<1x32x16xf32>
    %reduce_sum3A_170 = arith.constant dense<0.000000e+00> : vector<1xf32>
    %reduce_sum3A_171 = vector.multi_reduction <add>, %reduce_sum3A_169, %reduce_sum3A_170 [1, 2] : vector<1x32x16xf32> to vector<1xf32>
    %reduce_sum3A_172 = vector.shape_cast %reduce_sum3A_171 : vector<1xf32> to vector<1x1x1xf32>
    %reduce_sum3A_173 = vector.extract %reduce_sum3A_172[0, 0, 0] : f32 from vector<1x1x1xf32>
    %get3A_174 = arith.constant 0 : index
    %get3A_175 = arith.constant 352 : index
    %get3A_176 = vector.load %arg0[%get3A_174, %get3A_175] : memref<32x512xf32, #tpu.memory_space<vmem>>, vector<32x16xf32>
    %reduce_sum3A_177 = vector.shape_cast %get3A_176 : vector<32x16xf32> to vector<1x32x16xf32>
    %reduce_sum3A_178 = arith.constant dense<0.000000e+00> : vector<1xf32>
    %reduce_sum3A_179 = vector.multi_reduction <add>, %reduce_sum3A_177, %reduce_sum3A_178 [1, 2] : vector<1x32x16xf32> to vector<1xf32>
    %reduce_sum3A_180 = vector.shape_cast %reduce_sum3A_179 : vector<1xf32> to vector<1x1x1xf32>
    %reduce_sum3A_181 = vector.extract %reduce_sum3A_180[0, 0, 0] : f32 from vector<1x1x1xf32>
    %get3A_182 = arith.constant 0 : index
    %get3A_183 = arith.constant 368 : index
    %get3A_184 = vector.load %arg0[%get3A_182, %get3A_183] : memref<32x512xf32, #tpu.memory_space<vmem>>, vector<32x16xf32>
    %reduce_sum3A_185 = vector.shape_cast %get3A_184 : vector<32x16xf32> to vector<1x32x16xf32>
    %reduce_sum3A_186 = arith.constant dense<0.000000e+00> : vector<1xf32>
    %reduce_sum3A_187 = vector.multi_reduction <add>, %reduce_sum3A_185, %reduce_sum3A_186 [1, 2] : vector<1x32x16xf32> to vector<1xf32>
    %reduce_sum3A_188 = vector.shape_cast %reduce_sum3A_187 : vector<1xf32> to vector<1x1x1xf32>
    %reduce_sum3A_189 = vector.extract %reduce_sum3A_188[0, 0, 0] : f32 from vector<1x1x1xf32>
    %get3A_190 = arith.constant 0 : index
    %get3A_191 = arith.constant 384 : index
    %get3A_192 = vector.load %arg0[%get3A_190, %get3A_191] : memref<32x512xf32, #tpu.memory_space<vmem>>, vector<32x16xf32>
    %reduce_sum3A_193 = vector.shape_cast %get3A_192 : vector<32x16xf32> to vector<1x32x16xf32>
    %reduce_sum3A_194 = arith.constant dense<0.000000e+00> : vector<1xf32>
    %reduce_sum3A_195 = vector.multi_reduction <add>, %reduce_sum3A_193, %reduce_sum3A_194 [1, 2] : vector<1x32x16xf32> to vector<1xf32>
    %reduce_sum3A_196 = vector.shape_cast %reduce_sum3A_195 : vector<1xf32> to vector<1x1x1xf32>
    %reduce_sum3A_197 = vector.extract %reduce_sum3A_196[0, 0, 0] : f32 from vector<1x1x1xf32>
    %get3A_198 = arith.constant 0 : index
    %get3A_199 = arith.constant 400 : index
    %get3A_200 = vector.load %arg0[%get3A_198, %get3A_199] : memref<32x512xf32, #tpu.memory_space<vmem>>, vector<32x16xf32>
    %reduce_sum3A_201 = vector.shape_cast %get3A_200 : vector<32x16xf32> to vector<1x32x16xf32>
    %reduce_sum3A_202 = arith.constant dense<0.000000e+00> : vector<1xf32>
    %reduce_sum3A_203 = vector.multi_reduction <add>, %reduce_sum3A_201, %reduce_sum3A_202 [1, 2] : vector<1x32x16xf32> to vector<1xf32>
    %reduce_sum3A_204 = vector.shape_cast %reduce_sum3A_203 : vector<1xf32> to vector<1x1x1xf32>
    %reduce_sum3A_205 = vector.extract %reduce_sum3A_204[0, 0, 0] : f32 from vector<1x1x1xf32>
    %get3A_206 = arith.constant 0 : index
    %get3A_207 = arith.constant 416 : index
    %get3A_208 = vector.load %arg0[%get3A_206, %get3A_207] : memref<32x512xf32, #tpu.memory_space<vmem>>, vector<32x16xf32>
    %reduce_sum3A_209 = vector.shape_cast %get3A_208 : vector<32x16xf32> to vector<1x32x16xf32>
    %reduce_sum3A_210 = arith.constant dense<0.000000e+00> : vector<1xf32>
    %reduce_sum3A_211 = vector.multi_reduction <add>, %reduce_sum3A_209, %reduce_sum3A_210 [1, 2] : vector<1x32x16xf32> to vector<1xf32>
    %reduce_sum3A_212 = vector.shape_cast %reduce_sum3A_211 : vector<1xf32> to vector<1x1x1xf32>
    %reduce_sum3A_213 = vector.extract %reduce_sum3A_212[0, 0, 0] : f32 from vector<1x1x1xf32>
    %get3A_214 = arith.constant 0 : index
    %get3A_215 = arith.constant 0 : index
    %get3A_216 = vector.load %arg1[%get3A_214, %get3A_215] : memref<8x64xf32, #tpu.memory_space<vmem>>, vector<1x64xf32>
    %get3A_217 = arith.constant 1 : index
    %get3A_218 = arith.constant 0 : index
    %get3A_219 = vector.load %arg1[%get3A_217, %get3A_218] : memref<8x64xf32, #tpu.memory_space<vmem>>, vector<1x64xf32>
    %get3A_220 = arith.constant 2 : index
    %get3A_221 = arith.constant 0 : index
    %get3A_222 = vector.load %arg1[%get3A_220, %get3A_221] : memref<8x64xf32, #tpu.memory_space<vmem>>, vector<1x64xf32>
    %get3A_223 = arith.constant 3 : index
    %get3A_224 = arith.constant 0 : index
    %get3A_225 = vector.load %arg1[%get3A_223, %get3A_224] : memref<8x64xf32, #tpu.memory_space<vmem>>, vector<1x64xf32>
    %get3A_226 = arith.constant 4 : index
    %get3A_227 = arith.constant 0 : index
    %get3A_228 = vector.load %arg1[%get3A_226, %get3A_227] : memref<8x64xf32, #tpu.memory_space<vmem>>, vector<1x64xf32>
    %get3A_229 = arith.constant 5 : index
    %get3A_230 = arith.constant 0 : index
    %get3A_231 = vector.load %arg1[%get3A_229, %get3A_230] : memref<8x64xf32, #tpu.memory_space<vmem>>, vector<1x64xf32>
    %mul3A = vector.broadcast %reduce_sum3A_5 : f32 to vector<1x64xf32>
    %mul3A_232 = arith.mulf %get3A_216, %mul3A : vector<1x64xf32>
    %mul3A_233 = vector.broadcast %reduce_sum3A_13 : f32 to vector<1x64xf32>
    %mul3A_234 = arith.mulf %get3A_219, %mul3A_233 : vector<1x64xf32>
    %add3A = arith.addf %mul3A_232, %mul3A_234 : vector<1x64xf32>
    %mul3A_235 = vector.broadcast %reduce_sum3A_21 : f32 to vector<1x64xf32>
    %mul3A_236 = arith.mulf %get3A_222, %mul3A_235 : vector<1x64xf32>
    %add3A_237 = arith.addf %add3A, %mul3A_236 : vector<1x64xf32>
    %mul3A_238 = vector.broadcast %reduce_sum3A_149 : f32 to vector<1x64xf32>
    %mul3A_239 = arith.mulf %get3A_225, %mul3A_238 : vector<1x64xf32>
    %mul3A_240 = vector.broadcast %reduce_sum3A_157 : f32 to vector<1x64xf32>
    %mul3A_241 = arith.mulf %get3A_228, %mul3A_240 : vector<1x64xf32>
    %add3A_242 = arith.addf %mul3A_239, %mul3A_241 : vector<1x64xf32>
    %mul3A_243 = vector.broadcast %reduce_sum3A_165 : f32 to vector<1x64xf32>
    %mul3A_244 = arith.mulf %get3A_231, %mul3A_243 : vector<1x64xf32>
    %add3A_245 = arith.addf %add3A_242, %mul3A_244 : vector<1x64xf32>
    %mul3A_246 = arith.constant 2.000000e+01 : f32
    %mul3A_247 = vector.broadcast %mul3A_246 : f32 to vector<1x64xf32>
    %mul3A_248 = arith.mulf %mul3A_247, %add3A_245 : vector<1x64xf32>
    %add3A_249 = arith.addf %add3A_237, %mul3A_248 : vector<1x64xf32>
    %mul3A_250 = arith.mulf %get3A_216, %get3A_216 : vector<1x64xf32>
    %mul3A_251 = vector.broadcast %reduce_sum3A_29 : f32 to vector<1x64xf32>
    %mul3A_252 = arith.mulf %mul3A_250, %mul3A_251 : vector<1x64xf32>
    %mul3A_253 = arith.mulf %get3A_219, %get3A_219 : vector<1x64xf32>
    %mul3A_254 = vector.broadcast %reduce_sum3A_37 : f32 to vector<1x64xf32>
    %mul3A_255 = arith.mulf %mul3A_253, %mul3A_254 : vector<1x64xf32>
    %add3A_256 = arith.addf %mul3A_252, %mul3A_255 : vector<1x64xf32>
    %mul3A_257 = arith.mulf %get3A_222, %get3A_222 : vector<1x64xf32>
    %mul3A_258 = vector.broadcast %reduce_sum3A_45 : f32 to vector<1x64xf32>
    %mul3A_259 = arith.mulf %mul3A_257, %mul3A_258 : vector<1x64xf32>
    %add3A_260 = arith.addf %add3A_256, %mul3A_259 : vector<1x64xf32>
    %mul3A_261 = arith.mulf %get3A_216, %get3A_219 : vector<1x64xf32>
    %mul3A_262 = vector.broadcast %reduce_sum3A_53 : f32 to vector<1x64xf32>
    %mul3A_263 = arith.mulf %mul3A_261, %mul3A_262 : vector<1x64xf32>
    %mul3A_264 = arith.mulf %get3A_216, %get3A_222 : vector<1x64xf32>
    %mul3A_265 = vector.broadcast %reduce_sum3A_61 : f32 to vector<1x64xf32>
    %mul3A_266 = arith.mulf %mul3A_264, %mul3A_265 : vector<1x64xf32>
    %add3A_267 = arith.addf %mul3A_263, %mul3A_266 : vector<1x64xf32>
    %mul3A_268 = arith.mulf %get3A_219, %get3A_222 : vector<1x64xf32>
    %mul3A_269 = vector.broadcast %reduce_sum3A_69 : f32 to vector<1x64xf32>
    %mul3A_270 = arith.mulf %mul3A_268, %mul3A_269 : vector<1x64xf32>
    %add3A_271 = arith.addf %add3A_267, %mul3A_270 : vector<1x64xf32>
    %mul3A_272 = arith.constant 2.000000e+00 : f32
    %mul3A_273 = vector.broadcast %mul3A_272 : f32 to vector<1x64xf32>
    %mul3A_274 = arith.mulf %mul3A_273, %add3A_271 : vector<1x64xf32>
    %add3A_275 = arith.addf %add3A_260, %mul3A_274 : vector<1x64xf32>
    %mul3A_276 = arith.mulf %get3A_225, %get3A_216 : vector<1x64xf32>
    %mul3A_277 = vector.broadcast %reduce_sum3A_77 : f32 to vector<1x64xf32>
    %mul3A_278 = arith.mulf %mul3A_276, %mul3A_277 : vector<1x64xf32>
    %mul3A_279 = arith.mulf %get3A_225, %get3A_219 : vector<1x64xf32>
    %mul3A_280 = vector.broadcast %reduce_sum3A_85 : f32 to vector<1x64xf32>
    %mul3A_281 = arith.mulf %mul3A_279, %mul3A_280 : vector<1x64xf32>
    %add3A_282 = arith.addf %mul3A_278, %mul3A_281 : vector<1x64xf32>
    %mul3A_283 = arith.mulf %get3A_225, %get3A_222 : vector<1x64xf32>
    %mul3A_284 = vector.broadcast %reduce_sum3A_93 : f32 to vector<1x64xf32>
    %mul3A_285 = arith.mulf %mul3A_283, %mul3A_284 : vector<1x64xf32>
    %add3A_286 = arith.addf %add3A_282, %mul3A_285 : vector<1x64xf32>
    %mul3A_287 = arith.mulf %get3A_228, %get3A_216 : vector<1x64xf32>
    %mul3A_288 = vector.broadcast %reduce_sum3A_101 : f32 to vector<1x64xf32>
    %mul3A_289 = arith.mulf %mul3A_287, %mul3A_288 : vector<1x64xf32>
    %add3A_290 = arith.addf %add3A_286, %mul3A_289 : vector<1x64xf32>
    %mul3A_291 = arith.mulf %get3A_228, %get3A_219 : vector<1x64xf32>
    %mul3A_292 = vector.broadcast %reduce_sum3A_109 : f32 to vector<1x64xf32>
    %mul3A_293 = arith.mulf %mul3A_291, %mul3A_292 : vector<1x64xf32>
    %add3A_294 = arith.addf %add3A_290, %mul3A_293 : vector<1x64xf32>
    %mul3A_295 = arith.mulf %get3A_228, %get3A_222 : vector<1x64xf32>
    %mul3A_296 = vector.broadcast %reduce_sum3A_117 : f32 to vector<1x64xf32>
    %mul3A_297 = arith.mulf %mul3A_295, %mul3A_296 : vector<1x64xf32>
    %add3A_298 = arith.addf %add3A_294, %mul3A_297 : vector<1x64xf32>
    %mul3A_299 = arith.mulf %get3A_231, %get3A_216 : vector<1x64xf32>
    %mul3A_300 = vector.broadcast %reduce_sum3A_125 : f32 to vector<1x64xf32>
    %mul3A_301 = arith.mulf %mul3A_299, %mul3A_300 : vector<1x64xf32>
    %add3A_302 = arith.addf %add3A_298, %mul3A_301 : vector<1x64xf32>
    %mul3A_303 = arith.mulf %get3A_231, %get3A_219 : vector<1x64xf32>
    %mul3A_304 = vector.broadcast %reduce_sum3A_133 : f32 to vector<1x64xf32>
    %mul3A_305 = arith.mulf %mul3A_303, %mul3A_304 : vector<1x64xf32>
    %add3A_306 = arith.addf %add3A_302, %mul3A_305 : vector<1x64xf32>
    %mul3A_307 = arith.mulf %get3A_231, %get3A_222 : vector<1x64xf32>
    %mul3A_308 = vector.broadcast %reduce_sum3A_141 : f32 to vector<1x64xf32>
    %mul3A_309 = arith.mulf %mul3A_307, %mul3A_308 : vector<1x64xf32>
    %add3A_310 = arith.addf %add3A_306, %mul3A_309 : vector<1x64xf32>
    %mul3A_311 = arith.mulf %get3A_225, %get3A_225 : vector<1x64xf32>
    %mul3A_312 = vector.broadcast %reduce_sum3A_173 : f32 to vector<1x64xf32>
    %mul3A_313 = arith.mulf %mul3A_311, %mul3A_312 : vector<1x64xf32>
    %mul3A_314 = arith.mulf %get3A_228, %get3A_228 : vector<1x64xf32>
    %mul3A_315 = vector.broadcast %reduce_sum3A_181 : f32 to vector<1x64xf32>
    %mul3A_316 = arith.mulf %mul3A_314, %mul3A_315 : vector<1x64xf32>
    %add3A_317 = arith.addf %mul3A_313, %mul3A_316 : vector<1x64xf32>
    %mul3A_318 = arith.mulf %get3A_231, %get3A_231 : vector<1x64xf32>
    %mul3A_319 = vector.broadcast %reduce_sum3A_189 : f32 to vector<1x64xf32>
    %mul3A_320 = arith.mulf %mul3A_318, %mul3A_319 : vector<1x64xf32>
    %add3A_321 = arith.addf %add3A_317, %mul3A_320 : vector<1x64xf32>
    %mul3A_322 = arith.mulf %get3A_225, %get3A_228 : vector<1x64xf32>
    %mul3A_323 = vector.broadcast %reduce_sum3A_197 : f32 to vector<1x64xf32>
    %mul3A_324 = arith.mulf %mul3A_322, %mul3A_323 : vector<1x64xf32>
    %mul3A_325 = arith.mulf %get3A_225, %get3A_231 : vector<1x64xf32>
    %mul3A_326 = vector.broadcast %reduce_sum3A_205 : f32 to vector<1x64xf32>
    %mul3A_327 = arith.mulf %mul3A_325, %mul3A_326 : vector<1x64xf32>
    %add3A_328 = arith.addf %mul3A_324, %mul3A_327 : vector<1x64xf32>
    %mul3A_329 = arith.mulf %get3A_228, %get3A_231 : vector<1x64xf32>
    %mul3A_330 = vector.broadcast %reduce_sum3A_213 : f32 to vector<1x64xf32>
    %mul3A_331 = arith.mulf %mul3A_329, %mul3A_330 : vector<1x64xf32>
    %add3A_332 = arith.addf %add3A_328, %mul3A_331 : vector<1x64xf32>
    %mul3A_333 = arith.constant 2.000000e+00 : f32
    %mul3A_334 = vector.broadcast %mul3A_333 : f32 to vector<1x64xf32>
    %mul3A_335 = arith.mulf %mul3A_334, %add3A_332 : vector<1x64xf32>
    %add3A_336 = arith.addf %add3A_321, %mul3A_335 : vector<1x64xf32>
    %mul3A_337 = arith.constant 2.000000e+00 : f32
    %mul3A_338 = vector.broadcast %mul3A_337 : f32 to vector<1x64xf32>
    %mul3A_339 = arith.mulf %mul3A_338, %add3A_310 : vector<1x64xf32>
    %add3A_340 = arith.addf %add3A_275, %mul3A_339 : vector<1x64xf32>
    %mul3A_341 = arith.constant 2.000000e+01 : f32
    %mul3A_342 = vector.broadcast %mul3A_341 : f32 to vector<1x64xf32>
    %mul3A_343 = arith.mulf %mul3A_342, %add3A_336 : vector<1x64xf32>
    %add3A_344 = arith.addf %add3A_340, %mul3A_343 : vector<1x64xf32>
    %div3A = arith.constant 6.553600e+05 : f32
    %div3A_345 = vector.broadcast %div3A : f32 to vector<1x64xf32>
    %div3A_346 = arith.divf %add3A_249, %div3A_345 : vector<1x64xf32>
    %div3A_347 = arith.constant 6.553600e+05 : f32
    %div3A_348 = vector.broadcast %div3A_347 : f32 to vector<1x64xf32>
    %div3A_349 = arith.divf %add3A_344, %div3A_348 : vector<1x64xf32>
    %mul3A_350 = arith.mulf %div3A_346, %div3A_346 : vector<1x64xf32>
    %sub3A = arith.subf %div3A_349, %mul3A_350 : vector<1x64xf32>
    %add3A_351 = arith.constant 9.99999974E-6 : f32
    %add3A_352 = vector.broadcast %add3A_351 : f32 to vector<1x64xf32>
    %add3A_353 = arith.addf %sub3A, %add3A_352 : vector<1x64xf32>
    %sqrt3A = math.sqrt %add3A_353 : vector<1x64xf32>
    %div3A_354 = arith.constant 1.000000e+00 : f32
    %div3A_355 = vector.broadcast %div3A_354 : f32 to vector<1x64xf32>
    %div3A_356 = arith.divf %div3A_355, %sqrt3A : vector<1x64xf32>
    %get3A_357 = arith.constant 0 : index
    %get3A_358 = arith.constant 0 : index
    %get3A_359 = vector.load %arg2[%get3A_357, %get3A_358] : memref<1x64xf32, #tpu.memory_space<vmem>>, vector<1x64xf32>
    %mul3A_360 = arith.mulf %get3A_359, %div3A_356 : vector<1x64xf32>
    %get3A_361 = arith.constant 0 : index
    %get3A_362 = arith.constant 0 : index
    %get3A_363 = vector.load %arg3[%get3A_361, %get3A_362] : memref<1x64xf32, #tpu.memory_space<vmem>>, vector<1x64xf32>
    %mul3A_364 = arith.mulf %div3A_346, %mul3A_360 : vector<1x64xf32>
    %sub3A_365 = arith.subf %get3A_363, %mul3A_364 : vector<1x64xf32>
    %broadcast_in_dim3A = arith.constant 0.000000e+00 : f32
    %broadcast_in_dim3A_366 = vector.broadcast %broadcast_in_dim3A : f32 to vector<6x64xf32>
    %concatenate3A = tpu.concatenate %mul3A_360, %sub3A_365, %broadcast_in_dim3A_366 in 0 : vector<1x64xf32>, vector<1x64xf32>, vector<6x64xf32> -> vector<8x64xf32>
    %swap3A = arith.constant 0 : index
    %swap3A_367 = arith.constant 0 : index
    %swap3A_368 = vector.load %arg4[%swap3A, %swap3A_367] : memref<8x64xf32, #tpu.memory_space<vmem>>, vector<8x64xf32>
    tpu.vector_store %arg4[%swap3A, %swap3A_367], %concatenate3A {strides = array<i32>} : memref<8x64xf32, #tpu.memory_space<vmem>>, vector<8x64xf32>,
    return
  }
}

module attributes {stable_mosaic.version = 14 : i64} {
  func.func @_tc_apply_body(%arg0: i32, %arg1: i32, %arg2: memref<1x512x128xf32, #tpu.memory_space<vmem>>, %arg3: memref<1x512x8xf32, #tpu.memory_space<vmem>>, %arg4: memref<8x64xf32, #tpu.memory_space<vmem>>, %arg5: memref<8x64xf32, #tpu.memory_space<vmem>>, %arg6: memref<1x512x64xf32, #tpu.memory_space<vmem>>) attributes {dimension_semantics = [#tpu.dimension_semantics<arbitrary>, #tpu.dimension_semantics<arbitrary>], iteration_bounds = array<i64: 16, 4>, scalar_prefetch = 0 : i64, scratch_operands = 0 : i64, tpu.core_type = #tpu.core_type<tc>, window_params = [{transform_indices = @transform_0, window_bounds = array<i64: 1, 512, 128>}, {transform_indices = @transform_1, window_bounds = array<i64: 1, 512, 8>}, {pipeline_mode = #tpu.pipeline_mode<synchronous>, transform_indices = @transform_2, window_bounds = array<i64: 8, 64>}, {pipeline_mode = #tpu.pipeline_mode<synchronous>, transform_indices = @transform_3, window_bounds = array<i64: 8, 64>}, {transform_indices = @transform_4, window_bounds = array<i64: 1, 512, 64>}]} {
    %get3A = arith.constant 0 : index
    %get3A_0 = arith.constant 0 : index
    %get3A_1 = arith.constant 0 : index
    %get3A_2 = vector.load %arg3[%get3A, %get3A_0, %get3A_1] : memref<1x512x8xf32, #tpu.memory_space<vmem>>, vector<1x512x8xf32>
    %get3A_3 = vector.shape_cast %get3A_2 : vector<1x512x8xf32> to vector<512x8xf32>
    %get3A_4 = arith.constant 0 : index
    %get3A_5 = arith.constant 0 : index
    %get3A_6 = vector.load %arg4[%get3A_4, %get3A_5] : memref<8x64xf32, #tpu.memory_space<vmem>>, vector<8x64xf32>
    %dot_general3A = arith.constant dense<0.000000e+00> : vector<512x64xf32>
    %dot_general3A_7 = tpu.matmul %get3A_3, %get3A_6, %dot_general3A {dimension_numbers = #tpu.dot_dimension_numbers<[1], [0], [0], [1], [0, 0, 1, 1], [], []>, transpose_lhs_hint = false} : vector<512x8xf32>, vector<8x64xf32>, vector<512x64xf32> -> vector<512x64xf32>
    %get3A_8 = arith.constant 0 : index
    %get3A_9 = arith.constant 0 : index
    %get3A_10 = arith.constant 0 : index
    %get3A_11 = vector.load %arg2[%get3A_8, %get3A_9, %get3A_10] : memref<1x512x128xf32, #tpu.memory_space<vmem>>, vector<1x512x128xf32>
    %get3A_12 = vector.shape_cast %get3A_11 : vector<1x512x128xf32> to vector<512x128xf32>
    %slice3A = vector.extract_strided_slice %get3A_12 {offsets = [0, 0], sizes = [512, 64], strides = [1, 1]} : vector<512x128xf32> to vector<512x64xf32>
    %slice3A_13 = vector.extract_strided_slice %get3A_12 {offsets = [0, 64], sizes = [512, 64], strides = [1, 1]} : vector<512x128xf32> to vector<512x64xf32>
    %get3A_14 = arith.constant 0 : index
    %get3A_15 = arith.constant 0 : index
    %get3A_16 = vector.load %arg5[%get3A_14, %get3A_15] : memref<8x64xf32, #tpu.memory_space<vmem>>, vector<1x64xf32>
    %get3A_17 = arith.constant 1 : index
    %get3A_18 = arith.constant 0 : index
    %get3A_19 = vector.load %arg5[%get3A_17, %get3A_18] : memref<8x64xf32, #tpu.memory_space<vmem>>, vector<1x64xf32>
    %ge3A = arith.constant 0.000000e+00 : f32
    %ge3A_20 = vector.broadcast %ge3A : f32 to vector<1x64xf32>
    %ge3A_21 = arith.cmpf oge, %get3A_16, %ge3A_20 : vector<1x64xf32>
    %broadcast_in_dim3A = vector.shape_cast %ge3A_21 : vector<1x64xi1> to vector<1x64xi1>
    %broadcast_in_dim3A_22 = vector.broadcast %broadcast_in_dim3A : vector<1x64xi1> to vector<512x64xi1>
    %select_n3A = arith.select %broadcast_in_dim3A_22, %slice3A, %slice3A_13 : vector<512x64xi1>, vector<512x64xf32>
    %add3A = arith.addf %select_n3A, %dot_general3A_7 : vector<512x64xf32>
    %mul3A = vector.broadcast %get3A_16 : vector<1x64xf32> to vector<512x64xf32>
    %mul3A_23 = arith.mulf %add3A, %mul3A : vector<512x64xf32>
    %add3A_24 = vector.broadcast %get3A_19 : vector<1x64xf32> to vector<512x64xf32>
    %add3A_25 = arith.addf %mul3A_23, %add3A_24 : vector<512x64xf32>
    %ge3A_26 = arith.constant 0.000000e+00 : f32
    %ge3A_27 = vector.broadcast %ge3A_26 : f32 to vector<512x64xf32>
    %ge3A_28 = arith.cmpf oge, %add3A_25, %ge3A_27 : vector<512x64xf32>
    %mul3A_29 = arith.constant 2.000000e-01 : f32
    %mul3A_30 = vector.broadcast %mul3A_29 : f32 to vector<512x64xf32>
    %mul3A_31 = arith.mulf %mul3A_30, %add3A_25 : vector<512x64xf32>
    %select_n3A_32 = arith.select %ge3A_28, %add3A_25, %mul3A_31 : vector<512x64xi1>, vector<512x64xf32>
    %swap3A = arith.constant 0 : index
    %swap3A_33 = arith.constant 0 : index
    %swap3A_34 = arith.constant 0 : index
    %swap3A_35 = vector.load %arg6[%swap3A, %swap3A_33, %swap3A_34] : memref<1x512x64xf32, #tpu.memory_space<vmem>>, vector<1x512x64xf32>
    %swap3A_36 = vector.shape_cast %swap3A_35 : vector<1x512x64xf32> to vector<512x64xf32>
    %swap3A_37 = vector.shape_cast %select_n3A_32 : vector<512x64xf32> to vector<1x512x64xf32>
    tpu.vector_store %arg6[%swap3A, %swap3A_33, %swap3A_34], %swap3A_37 {strides = array<i32>} : memref<1x512x64xf32, #tpu.memory_space<vmem>>, vector<1x512x64xf32>,
    return
  }
  func.func @transform_0(%arg0: i32, %arg1: i32) -> (i32, i32, i32) {
    %c0_i32 = arith.constant 0 : i32
    %c0_i32_0 = arith.constant 0 : i32
    return %arg0, %arg1, %c0_i32 : i32, i32, i32
  }
  func.func @transform_1(%arg0: i32, %arg1: i32) -> (i32, i32, i32) {
    %c0_i32 = arith.constant 0 : i32
    %c0_i32_0 = arith.constant 0 : i32
    return %arg0, %arg1, %c0_i32 : i32, i32, i32
  }
  func.func @transform_2(%arg0: i32, %arg1: i32) -> (i32, i32) {
    %c0_i32 = arith.constant 0 : i32
    %c0_i32_0 = arith.constant 0 : i32
    %c0_i32_1 = arith.constant 0 : i32
    return %c0_i32, %c0_i32_0 : i32, i32
  }
  func.func @transform_3(%arg0: i32, %arg1: i32) -> (i32, i32) {
    %c0_i32 = arith.constant 0 : i32
    %c0_i32_0 = arith.constant 0 : i32
    %c0_i32_1 = arith.constant 0 : i32
    return %c0_i32, %c0_i32_0 : i32, i32
  }
  func.func @transform_4(%arg0: i32, %arg1: i32) -> (i32, i32, i32) {
    %c0_i32 = arith.constant 0 : i32
    %c0_i32_0 = arith.constant 0 : i32
    return %arg0, %arg1, %c0_i32 : i32, i32, i32
  }
}

</mosaic_0001>

<sc_bundles>
// kernel: kernel.5.cloned.1.call-start
scs
__scs_entry_jumppad:
0x0: {  	(pc) =	sbr.rel $0x88, $3  }
0x1: {  	(tag) =	ssettag $0x0;
	lr =	simm.s32 $0x1  }
0x2: {  	[smem:$0x3F9D] =	sst lr;
	_ =	strace $0xD0000000  }
0x3: {  	_ = 	snop  }
0x4: {  	_ = 	snop  }
0x5: {  	_ = 	snop  }
0x6: {  	_ = 	snop  }
0x7: {  	_ = 	snop  }
__scs_overlays_trampoline_lowered:
0x8: {  	[smem:$0x3FAC] =	sst s0  }
0x9: {  	[smem:$0x3FAD] =	sst s1  }
0xa: {  	[smem:$0x3FAE] =	sst s2  }
0xb: {  	[smem:$0x3FAF] =	sst s3  }
0xc: {  	[smem:$0x3FB0] =	sst s4  }
0xd: {  	[smem:$0x3FB1] =	sst s5  }
0xe: {  	[smem:$0x3FB2] =	sst s6  }
0xf: {  	[smem:$0x3FB3] =	sst s7  }
0x10: {  	[smem:$0x3FB4] =	sst s8  }
0x11: {  	[smem:$0x3FB5] =	sst s9;
	s0 =	simm.s32 @!p0 $0x0  }
0x12: {  	s1 =	sld [smem:$0x3F9B];
	s0 =	simm.s32 @p0 $0x1  }
0x13: {  	[smem:$0x3FB6] =	sst s0;
	s0 =	simm.s32 @!p1 $0x0  }
0x14: {  	s2 =	sld [smem:$0x3F9A];
	s0 =	simm.s32 @p1 $0x1  }
0x15: {  	[smem:$0x3FB7] =	sst s0;
	s0 =	simm.s32 @!p2 $0x0  }
0x16: {  	s3 =	sld [smem:$0x3FDB];
	s0 =	simm.s32 @p2 $0x1  }
0x17: {  	s4 =	simm.s32 $0x1BF5;
	[smem:$0x3FB9] =	sst s0  }
0x18: {  	s0 =	sld [smem:$0x3F9C];
	_ =	swait.ge [sflag:s4], $0x0  }
0x19: {  	s7 =	sld [smem:$0x3F9D]  }
0x1a: {  	s8 =	sadd.s32 $0xFFFFE003, lr  }
0x1b: {  	s9 =	sadd.s32 $0xFFFFFEF7, lr;
	s5 =	simm.s32 $0xFFFFFFFF;
	p2 =	slt.u32 s8, $0xFFFFF086  }
0x1c: {  	p1 =	slt.u32 s9, $0xF7A;
	s5 =	simm.s32 @!p2 $0x0  }
0x1d: {  	s5 =	simm.s32 @p1 $0x1;
	p0 =	seq.s32 s7, s2  }
0x1e: {  	s7 =	smul.u32 @!p0 $0xF7A, s2;
	p2 =	seq.s32 @!p0 s5, $0x0  }
0x1f: {  	s9 =	smul.u32 $0xF7A, s1;
	s8 =	simm.s32 @!p0 $0x1BF5;
	p2 =	por !p2, p0  }
0x20: {  	[sflag:s8] =	ssyncset.s32 @!p0 $0xFFFFF086;
	s6 =	sadd.s32 @!p0 s3, s7;
	s7 =	simm.s32 @!p0 $0x108  }
0x21: {  	s3 =	sadd.s32 s3, s9;
	s6 =	sadd.s32 @!p0 $0x88, s6;
	s7 =	simm.s32 @p2 $0x1082  }
0x22: {  	[simem:s7], [sflag:s8] =	dma.local @!p0 [hbm:s6], $0xF7A  }
0x23: {  	s9 =	sor.u32 $0xD0000000, s2;
	s6 =	simm.s32 $0x108;
	_ =	swait.ge @!p0 [sflag:s8], $0x0  }
0x24: {  	s3 =	sadd.s32 $0x88, s3;
	s6 =	simm.s32 @!p1 $0x1082;
	[sflag:s4] =	ssyncset.s32 $0xFFFFF086  }
0x25: {  	[simem:s6], [sflag:s4] =	dma.local [hbm:s3], $0xF7A  }
0x26: {  	[smem:$0x3F9D] =	sst s1;
	(tag) =	ssettag s2;
	_ =	strace s9  }
0x27: {  	s1 =	sld [smem:$0x3FAD]  }
0x28: {  	s2 =	sld [smem:$0x3FAE]  }
0x29: {  	s4 =	sld [smem:$0x3FB0]  }
0x2a: {  	p0 =	seq.s32 s5, $0x0;
	s5 =	sld [smem:$0x3FB1]  }
0x2b: {  	s6 =	sld [smem:$0x3FB2]  }
0x2c: {  	s7 =	sld [smem:$0x3FB3]  }
0x2d: {  	s3 =	simm.s32 $0x108;
	s8 =	sld [smem:$0x3FB4]  }
0x2e: {  	s3 =	simm.s32 @!p0 $0x1082;
	s9 =	sld [smem:$0x3FB5]  }
0x2f: {  	lr =	sadd.s32 s0, s3;
	s0 =	sld [smem:$0x3FAC]  }
0x30: {  	s3 =	sld [smem:$0x3FAF]  }
0x31: {  	[smem:$0x3FB8] =	sst s10  }
0x32: {  	s10 =	sld [smem:$0x3FB6];
	_ =	sdelay $0x3  }
0x33: {  	p0 =	seq.s32 s10, $0x1;
	s10 =	sld [smem:$0x3FB8];
	_ =	sdelay $0x3  }
0x34: {  	[smem:$0x3FB8] =	sst s10  }
0x35: {  	s10 =	sld [smem:$0x3FB7];
	_ =	sdelay $0x3  }
0x36: {  	p1 =	seq.s32 s10, $0x1;
	s10 =	sld [smem:$0x3FB8];
	_ =	sdelay $0x3  }
0x37: {  	[smem:$0x3FB8] =	sst s10  }
0x38: {  	s10 =	sld [smem:$0x3FB9]  }
0x39: {  	_ = 	snop;
	(pc) =	sbr.ind lr, $3  }
0x3a: {  	_ = 	snop  }
0x3b: {  	_ = 	snop  }
0x3c: {  	p2 =	seq.s32 s10, $0x1;
	s10 =	sld [smem:$0x3FB8]  }
0x3d: {  	_ =	shalt  }
0x3e: {  	_ =	shalt  }
0x3f: {  	_ =	shalt  }
0x40: {  	_ =	shalt  }
0x41: {  	_ =	shalt  }
0x42: {  	_ =	shalt  }
0x43: {  	_ =	shalt  }
0x44: {  	_ =	shalt  }
0x45: {  	_ =	shalt  }
0x46: {  	_ =	shalt  }
0x47: {  	_ =	shalt  }
0x48: {  	_ =	shalt  }
0x49: {  	_ =	shalt  }
0x4a: {  	_ =	shalt  }
0x4b: {  	_ =	shalt  }
0x4c: {  	_ =	shalt  }
0x4d: {  	_ =	shalt  }
0x4e: {  	_ =	shalt  }
0x4f: {  	_ =	shalt  }
0x50: {  	_ =	shalt  }
0x51: {  	_ =	shalt  }
0x52: {  	_ =	shalt  }
0x53: {  	_ =	shalt  }
0x54: {  	_ =	shalt  }
0x55: {  	_ =	shalt  }
0x56: {  	_ =	shalt  }
0x57: {  	_ =	shalt  }
0x58: {  	_ =	shalt  }
0x59: {  	_ =	shalt  }
0x5a: {  	_ =	shalt  }
0x5b: {  	_ =	shalt  }
0x5c: {  	_ =	shalt  }
0x5d: {  	_ =	shalt  }
0x5e: {  	_ =	shalt  }
0x5f: {  	_ =	shalt  }
0x60: {  	_ =	shalt  }
0x61: {  	_ =	shalt  }
0x62: {  	_ =	shalt  }
0x63: {  	_ =	shalt  }
0x64: {  	_ =	shalt  }
0x65: {  	_ =	shalt  }
0x66: {  	_ =	shalt  }
0x67: {  	_ =	shalt  }
0x68: {  	_ =	shalt  }
0x69: {  	_ =	shalt  }
0x6a: {  	_ =	shalt  }
0x6b: {  	_ =	shalt  }
0x6c: {  	_ =	shalt  }
0x6d: {  	_ =	shalt  }
0x6e: {  	_ =	shalt  }
0x6f: {  	_ =	shalt  }
0x70: {  	_ =	shalt  }
0x71: {  	_ =	shalt  }
0x72: {  	_ =	shalt  }
0x73: {  	_ =	shalt  }
0x74: {  	_ =	shalt  }
0x75: {  	_ =	shalt  }
0x76: {  	_ =	shalt  }
0x77: {  	_ =	shalt  }
0x78: {  	_ =	shalt  }
0x79: {  	_ =	shalt  }
0x7a: {  	_ =	shalt  }
0x7b: {  	_ =	shalt  }
0x7c: {  	_ =	shalt  }
0x7d: {  	_ =	shalt  }
0x7e: {  	_ =	shalt  }
0x7f: {  	_ =	shalt  }
0x80: {  	_ =	shalt  }
0x81: {  	_ =	shalt  }
0x82: {  	_ =	shalt  }
0x83: {  	_ =	shalt  }
0x84: {  	_ =	shalt  }
0x85: {  	_ =	shalt  }
0x86: {  	_ =	shalt  }
0x87: {  	_ =	shalt  }
.Lfunc_end0:
.L_simem_size_0:
called_computation_lowered:
.L_overlay_start_0:
0x88: {  	s2 =	sld [smem:$0x3FD9]  }
0x89: {  	s3 =	sld [smem:$0x3FFE];
	_ =	sdelay $0x1  }
0x8a: {  	s1 =	srdreg.scid  }
0x8b: {  	s0 =	sand.u32 $0x1, s1  }
0x8c: {  	s17 =	sshll.u32 s0, $0xA;
	s2 =	sadd.s32 s3, s2  }
0x8d: {  	s2 =	sadd.s32 s2, s17  }
0x8e: {  	[smem:$0x3FC4] =	sst s2  }
0x8f: {  	_ = 	snop  }
0x90: {  	s2 =	sld [smem:$0x3FD0];
	(tm) =	ssettm $0x1  }
0x91: {  	s18 =	sld [smem:$0x3FFB];
	_ =	sdelay $0x3  }
0x92: {  	_ =	strace s18  }
0x93: {  	s3 =	sld [smem:$0x3FFC];
	_ =	sdelay $0x3  }
0x94: {  	_ =	strace s3  }
0x95: {  	s3 =	sld [smem:$0x3FFD];
	_ =	sdelay $0x3  }
0x96: {  	_ =	strace s3  }
0x97: {  	_ =	strace $0x8FFFFFFF  }
0x98: {  	s19 =	sld [smem:$0x3FDB];
	_ =	sdelay $0x1  }
0x99: {  	s4 =	simm.s32 $_scs_section_size  }
0x9a: {  	s5 =	simm.s32 $_size__tile_overlayer_lowered;
	s6 =	simm.s32 $_tile_overlayer_lowered  }
0x9b: {  	s22 =	simm.s32 $0x1BFF;
	s21 =	sshll.u32 s6, $0x1;
	s3 =	sadd.s32 s4, s19  }
0x9c: {  	s7 =	simm.s32 $0x0;
	s20 =	sshll.u32 s5, $0x1;
	s5 =	sadd.s32 s21, s3  }
0x9d: {  	[timem:s7], [sflag:s22] =	dma.local [hbm:s5], s20  }
0x9e: {  	_ =	swait.ge [sflag:s22], s20  }
0x9f: {  	s4 =	ssub.s32 $0x0, s20;
	[sflag:s22] =	ssyncset.done $0x0  }
0xa0: {  	[sflag:s22] =	ssyncadd.s32 s4;
	_ =	sdelay $0x1  }
0xa1: {  	s23 =	simm.s32 $0x1B8B  }
0xa2: {  	_ =	swait.ge [sflag:s23], $0x1  }
0xa3: {  	[sflag:s23] =	ssyncset.done $0x0  }
0xa4: {  	s25 =	simm.s32 $0x1B8E;
	s24 =	sld [smem:$0x3FFE];
	[sflag:s23] =	ssyncadd.s32 $0xFFFFFFFF  }
0xa5: {  	s26 =	simm.s32 $execute0_lowered;
	[smem:$0x3FD2] =	sst s25  }
0xa6: {  	s5 =	sshll.u32 s26, $0x1;
	_ =	strace $0x80000046;
	[dreg:$0x1] =	wrdreg $0xFFFFFFFF  }
0xa7: {  	s28 =	simm.s32 $_size_execute0_lowered;
	s3 =	sadd.s32 s3, s5;
	[dreg:$0x0] =	wrdreg $0x0  }
0xa8: {  	s5 =	sshll.u32 s28, $0x1;
	[dreg:$0x2] =	wrdreg s3  }
0xa9: {  	[dreg:$0x3] =	wrdreg s5  }
0xaa: {  	[dreg:$0x4] =	wrdreg $0xC0  }
0xab: {  	_ =	task [dreg:s7], $0x5FFFF  }
0xac: {  	[dreg:$0x1] =	wrdreg $0xFFFFFFFF  }
0xad: {  	[dreg:$0x0] =	wrdreg $0x60  }
0xae: {  	[dreg:$0x2] =	wrdreg s2  }
0xaf: {  	[dreg:$0x3] =	wrdreg s24  }
0xb0: {  	[dreg:$0x4] =	wrdreg $0x9  }
0xb1: {  	_ =	task.clear_ibuf [dreg:s7], $0x5FFFF;
	_ =	strace $0x90000046  }
0xb2: {  	s29 =	simm.s32 $0x9;
	_ =	strace $0x80000048  }
0xb3: {  	_ =	swait.ge [sflag:s29], $0x1  }
0xb4: {  	[sflag:s29] =	ssyncadd.s32 $0xFFFFFFFF  }
0xb5: {  	_ =	strace $0x90000048  }
0xb6: {  	_ =	sfence  }
0xb7: {  	s30 =	sld [smem:$0x0];
	_ =	sdelay $0x2  }
0xb8: {  	s31 =	sshll.u32 s1, $0xD;
	s1 =	sshrl.u32 s1, $0x2  }
0xb9: {  	s3 =	sand.u32 $0x4000, s31;
	s1 =	sadd.s32 s1, s30  }
0xba: {  	s0 =	sor.u32 s3, s0;
	s1 =	sshll.u32 s1, $0x11  }
0xbb: {  	s0 =	sor.u32 s1, s0  }
0xbc: {  	s0 =	sadd.s32 $0x8F2B, s0  }
0xbd: {  	[sflag:s0] =	ssyncadd.remote.s32 $0x1  }
0xbe: {  	_ =	sfence.sel $0xFFFF  }
0xbf: {  	[dreg:$0x0] =	wrdreg $0xFFFFFFFF;
	(pc) =	sbr.abs _section_cstart, $3  }
0xc0: {  	[dreg:$0x1] =	wrdreg $0xFFFFFFFF  }
0xc1: {  	_ =	task.clear_ibuf [dreg:s7], $0x2FFFF;
	_ =	strace $0x9FFFFFFF  }
0xc2: {  	(tm) =	ssettm $0x7FFFFFFF  }
0xc3: {  	_ =	shalt  }
tec
execute0_lowered:
.L_overlay_start_1:
0x0: {  	(tag) =	ssettag $0x1  }
0x1: {  	s9 =	rddreg [dreg:$0x0]  }
0x2: {  	s5 =	rddreg [dreg:$0x1]  }
0x3: {  	s3 =	srdreg.scid;
	s0 =	stileid.u32;
	s2 =	simm.s32 $0x0  }
0x4: {  	s7 =	simm.s32 $0x1;
	s16 =	simm.s32 $0x3000;
	s17 =	simm.s32 $0x1800  }
0x5: {  	s18 =	simm.s32 $0x2000;
	s19 =	simm.s32 $0x2800;
	s20 =	simm.s32 $0x4100  }
0x6: {  	s21 =	simm.s32 $0x4180;
	s8 =	sand.u32 $0x1, s3;
	s28 =	sshll.u32 s0, $0x1  }
0x7: {  	s22 =	simm.s32 $0xC180;
	[smem:$0x7FF] =	sst s2;
	s6 =	sor.u32 s8, s28  }
0x8: {  	s3 =	sadd.s32 $0xE00, s5;
	p1 =	seq.s32 s8, $0x1;
	p0 =	seq.s32 s6, $0x0  }
0x9: {  	v0 =	vimm.s32 $0x1;
	s4 =	sadd.s32 $0x1800, s5;
	_ =	strace $0x80000047;
	p0 =	por !p0, !p1  }
0xa: {  	s10 =	ssub.s32 $0x2, s8;
	s15 =	sshll.u32 s8, $0x11;
	(xrf0) =	vadd.scan.msk.s32 $0xffff, v0;
	p0 =	por !p0, !p0  }
0xb: {  	s6 =	sshll.u32 s6, $0x6;
	s29 =	sshrl.u32 s10, $0x1;
	s7 =	simm.s32 @!p0 $0x0  }
0xc: {  	s13 =	sadd.s32 s6, s5;
	s6 =	sshll.u32 s8, $0xA;
	s11 =	ssub.s32 s0, s7  }
0xd: {  	s14 =	ssub.s32 s10, s29;
	s23 =	sor.u32 $0x800, s6;
	s12 =	smul.u32 $0x1800, s11  }
0xe: {  	v1 =	vlaneseq.u32;
	s5 =	simm.s32 $0x1;
	s24 =	sor.u32 $0x1000, s6;
	v11 =	vmov s23;
	s23 =	simm.s32 $0x0  }
0xf: {  	v3 =	vmul.u32 $0xFFFFFFFF, v1;
	s30 =	sshrl.u32 s12, $0x3;
	s31 =	sadd.s32 $0x800, s12;
	s12 =	sadd.s32 $0x1000, s12  }
0x10: {  	v12 =	vmov s24;
	s11 =	sshll.u32 s11, $0x12;
	v2, _, _ =	vpop (xrf0);
	s10 =	sshrl.u32 s31, $0x3;
	s12 =	sshrl.u32 s12, $0x3  }
0x11: {  	[tilespmem:$0x1FFE0] =	vst v11;
	v1 =	vadd.s32 $0xFFFFFFFF, v2;
	v2 =	vadd.s32 $0xF, v3;
	v3 =	vmov s6;
	s7 =	sadd.s32 s9, s30;
	s8 =	sadd.s32 s9, s10;
	s9 =	sadd.s32 s9, s12  }
0x12: {  	[tilespmem:$0x1FFF0] =	vst v12;
	s10 =	sor.u32 s15, s11;
	s11 =	sadd.s32 $0x1000, s13;
	s12 =	smax.u32 s14, $0x1  }
0x13: {  	v5 =	vimm.s32 $0x0;
	v6 =	vimm.s32 $0x2;
	v7 =	vimm.s32 $0x3;
	[tilespmem:$0x1FFD0] =	vst v3;
	s13 =	simm.s32 $0x800;
	s14 =	simm.s32 $0x1000;
	s15 =	simm.s32 $0xC380  }
.LBB2_1:
0x14: {  	[tilespmem:s2], [sflag:$0x1] =	stream.linear.gather [hbm4b:s7+s2], $0x800, $0x38;
	[tilespmem:$0xC480] =	vst v63  }
0x15: {  	_ =	swait.ge [sflag:s5], $0x800  }
0x16: {  	[sflag:s5] =	ssyncset.done $0x0  }
0x17: {  	[sflag:s5] =	ssyncadd.s32 $0xFFFFF800  }
0x18: {  	[tilespmem:s13], [sflag:$0x1] =	stream.linear.gather [hbm4b:s8+s2], $0x800, $0x38;
	[tilespmem:$0xC480] =	vst v63  }
0x19: {  	_ =	swait.ge [sflag:s5], $0x800  }
0x1a: {  	[sflag:s5] =	ssyncset.done $0x0  }
0x1b: {  	[sflag:s5] =	ssyncadd.s32 $0xFFFFF800  }
0x1c: {  	[tilespmem:s14], [sflag:$0x1] =	stream.linear.gather [hbm4b:s9+s2], $0x800, $0x38;
	[tilespmem:$0xC480] =	vst v63  }
0x1d: {  	_ =	swait.ge [sflag:s5], $0x800  }
0x1e: {  	[sflag:s5] =	ssyncset.done $0x0  }
0x1f: {  	[sflag:s5] =	ssyncadd.s32 $0xFFFFF800  }
0x20: {  	[tilespmem:s15], [sflag:$0x1] =	stream.linear.gather [hbm4b:s3+s2], $0x100, $0x38;
	[tilespmem:$0xC480] =	vst v63  }
0x21: {  	_ =	swait.ge [sflag:s5], $0x100  }
0x22: {  	[sflag:s5] =	ssyncset.done $0x0  }
0x23: {  	s25 =	simm.s32 $0x0;
	[sflag:s5] =	ssyncadd.s32 $0xFFFFFF00  }
0x24: {  	v4 =	vld [tilespmem:s25+$0x0]  }
0x25: {  	v8 =	vld [tilespmem:s25+$0x800]  }
0x26: {  	s24 =	simm.s32 $0x10;
	v9 =	vld [tilespmem:s25+$0x1000]  }
0x27: {  	v23 =	vld [tilespmem:s24+$0x800];
	_ =	sdelay $0x2  }
0x28: {  	v24 =	vld [tilespmem:s24+$0x1000]  }
0x29: {  	v10 =	vmul.f32 v4, v4;
	v19 =	vmul.f32 v8, v8;
	v20 =	vshrl.u32 v4, $0x10  }
0x2a: {  	v21 =	vshrl.u32 v8, $0x10;
	v22 =	vshrl.u32 v9, $0x10;
	v27 =	vmul.f32 v23, v23  }
0x2b: {  	v20 =	vand.u32 $0x1, v20;
	v10 =	vadd.f32 v19, v10;
	v19 =	vmul.f32 v9, v9  }
0x2c: {  	v26 =	vld [tilespmem:s24+$0x0];
	v21 =	vand.u32 $0x1, v21;
	v4 =	vadd.s32 v20, v4;
	v20 =	vand.u32 $0x1, v22  }
0x2d: {  	v8 =	vadd.s32 v21, v8;
	v21 =	vshrl.u32 v24, $0x10;
	v10 =	vadd.f32 v19, v10  }
0x2e: {  	v4 =	vadd.s32 $0x7FFF, v4;
	v9 =	vadd.s32 v20, v9;
	v8 =	vadd.s32 $0x7FFF, v8  }
0x2f: {  	v4 =	vand.u32 $0xFFFF0000, v4;
	v9 =	vadd.s32 $0x7FFF, v9;
	v10 =	vsub.f32 $0.0e+00, v10  }
0x30: {  	v8 =	vand.u32 $0xFFFF0000, v8;
	v4 =	vadd.f32 v4, v4;
	v20 =	vand.u32 $0xFFFF0000, v9  }
0x31: {  	v9 =	vshrl.u32 v26, $0x10;
	v22 =	vadd.f32 v8, v8;
	[tilespmem:s25+$0x3000] =	vst v10;
	v10 =	vmul.f32 v26, v26  }
0x32: {  	s26 =	simm.s32 $0x20;
	v8 =	vshrl.u32 v23, $0x10;
	v9 =	vand.u32 $0x1, v9;
	[tilespmem:s25+$0x1800] =	vst v4;
	v4 =	vadd.f32 v20, v20  }
0x33: {  	s28 =	simm.s32 $0xC0;
	v19 =	vand.u32 $0x1, v8;
	v20 =	vmul.f32 v24, v24;
	v25 =	vld [tilespmem:s26+$0x0];
	[tilespmem:s25+$0x2000] =	vst v22;
	v8 =	vadd.f32 v27, v10  }
.LBB2_2:
0x34: {  	p0 =	sne.s32 s28, $0x1FC0;
	v9 =	vadd.s32 v9, v26;
	v10 =	vadd.s32 v19, v23;
	v23 =	vld [tilespmem:s26+$0x800];
	v19 =	vand.u32 $0x1, v21;
	[tilespmem:s25+$0x2800] =	vst v4;
	s25 =	smov.u32 s24;
	s24 =	smov.u32 s26  }
0x35: {  	v4 =	vadd.s32 $0x7FFF, v9;
	v9 =	vadd.s32 v19, v24;
	v8 =	vadd.f32 v20, v8  }
0x36: {  	v10 =	vadd.s32 $0x7FFF, v10;
	v24 =	vld [tilespmem:s24+$0x1000];
	v4 =	vand.u32 $0xFFFF0000, v4;
	v9 =	vadd.s32 $0x7FFF, v9  }
.Ltmp0:
0x37: {  	v10 =	vand.u32 $0xFFFF0000, v10;
	v20 =	vand.u32 $0xFFFF0000, v9;
	v8 =	vsub.f32 $0.0e+00, v8;
	(pc) =	sbr.rel @p0 .LBB2_2-.Ltmp0, $4  }
0x38: {  	v4 =	vadd.f32 v4, v4;
	v10 =	vadd.f32 v10, v10;
	v9 =	vshrl.u32 v25, $0x10;
	v26 =	vmovc v25  }
0x39: {  	v19 =	vshrl.u32 v23, $0x10;
	v22 =	vmul.f32 v25, v26;
	v27 =	vmul.f32 v23, v23;
	[tilespmem:s25+$0x3000] =	vst v8  }
0x3a: {  	s26 =	sshra.s32 s28, $0x2;
	v9 =	vand.u32 $0x1, v9;
	v19 =	vand.u32 $0x1, v19;
	[tilespmem:s25+$0x1800] =	vst v4;
	v4 =	vadd.f32 v20, v20  }
0x3b: {  	s28 =	sadd.s32 $0x40, s28;
	v25 =	vld [tilespmem:s26+$0x0];
	v21 =	vshrl.u32 v24, $0x10;
	v8 =	vadd.f32 v27, v22;
	v20 =	vmul.f32 v24, v24;
	[tilespmem:s25+$0x2000] =	vst v10  }
0x3c: {  	v9 =	vadd.s32 v9, v26  }
0x3d: {  	v10 =	vld [tilespmem:s26+$0x800];
	v19 =	vadd.s32 v19, v23;
	v21 =	vand.u32 $0x1, v21;
	[tilespmem:s25+$0x2800] =	vst v4;
	v4 =	vadd.s32 $0x7FFF, v9  }
0x3e: {  	v9 =	vadd.s32 v21, v24;
	v8 =	vadd.f32 v20, v8;
	v20 =	vld [tilespmem:s26+$0x1000];
	v19 =	vadd.s32 $0x7FFF, v19  }
0x3f: {  	v4 =	vand.u32 $0xFFFF0000, v4;
	v9 =	vadd.s32 $0x7FFF, v9;
	v19 =	vand.u32 $0xFFFF0000, v19  }
0x40: {  	v9 =	vand.u32 $0xFFFF0000, v9;
	v8 =	vsub.f32 $0.0e+00, v8;
	v4 =	vadd.f32 v4, v4  }
0x41: {  	v19 =	vadd.f32 v19, v19;
	v21 =	vshrl.u32 v25, $0x10;
	v22 =	vmul.f32 v25, v25  }
0x42: {  	v9 =	vadd.f32 v9, v9;
	v23 =	vmul.f32 v10, v10;
	v24 =	vshrl.u32 v10, $0x10  }
0x43: {  	v21 =	vand.u32 $0x1, v21;
	v24 =	vand.u32 $0x1, v24;
	v26 =	vshrl.u32 v20, $0x10  }
0x44: {  	[tilespmem:s24+$0x3000] =	vst v8;
	v8 =	vadd.s32 v21, v25;
	v22 =	vadd.f32 v23, v22;
	v23 =	vmul.f32 v20, v20  }
0x45: {  	[tilespmem:s24+$0x1800] =	vst v4;
	v21 =	vand.u32 $0x1, v26;
	v4 =	vadd.s32 v24, v10;
	v8 =	vadd.s32 $0x7FFF, v8  }
0x46: {  	v10 =	vadd.s32 v21, v20;
	v8 =	vand.u32 $0xFFFF0000, v8;
	v4 =	vadd.s32 $0x7FFF, v4  }
0x47: {  	[tilespmem:s24+$0x2000] =	vst v19;
	v22 =	vadd.f32 v23, v22;
	v4 =	vand.u32 $0xFFFF0000, v4;
	v8 =	vadd.f32 v8, v8  }
0x48: {  	[tilespmem:s24+$0x2800] =	vst v9;
	v9 =	vadd.s32 $0x7FFF, v10;
	v4 =	vadd.f32 v4, v4  }
0x49: {  	v9 =	vand.u32 $0xFFFF0000, v9;
	v19 =	vsub.f32 $0.0e+00, v22;
	[tilespmem:s26+$0x1800] =	vst v8  }
0x4a: {  	v8 =	vadd.f32 v9, v9;
	[tilespmem:s26+$0x2000] =	vst v4  }
0x4b: {  	[tilespmem:s26+$0x3000] =	vst v19  }
0x4c: {  	s31 =	simm.s32 $0x0;
	[tilespmem:s26+$0x2800] =	vst v8  }
0x4d: {  	v4 =	vld.idx.msk [tilespmem:v11+s31+$0x0 ss:$0x1], $0xffff  }
0x4e: {  	v26 =	vld.idx.msk [tilespmem:v12+s31+$0x0 ss:$0x1], $0xffff  }
0x4f: {  	v27 =	vld.idx.msk [tilespmem:v3+s31+$0x0 ss:$0x1], $0xffff  }
0x50: {  	v28 =	vimm.f32 $0.0e+00;
	v31 =	vimm.f32 $0.0e+00;
	v29 =	vimm.f32 $0.0e+00  }
0x51: {  	v30 =	vimm.f32 $0.0e+00;
	v32 =	vimm.f32 $0.0e+00;
	v33 =	vimm.f32 $0.0e+00  }
0x52: {  	s25 =	simm.s32 $0x10;
	v34 =	vimm.f32 $0.0e+00;
	v24 =	vadd.f32 v4, v28;
	v20 =	vmul.f32 v4, v4  }
0x53: {  	s24 =	simm.s32 $0x80;
	v25 =	vld.idx.msk [tilespmem:v11+s25+$0x0 ss:$0x1], $0xffff;
	v23 =	vadd.f32 v26, v28;
	v8 =	vmul.f32 v26, v26;
	v19 =	vmul.f32 v26, v4  }
.LBB2_4:
0x54: {  	v9 =	vmul.f32 v27, v27  }
0x55: {  	p0 =	sne.s32 s24, $0xFC0;
	v28 =	vadd.f32 v20, v28;
	v4 =	vmul.f32 v4, v27;
	v10 =	vmovc v26;
	v26 =	vld.idx.msk [tilespmem:v12+s25+$0x0 ss:$0x1], $0xffff;
	v20 =	vmov v27  }
0x56: {  	v27 =	vld.idx.msk [tilespmem:v3+s25+$0x0 ss:$0x1], $0xffff;
	v31 =	vadd.f32 v8, v31;
	v8 =	vmul.f32 v10, v20;
	v29 =	vadd.f32 v19, v29  }
.Ltmp1:
0x57: {  	v30 =	vadd.f32 v9, v30;
	v32 =	vadd.f32 v4, v32;
	(pc) =	sbr.rel @p0 .LBB2_4-.Ltmp1, $3  }
0x58: {  	v33 =	vadd.f32 v20, v33;
	v34 =	vadd.f32 v8, v34;
	_ =	sdelay $0x1  }
0x59: {  	s25 =	sshra.s32 s24, $0x2;
	v24 =	vadd.f32 v25, v24;
	v20 =	vmul.f32 v25, v25;
	v4 =	vmov v25  }
0x5a: {  	s24 =	sadd.s32 $0x40, s24;
	v23 =	vadd.f32 v26, v23;
	v8 =	vmul.f32 v26, v26;
	v19 =	vmul.f32 v26, v4;
	v25 =	vld.idx.msk [tilespmem:v11+s25+$0x0 ss:$0x1], $0xffff  }
0x5b: {  	_ =	sdelay $0x3  }
0x5c: {  	v9 =	vld.idx.msk [tilespmem:v12+s25+$0x0 ss:$0x1], $0xffff;
	_ =	sdelay $0x2  }
0x5d: {  	v21 =	vld.idx.msk [tilespmem:v3+s25+$0x0 ss:$0x1], $0xffff;
	v3 =	vadd.f32 v25, v24;
	_ =	sdelay $0x1  }
0x5e: {  	v20 =	vadd.f32 v20, v28;
	v59 =	vmul.f32 v25, v25;
	[tilespmem:$0x1FF40] =	vst v3;
	v3 =	vadd.f32 v9, v23;
	_ =	sdelay $0x1  }
0x5f: {  	v8 =	vadd.f32 v8, v31;
	v60 =	vmul.f32 v9, v9;
	[tilespmem:$0x1FF50] =	vst v3;
	v3 =	vadd.f32 v59, v20  }
0x60: {  	v10 =	vmul.f32 v27, v27  }
0x61: {  	v19 =	vadd.f32 v19, v29;
	v61 =	vmul.f32 v9, v25;
	[tilespmem:$0x1FF60] =	vst v3;
	v3 =	vadd.f32 v60, v8  }
0x62: {  	v4 =	vmul.f32 v4, v27;
	v35 =	vld [tilespmem:$0xC390]  }
0x63: {  	v37 =	vld [tilespmem:$0xC3A0];
	v10 =	vadd.f32 v10, v30;
	v62 =	vmul.f32 v21, v21;
	[tilespmem:$0x1FF70] =	vst v3;
	v3 =	vadd.f32 v61, v19  }
0x64: {  	v22 =	vmul.f32 v26, v27;
	v40 =	vld [tilespmem:$0xC3B0]  }
0x65: {  	v42 =	vld [tilespmem:$0xC3C0];
	v4 =	vadd.f32 v4, v32;
	v63 =	vmul.f32 v25, v21;
	[tilespmem:$0x1FF80] =	vst v3;
	v3 =	vadd.f32 v62, v10  }
0x66: {  	v58 =	vadd.f32 v27, v33;
	v45 =	vld [tilespmem:$0xC3D0];
	v33 =	vimm.f32 $0.0e+00;
	v36 =	vimm.f32 $0.0e+00  }
0x67: {  	v46 =	vld [tilespmem:$0xC3E0];
	v38 =	vimm.f32 $0.0e+00;
	v39 =	vimm.f32 $0.0e+00;
	[tilespmem:$0x1FF90] =	vst v3;
	v3 =	vadd.f32 v63, v4  }
0x68: {  	v48 =	vld [tilespmem:$0xC3F0];
	v41 =	vimm.f32 $0.0e+00;
	v43 =	vimm.f32 $0.0e+00;
	v44 =	vimm.f32 $0.0e+00  }
0x69: {  	v49 =	vld [tilespmem:$0xC400];
	v22 =	vadd.f32 v22, v34;
	v8 =	vmul.f32 v9, v21;
	[tilespmem:$0x1FFA0] =	vst v3;
	v3 =	vadd.f32 v21, v58  }
0x6a: {  	v47 =	vimm.f32 $0.0e+00;
	v50 =	vld [tilespmem:$0xC410];
	v51 =	vimm.f32 $0.0e+00;
	v52 =	vimm.f32 $0.0e+00  }
0x6b: {  	v53 =	vimm.f32 $0.0e+00;
	v54 =	vld [tilespmem:$0xC420];
	v55 =	vimm.f32 $0.0e+00;
	[tilespmem:$0x1FFB0] =	vst v3;
	v3 =	vadd.f32 v8, v22  }
0x6c: {  	v56 =	vimm.f32 $0.0e+00;
	v57 =	vimm.f32 $0.0e+00;
	v32 =	vld [tilespmem:$0xC380];
	v34 =	vimm.f32 $0.0e+00  }
0x6d: {  	s24 =	simm.s32 $0x0;
	v59 =	vimm.f32 $0.0e+00;
	v60 =	vld [tilespmem:$0xC430];
	v61 =	vimm.f32 $0.0e+00;
	v58 =	vimm.f32 $0.0e+00;
	[tilespmem:$0x1FFC0] =	vst v3  }
.LBB2_6:
0x6e: {  	s25 =	sshll.u32 s24, $0x8  }
0x6f: {  	s26 =	simm.s32 $0x0;
	s25 =	sadd.s32 s6, s25  }
.LBB2_7:
0x70: {  	s28 =	sadd.s32 s25, s26  }
0x71: {  	v4 =	vmov s28;
	_ =	sdelay $0x3  }
0x72: {  	s28 =	simm.s32 $0x0  }
0x73: {  	v23 =	vld.idx.msk [tilespmem:v4+s28+$0x0], $0xffff  }
0x74: {  	v63 =	vld.idx.msk [tilespmem:v4+s13+$0x0], $0xffff  }
0x75: {  	v62 =	vld.idx.msk [tilespmem:v4+s14+$0x0], $0xffff  }
0x76: {  	v24 =	vld.idx.msk [tilespmem:v4+s16+$0x0], $0xffff  }
0x77: {  	v8 =	vld.idx.msk [tilespmem:v4+s17+$0x0], $0xffff  }
0x78: {  	v9 =	vld.idx.msk [tilespmem:v4+s18+$0x0], $0xffff  }
0x79: {  	v4 =	vld.idx.msk [tilespmem:v4+s19+$0x0], $0xffff;
	s28 =	simm.s32 $0x0  }
0x7a: {  	v10 =	vld [tilespmem:s28+$0x1800]  }
0x7b: {  	v19 =	vld [tilespmem:s28+$0x2000]  }
0x7c: {  	v20 =	vld [tilespmem:s28+$0x1810]  }
0x7d: {  	v21 =	vld [tilespmem:s28+$0x2010]  }
0x7e: {  	v22 =	vld [tilespmem:s28+$0x2800]  }
0x7f: {  	v28 =	vld [tilespmem:s28+$0x1820]  }
0x80: {  	v26 =	vmul.f32 $5.000000000e-01, v8;
	v8 =	vld [tilespmem:s28+$0x2020]  }
0x81: {  	v27 =	vmul.f32 $5.000000000e-01, v9;
	v9 =	vld [tilespmem:s28+$0x2810]  }
0x82: {  	v25 =	vmul.f32 $5.000000000e-01, v4;
	v4 =	vmul.f32 v10, v26;
	v10 =	vld [tilespmem:s28+$0x1830]  }
0x83: {  	v29 =	vld [tilespmem:s28+$0x2030];
	v19 =	vmul.f32 v19, v27;
	v21 =	vmul.f32 v21, v27  }
0x84: {  	v30 =	vld [tilespmem:s28+$0x2820];
	v22 =	vmul.f32 v22, v25;
	v20 =	vmul.f32 v20, v26  }
0x85: {  	v11 =	vmul.f32 v28, v26;
	v4 =	vadd.f32 v19, v4;
	v19 =	vld [tilespmem:s28+$0x2830];
	v8 =	vmul.f32 v8, v27  }
0x86: {  	v28 =	vimm.f32 $-3.000000010e+38;
	v12 =	vadd.f32 v21, v20;
	v20 =	vld [tilespmem:s28+$0x3000];
	v13 =	vmul.f32 v9, v25  }
0x87: {  	v21 =	vld [tilespmem:s28+$0x3010];
	v31 =	vadd.f32 v4, v22;
	v4 =	vadd.f32 v8, v11;
	v9 =	vmul.f32 v10, v26  }
0x88: {  	s29 =	simm.s32 $0x100;
	v22 =	vld [tilespmem:s28+$0x3020];
	v8 =	vadd.f32 v12, v13;
	v10 =	vmul.f32 v29, v27;
	v29 =	vimm.f32 $-3.000000010e+38  }
.LBB2_8:
0x89: {  	s30 =	sshra.s32 s29, $0x2;
	p0 =	sne.s32 s29, $0x1F00;
	s29 =	sadd.s32 $0x100, s29;
	v11 =	vmul.f32 v30, v25;
	v12 =	vld [tilespmem:s28+$0x3030]  }
0x8a: {  	v13 =	vld [tilespmem:s30+$0x1800];
	v9 =	vadd.f32 v10, v9;
	v10 =	vmul.f32 v19, v25  }
0x8b: {  	v19 =	vld [tilespmem:s30+$0x2000];
	v20 =	vadd.f32 v31, v20;
	v4 =	vadd.f32 v4, v11  }
0x8c: {  	v11 =	vld [tilespmem:s30+$0x1810];
	v8 =	vadd.f32 v8, v21;
	v9 =	vadd.f32 v9, v10  }
0x8d: {  	v10 =	vld [tilespmem:s30+$0x2010];
	v20 =	vadd.f32 v20, v24;
	v4 =	vadd.f32 v4, v22  }
0x8e: {  	v21 =	vld [tilespmem:s30+$0x2800];
	v8 =	vadd.f32 v8, v24;
	v9 =	vadd.f32 v9, v12  }
0x8f: {  	v12 =	vmul.f32 v13, v26;
	v13 =	vld [tilespmem:s30+$0x1820];
	[tilespmem:s28+$0x3800] =	vst v20;
	v22 =	vmin.f32 v28, v20;
	v20 =	vmax.f32 v28, v20  }
0x90: {  	v28 =	vld [tilespmem:s30+$0x2020];
	v22 =	vmax.f32 v29, v22;
	[tilespmem:s28+$0x3810] =	vst v8;
	v29 =	vmin.f32 v20, v8;
	v8 =	vmax.f32 v20, v8  }
0x91: {  	v4 =	vadd.f32 v4, v24;
	v19 =	vmul.f32 v19, v27;
	v14 =	vld [tilespmem:s30+$0x2810];
	v20 =	vmax.f32 v22, v29  }
0x92: {  	v15 =	vadd.f32 v9, v24;
	v10 =	vmul.f32 v10, v27;
	v22 =	vld [tilespmem:s30+$0x1830]  }
0x93: {  	v9 =	vadd.f32 v19, v12;
	v19 =	vmin.f32 v8, v4;
	v12 =	vmul.f32 v21, v25;
	v16 =	vld [tilespmem:s30+$0x2030];
	[tilespmem:s28+$0x3820] =	vst v4  }
.Ltmp2:
0x94: {  	v11 =	vmul.f32 v11, v26;
	v17 =	vmax.f32 v8, v4;
	v29 =	vmax.f32 v20, v19;
	v30 =	vld [tilespmem:s30+$0x2820];
	[tilespmem:s28+$0x3830] =	vst v15;
	s28 =	smov.u32 s30;
	(pc) =	sbr.rel @p0 .LBB2_8-.Ltmp2, $4  }
0x95: {  	v4 =	vmul.f32 v13, v26;
	v31 =	vadd.f32 v9, v12;
	v8 =	vmul.f32 v28, v27;
	v19 =	vld [tilespmem:s28+$0x2830]  }
0x96: {  	v10 =	vadd.f32 v10, v11;
	v12 =	vmin.f32 v17, v15;
	v20 =	vld [tilespmem:s28+$0x3000];
	v11 =	vmul.f32 v14, v25  }
0x97: {  	v29 =	vmax.f32 v29, v12;
	v21 =	vld [tilespmem:s28+$0x3010];
	v4 =	vadd.f32 v8, v4;
	v9 =	vmul.f32 v22, v26  }
0x98: {  	v28 =	vmax.f32 v17, v15;
	v8 =	vadd.f32 v10, v11;
	v22 =	vld [tilespmem:s28+$0x3020];
	v10 =	vmul.f32 v16, v27  }
0x99: {  	_ = 	snop  }
0x9a: {  	v11 =	vmul.f32 v30, v25;
	v12 =	vld [tilespmem:s28+$0x3030]  }
0x9b: {  	v9 =	vadd.f32 v10, v9;
	v30 =	vmul.f32 v19, v25;
	v13 =	vadd.f32 v31, v20  }
0x9c: {  	v4 =	vadd.f32 v4, v11;
	v8 =	vadd.f32 v8, v21  }
0x9d: {  	v9 =	vadd.f32 v9, v30;
	v16 =	vadd.f32 v13, v24  }
0x9e: {  	v4 =	vadd.f32 v4, v22  }
0x9f: {  	v8 =	vadd.f32 v8, v24;
	v9 =	vadd.f32 v9, v12;
	v17 =	vmin.f32 v28, v16  }
0xa0: {  	v18 =	vmax.f32 v28, v16;
	v4 =	vadd.f32 v4, v24;
	v11 =	vmax.f32 v29, v17  }
0xa1: {  	v19 =	vmin.f32 v18, v8;
	v12 =	vmax.f32 v18, v8;
	v9 =	vadd.f32 v9, v24  }
0xa2: {  	v11 =	vmax.f32 v11, v19;
	v28 =	vmin.f32 v12, v4;
	v12 =	vmax.f32 v12, v4  }
0xa3: {  	v11 =	vmax.f32 v11, v28;
	v29 =	vmin.f32 v12, v9;
	v12 =	vmax.f32 v12, v9  }
0xa4: {  	v11 =	vmax.f32 v11, v29;
	(xrf1) =	vsort.ascd.msk.f32 $0xffff, v12, v12  }
0xa5: {  	(xrf1) =	vsort.ascd.msk.f32 $0xffff, v11, v11;
	_ =	sdelay $0xc  }
0xa6: {  	v30, _, _ =	vpop (xrf1)  }
0xa7: {  	v31, _, _ =	vpop (xrf1)  }
0xa8: {  	v12 =	vperm.xlane v31, v2;
	_ =	sdelay $0x1  }
0xa9: {  	v11 =	vmin.f32 v30, v12  }
0xaa: {  	(xrf1) =	vsort.ascd.msk.f32 $0xffff, v11, v11;
	_ =	sdelay $0x3  }
0xab: {  	[tilespmem:s28+$0x3800] =	vst v16  }
0xac: {  	[tilespmem:s28+$0x3810] =	vst v8  }
0xad: {  	[tilespmem:s28+$0x3820] =	vst v4  }
0xae: {  	v3 =	vimm.f32 $-3.000000010e+38;
	[tilespmem:s28+$0x3830] =	vst v9  }
0xaf: {  	[tilespmem:$0x4000] =	vst v3  }
0xb0: {  	[tilespmem:$0x4010] =	vst v3  }
0xb1: {  	[tilespmem:$0x4020] =	vst v3  }
0xb2: {  	s28 =	simm.s32 $0x3810;
	[tilespmem:$0x4030] =	vst v3  }
0xb3: {  	v4 =	vld [tilespmem:s28+$0xFFFFFFF0];
	_ =	sdelay $0x1  }
0xb4: {  	v8, _, _ =	vpop (xrf1)  }
0xb5: {  	v24 =	vbroadcast v8, $0xC;
	_ =	sdelay $0x1  }
0xb6: {  	s29 =	simm.s32 $0x0;
	vm0 =	vge.f32 v4, v24  }
0xb7: {  	[tilespmem:s29+$0x4000] =	vst.msk vm0, v4;
	v4 =	vadd.s32 s29, v1  }
0xb8: {  	v8 =	vmpcnt.ones.xlane vm0;
	[tilespmem:s29+$0x4080] =	vst.msk vm0, v4  }
0xb9: {  	v4 =	vld [tilespmem:s28+$0x0]  }
0xba: {  	(v2sf) =	vpush v8, $0x0;
	_ =	sdelay $0x3  }
0xbb: {  	vm15 =	vge.f32 v4, v24  }
0xbc: {  	v8 =	vmpcnt.ones.xlane vm15;
	_ =	sdelay $0x1  }
0xbd: {  	(v2sf) =	vpush v8, $0x0;
	_ =	sdelay $0x7  }
0xbe: {  	s28 =	spop (v2sf)  }
0xbf: {  	s28 =	sadd.s32 $0x0, s28  }
0xc0: {  	p0 =	slt.s32 s28, $0x30  }
0xc1: {  	s29 =	simm.s32 $0x10;
	s28 =	simm.s32 @!p0 $0x30  }
0xc2: {  	[tilespmem:s28+$0x4000] =	vst.msk vm15, v4;
	v4 =	vadd.s32 s29, v1  }
0xc3: {  	s29 =	simm.s32 $0x3830;
	[tilespmem:s28+$0x4080] =	vst.msk vm15, v4  }
0xc4: {  	v4 =	vld [tilespmem:s29+$0xFFFFFFF0]  }
0xc5: {  	s30 =	spop (v2sf)  }
0xc6: {  	s31 =	sadd.s32 s28, s30  }
0xc7: {  	s28 =	simm.s32 $0x20;
	s30 =	simm.s32 $0x40;
	p1 =	slt.s32 s31, $0x30  }
.LBB2_10:
0xc8: {  	p0 =	sne.s32 s30, $0x7E0  }
0xc9: {  	vm0 =	vge.f32 v4, v24;
	s31 =	simm.s32 @!p1 $0x30;
	s0 =	smov.u32 s30;
	s30 =	sadd.s32 $0x20, s30  }
0xca: {  	[tilespmem:s31+$0x4000] =	vst.msk vm0, v4;
	v4 =	vadd.s32 s28, v1;
	v8 =	vmpcnt.ones.xlane vm0  }
0xcb: {  	[tilespmem:s31+$0x4080] =	vst.msk vm0, v4  }
0xcc: {  	v4 =	vld [tilespmem:s29+$0x0];
	(v2sf) =	vpush v8, $0x0;
	_ =	sdelay $0x4  }
0xcd: {  	vm0 =	vge.f32 v4, v24  }
0xce: {  	v8 =	vmpcnt.ones.xlane vm0;
	_ =	sdelay $0x1  }
0xcf: {  	(v2sf) =	vpush v8, $0x0;
	_ =	sdelay $0x6  }
0xd0: {  	s1 =	spop (v2sf)  }
0xd1: {  	s1 =	sadd.s32 s31, s1  }
0xd2: {  	p1 =	slt.s32 s1, $0x30  }
0xd3: {  	s31 =	sadd.s32 $0x10, s28;
	s28 =	smov.u32 s0;
	s1 =	simm.s32 @!p1 $0x30  }
0xd4: {  	[tilespmem:s1+$0x4000] =	vst.msk vm0, v4;
	v4 =	vadd.s32 s31, v1  }
0xd5: {  	s29 =	sadd.s32 $0x20, s29;
	[tilespmem:s1+$0x4080] =	vst.msk vm0, v4  }
.Ltmp3:
0xd6: {  	v4 =	vld [tilespmem:s29+$0xFFFFFFF0];
	(pc) =	sbr.rel @p0 .LBB2_10-.Ltmp3, $4  }
0xd7: {  	_ = 	snop  }
0xd8: {  	s0 =	spop (v2sf)  }
0xd9: {  	s31 =	sadd.s32 s1, s0  }
0xda: {  	p1 =	slt.s32 s31, $0x30  }
0xdb: {  	vm0 =	vge.f32 v4, v24  }
0xdc: {  	v8 =	vmpcnt.ones.xlane vm0;
	_ =	sdelay $0x1  }
0xdd: {  	(v2sf) =	vpush v8, $0x0;
	_ =	sdelay $0x9  }
0xde: {  	s31 =	simm.s32 @!p1 $0x30  }
0xdf: {  	[tilespmem:s31+$0x4000] =	vst.msk vm0, v4;
	v4 =	vadd.s32 s28, v1  }
0xe0: {  	[tilespmem:s31+$0x4080] =	vst.msk vm0, v4  }
0xe1: {  	v4 =	vld [tilespmem:s29+$0x0];
	_ =	sdelay $0x1  }
0xe2: {  	s0 =	spop (v2sf)  }
0xe3: {  	s0 =	sadd.s32 s31, s0  }
0xe4: {  	p0 =	slt.s32 s0, $0x30  }
0xe5: {  	s1 =	sadd.s32 $0x10, s28;
	vm9 =	vge.f32 v4, v24;
	s0 =	simm.s32 @!p0 $0x30  }
0xe6: {  	[tilespmem:s0+$0x4000] =	vst.msk vm9, v4;
	v4 =	vadd.s32 s1, v1  }
0xe7: {  	[tilespmem:s0+$0x4080] =	vst.msk vm9, v4  }
0xe8: {  	v4 =	vld [tilespmem:$0x4000]  }
0xe9: {  	v8 =	vld [tilespmem:$0x4010]  }
0xea: {  	v9 =	vld [tilespmem:$0x4020]  }
0xeb: {  	v10 =	vld [tilespmem:$0x4030];
	_ =	sdelay $0x1  }
0xec: {  	(xrf1) =	vsort.ascd.msk.f32 $0xffff, v4, v4  }
0xed: {  	(xrf1) =	vsort.ascd.msk.f32 $0xffff, v8, v8  }
0xee: {  	(xrf1) =	vsort.ascd.msk.f32 $0xffff, v9, v9  }
0xef: {  	(xrf1) =	vsort.ascd.msk.f32 $0xffff, v10, v10;
	_ =	sdelay $0xa  }
0xf0: {  	v11, _, _ =	vpop (xrf1)  }
0xf1: {  	v12, _, _ =	vpop (xrf1)  }
0xf2: {  	v13, _, _ =	vpop (xrf1)  }
0xf3: {  	v12 =	vperm.xlane v12, v2;
	v14, _, _ =	vpop (xrf1)  }
0xf4: {  	v14 =	vperm.xlane v14, v2  }
0xf5: {  	v15 =	vmax.f32 v11, v12  }
0xf6: {  	(xrf1) =	vsort.ascd.msk.f32 $0xffff, v15, v15;
	v16 =	vmax.f32 v13, v14  }
0xf7: {  	v11 =	vmin.f32 v11, v12;
	(xrf1) =	vsort.ascd.msk.f32 $0xffff, v16, v16  }
0xf8: {  	v28 =	vmin.f32 v13, v14;
	(xrf1) =	vsort.ascd.msk.f32 $0xffff, v11, v11  }
0xf9: {  	(xrf1) =	vsort.ascd.msk.f32 $0xffff, v28, v28;
	_ =	sdelay $0xa  }
0xfa: {  	v29, _, _ =	vpop (xrf1)  }
0xfb: {  	v30, _, _ =	vpop (xrf1)  }
0xfc: {  	v31, _, _ =	vpop (xrf1)  }
0xfd: {  	v12 =	vperm.xlane v30, v2;
	v16, _, _ =	vpop (xrf1)  }
0xfe: {  	v14 =	vperm.xlane v16, v2  }
0xff: {  	v11 =	vmin.f32 v29, v12  }
0x100: {  	(xrf1) =	vsort.ascd.msk.f32 $0xffff, v11, v11;
	v17 =	vmax.f32 v31, v14  }
0x101: {  	(xrf1) =	vsort.ascd.msk.f32 $0xffff, v17, v17;
	_ =	sdelay $0xc  }
0x102: {  	v11, _, _ =	vpop (xrf1)  }
0x103: {  	v12, _, _ =	vpop (xrf1)  }
0x104: {  	v12 =	vperm.xlane v12, v2;
	_ =	sdelay $0x1  }
0x105: {  	v11 =	vmax.f32 v11, v12  }
0x106: {  	(xrf1) =	vsort.ascd.msk.f32 $0xffff, v11, v11;
	_ =	sdelay $0xd  }
0x107: {  	v11, _, _ =	vpop (xrf1)  }
0x108: {  	v11 =	vbroadcast v11, $0xC;
	_ =	sdelay $0x1  }
0x109: {  	vm3 =	veq.f32 v4, v11  }
0x10a: {  	v18 =	vsel vm3, $0x1, v5  }
0x10b: {  	vm4 =	vgt.f32 v4, v11;
	vm5 =	vgt.f32 v8, v11;
	(xrf0) =	vadd.scan.msk.s32 $0xffff, v18  }
0x10c: {  	vm2 =	vgt.f32 v9, v11;
	v4 =	vmpcnt.ones.xlane vm4;
	v19 =	vmpcnt.ones.xlane vm5  }
0x10d: {  	vm1 =	vgt.f32 v10, v11;
	vm6 =	veq.f32 v8, v11;
	v8 =	vmpcnt.ones.xlane vm2  }
0x10e: {  	v20 =	vmpcnt.ones.xlane vm1;
	v21 =	vsel vm6, $0x1, v5;
	v4 =	vadd.s32 v19, v4  }
0x10f: {  	(xrf0) =	vadd.scan.msk.s32 $0xffff, v21;
	v4 =	vadd.s32 v8, v4  }
0x110: {  	v4 =	vadd.s32 v20, v4  }
0x111: {  	v4 =	vsub.s32 $0x14, v4;
	v8, _, _ =	vpop (xrf0)  }
0x112: {  	vm7 =	vle.s32 v8, v4  }
0x113: {  	vm10 =	veq.f32 v9, v11;
	v22 =	vmpcnt.ones.xlane vm3;
	vm7 =	vmand vm3, vm7  }
0x114: {  	v24 =	vsel vm10, $0x1, v5;
	v8 =	vmpcnt.ones.xlane vm9;
	vm4 =	vmor vm4, vm7  }
0x115: {  	(xrf0) =	vadd.scan.msk.s32 $0xffff, v24;
	v25, _, _ =	vpop (xrf0);
	v26 =	vmpcnt.ones.xlane vm4  }
0x116: {  	(v2sf) =	vpush v8, $0x0;
	v8 =	vadd.s32 v22, v25  }
0x117: {  	vm11 =	vle.s32 v8, v4;
	(v2sf) =	vpush v26, $0x0  }
0x118: {  	vm3 =	vmand vm6, vm11  }
0x119: {  	v8 =	vmpcnt.ones.xlane vm6;
	vm3 =	vmor vm5, vm3  }
0x11a: {  	v27 =	vmpcnt.ones.xlane vm3  }
0x11b: {  	v8 =	vadd.s32 v22, v8;
	v28, _, _ =	vpop (xrf0)  }
0x11c: {  	v29 =	vld [tilespmem:$0x4080];
	v9 =	vadd.s32 v8, v28;
	(v2sf) =	vpush v27, $0x0  }
0x11d: {  	vm12 =	vle.s32 v9, v4  }
0x11e: {  	vm5 =	vmand vm10, vm12  }
0x11f: {  	vm2 =	vmor vm2, vm5  }
0x120: {  	[tilespmem:$0x4110] =	vst v5;
	v30 =	vmpcnt.ones.xlane vm2  }
0x121: {  	[tilespmem:s20+$0x0] =	vst.msk vm4, v29  }
0x122: {  	v31 =	vld [tilespmem:$0x4090];
	(v2sf) =	vpush v30, $0x0;
	_ =	sdelay $0x2  }
0x123: {  	s28 =	spop (v2sf)  }
0x124: {  	vm13 =	veq.f32 v10, v11;
	s0 =	spop (v2sf)  }
0x125: {  	v14 =	vsel vm13, $0x1, v5;
	[tilespmem:s0+$0x4100] =	vst.msk vm3, v31  }
0x126: {  	(xrf0) =	vadd.scan.msk.s32 $0xffff, v14;
	v15 =	vld [tilespmem:$0x40A0];
	_ =	sdelay $0x2  }
0x127: {  	s0 =	sadd.s32 $0x4100, s0;
	s29 =	spop (v2sf)  }
0x128: {  	v16 =	vmpcnt.ones.xlane vm10;
	s0 =	sadd.s32 s29, s0  }
0x129: {  	[tilespmem:s0+$0x0] =	vst.msk vm2, v15  }
0x12a: {  	v8 =	vadd.s32 v16, v8;
	v17, _, _ =	vpop (xrf0);
	v18 =	vld [tilespmem:$0x40B0]  }
0x12b: {  	v8 =	vadd.s32 v17, v8  }
0x12c: {  	vm14 =	vle.s32 v8, v4  }
0x12d: {  	vm0 =	vmand vm13, vm14;
	s30 =	spop (v2sf)  }
0x12e: {  	vm0 =	vmor vm1, vm0;
	s0 =	sadd.s32 s30, s0  }
0x12f: {  	[tilespmem:s0+$0x0] =	vst.msk vm0, v18  }
0x130: {  	v4 =	vld [tilespmem:$0x4100];
	_ =	sdelay $0x7  }
0x131: {  	v26 =	vld.idx.msk [tilespmem:v4+s2+$0x0], $0xffff  }
0x132: {  	v24 =	vld.idx.msk [tilespmem:v4+s13+$0x0], $0xffff  }
0x133: {  	v25 =	vld.idx.msk [tilespmem:v4+s14+$0x0], $0xffff;
	_ =	sdelay $0x3  }
0x134: {  	v4 =	vperm.xlane v26, v5  }
0x135: {  	v8 =	vperm.xlane v24, v5;
	v9 =	vperm.xlane v25, v5  }
0x136: {  	v12 =	vperm.xlane v26, v0;
	v14 =	vperm.xlane v25, v0  }
0x137: {  	v15 =	vperm.xlane v26, v6;
	v19 =	vmul.f32 v4, v32  }
0x138: {  	v20 =	vmul.f32 v8, v42;
	v21 =	vmul.f32 v9, v49  }
0x139: {  	v22 =	vmul.f32 v4, v35;
	v27 =	vmul.f32 v8, v45  }
0x13a: {  	v28 =	vmul.f32 v9, v50;
	v29 =	vmul.f32 v4, v37  }
0x13b: {  	v30 =	vmul.f32 v8, v46;
	v17 =	vmul.f32 v9, v54  }
0x13c: {  	v3 =	vimm.s32 $0x4;
	v4 =	vmul.f32 v4, v40;
	v8 =	vmul.f32 v8, v48  }
0x13d: {  	v31 =	vmul.f32 v12, v32;
	v10 =	vadd.f32 v20, v19;
	v19 =	vperm.xlane v24, v0  }
0x13e: {  	v13 =	vadd.f32 v27, v22;
	v4 =	vadd.f32 v8, v4;
	v8 =	vmul.f32 v9, v60  }
0x13f: {  	v11 =	vadd.f32 v30, v29;
	v27 =	vmul.f32 v14, v50;
	v30 =	vmul.f32 v14, v54  }
0x140: {  	v10 =	vadd.f32 v21, v10;
	v20 =	vmul.f32 v19, v42;
	v21 =	vmul.f32 v14, v49  }
0x141: {  	v4 =	vadd.f32 v8, v4;
	v8 =	vmul.f32 v12, v35;
	v22 =	vmul.f32 v19, v45  }
0x142: {  	v13 =	vadd.f32 v28, v13;
	v28 =	vmul.f32 v12, v37;
	v29 =	vmul.f32 v19, v46  }
0x143: {  	v9 =	vadd.f32 v17, v11;
	v12 =	vmul.f32 v12, v40;
	v19 =	vmul.f32 v19, v48  }
0x144: {  	v14 =	vmul.f32 v14, v60;
	v17 =	vperm.xlane v25, v6;
	v20 =	vadd.f32 v20, v31  }
0x145: {  	v8 =	vadd.f32 v22, v8;
	v22 =	vperm.xlane v24, v6;
	v16 =	vadd.f32 v29, v28  }
0x146: {  	v12 =	vadd.f32 v19, v12;
	v31 =	vmul.f32 v15, v32;
	v29 =	vmul.f32 v17, v49  }
0x147: {  	v19 =	vmul.f32 v15, v35;
	v11 =	vadd.f32 v21, v20;
	v8 =	vadd.f32 v27, v8  }
0x148: {  	v27 =	vmul.f32 v22, v42;
	v16 =	vadd.f32 v30, v16;
	v12 =	vadd.f32 v14, v12  }
0x149: {  	v20 =	vmul.f32 v17, v50;
	v21 =	vmax.f32 v10, v11;
	v10 =	vmin.f32 v10, v11  }
0x14a: {  	v11 =	vmax.f32 v13, v8;
	v28 =	vadd.f32 v27, v31;
	v8 =	vmin.f32 v13, v8  }
0x14b: {  	v13 =	vmax.f32 v9, v16;
	v9 =	vmin.f32 v9, v16;
	v16 =	vmax.f32 v4, v12  }
0x14c: {  	v4 =	vmin.f32 v4, v12;
	v12 =	vmul.f32 v22, v45;
	v27 =	vmul.f32 v15, v37  }
0x14d: {  	v15 =	vmul.f32 v15, v40;
	v14 =	vadd.f32 v29, v28;
	v28 =	vmul.f32 v22, v46  }
0x14e: {  	v12 =	vadd.f32 v12, v19;
	v19 =	vperm.xlane v26, v7;
	v29 =	vperm.xlane v24, v7  }
0x14f: {  	v22 =	vmul.f32 v22, v48;
	v21 =	vmax.f32 v21, v14;
	v10 =	vmin.f32 v10, v14  }
0x150: {  	v14 =	vmul.f32 v17, v54;
	v27 =	vadd.f32 v28, v27;
	v28 =	vperm.xlane v25, v7  }
0x151: {  	v12 =	vadd.f32 v20, v12;
	v20 =	vmul.f32 v19, v32;
	v30 =	vmul.f32 v29, v42  }
0x152: {  	v15 =	vadd.f32 v22, v15;
	v17 =	vmul.f32 v17, v60;
	v22 =	vperm.xlane v24, v3  }
0x153: {  	v14 =	vadd.f32 v14, v27;
	v11 =	vmax.f32 v11, v12;
	v20 =	vadd.f32 v30, v20  }
0x154: {  	v30 =	vmul.f32 v28, v49;
	v8 =	vmin.f32 v8, v12;
	v31 =	vadd.f32 v17, v15  }
0x155: {  	v27 =	vmul.f32 v19, v35;
	v18 =	vmul.f32 v22, v42;
	v12 =	vmax.f32 v13, v14  }
0x156: {  	v15 =	vadd.f32 v30, v20;
	v30 =	vmul.f32 v29, v45;
	v9 =	vmin.f32 v9, v14  }
0x157: {  	v14 =	vmax.f32 v16, v31;
	v4 =	vmin.f32 v4, v31;
	v20 =	vperm.xlane v25, v3  }
0x158: {  	v13 =	vmax.f32 v21, v15;
	v31 =	vadd.f32 v30, v27;
	v27 =	vmul.f32 v28, v50  }
0x159: {  	v10 =	vmin.f32 v10, v15;
	v15 =	vmul.f32 v19, v37;
	v30 =	vmul.f32 v29, v46  }
0x15a: {  	v21 =	vmul.f32 v22, v46;
	v16 =	vadd.f32 v27, v31;
	v31 =	vmul.f32 v19, v40  }
0x15b: {  	v27 =	vmul.f32 v29, v48;
	v15 =	vadd.f32 v30, v15;
	v29 =	vmul.f32 v28, v54  }
0x15c: {  	v30 =	vmul.f32 v28, v60;
	v19 =	vperm.xlane v26, v3;
	v3 =	vimm.s32 $0x5  }
0x15d: {  	v17 =	vadd.f32 v27, v31;
	v11 =	vmax.f32 v11, v16;
	v15 =	vadd.f32 v29, v15  }
0x15e: {  	v31 =	vmul.f32 v19, v32;
	v8 =	vmin.f32 v8, v16;
	v29 =	vmul.f32 v20, v49  }
0x15f: {  	v16 =	vmul.f32 v20, v50;
	v27 =	vmul.f32 v19, v37;
	v17 =	vadd.f32 v30, v17  }
0x160: {  	v12 =	vmax.f32 v12, v15;
	v9 =	vmin.f32 v9, v15;
	v30 =	vmul.f32 v19, v35  }
0x161: {  	v28 =	vadd.f32 v18, v31;
	v31 =	vmul.f32 v22, v45;
	v19 =	vmul.f32 v19, v40  }
0x162: {  	v22 =	vmul.f32 v22, v48;
	v21 =	vadd.f32 v21, v27;
	v27 =	vperm.xlane v25, v3  }
0x163: {  	v14 =	vmax.f32 v14, v17;
	v4 =	vmin.f32 v4, v17;
	v15 =	vadd.f32 v29, v28  }
0x164: {  	v17 =	vadd.f32 v31, v30;
	v28 =	vmul.f32 v20, v54;
	v29 =	vperm.xlane v24, v3  }
0x165: {  	v20 =	vmul.f32 v20, v60;
	v19 =	vadd.f32 v22, v19;
	v18 =	vmul.f32 v27, v49  }
0x166: {  	v13 =	vmax.f32 v13, v15;
	v16 =	vadd.f32 v16, v17;
	v17 =	vperm.xlane v26, v3  }
0x167: {  	v30 =	vmul.f32 v29, v42;
	v10 =	vmin.f32 v10, v15;
	v28 =	vadd.f32 v28, v21  }
0x168: {  	v19 =	vadd.f32 v20, v19;
	v20 =	vmul.f32 v27, v50;
	v15 =	vmul.f32 v27, v54  }
0x169: {  	v3 =	vimm.s32 $0x6;
	v27 =	vmul.f32 v27, v60;
	v22 =	vmul.f32 v17, v32  }
0x16a: {  	v11 =	vmax.f32 v11, v16;
	v8 =	vmin.f32 v8, v16;
	v12 =	vmax.f32 v12, v28  }
0x16b: {  	v9 =	vmin.f32 v9, v28;
	v14 =	vmax.f32 v14, v19;
	v31 =	vadd.f32 v30, v22  }
0x16c: {  	v4 =	vmin.f32 v4, v19;
	v21 =	vmul.f32 v17, v37;
	v22 =	vmul.f32 v29, v46  }
0x16d: {  	v19 =	vperm.xlane v26, v3;
	v30 =	vmul.f32 v17, v35;
	v28 =	vadd.f32 v18, v31  }
0x16e: {  	v17 =	vmul.f32 v17, v40;
	v31 =	vmul.f32 v29, v45;
	v21 =	vadd.f32 v22, v21  }
0x16f: {  	v22 =	vmul.f32 v29, v48;
	v29 =	vperm.xlane v25, v3;
	v13 =	vmax.f32 v13, v28  }
0x170: {  	v10 =	vmin.f32 v10, v28;
	v16 =	vadd.f32 v31, v30;
	v28 =	vperm.xlane v24, v3  }
0x171: {  	v15 =	vadd.f32 v15, v21;
	v17 =	vadd.f32 v22, v17;
	v3 =	vimm.s32 $0x7  }
0x172: {  	v16 =	vadd.f32 v20, v16;
	v20 =	vmul.f32 v19, v32;
	v30 =	vmul.f32 v28, v42  }
0x173: {  	v22 =	vperm.xlane v24, v3;
	v12 =	vmax.f32 v12, v15;
	v31 =	vadd.f32 v27, v17  }
0x174: {  	v27 =	vmul.f32 v19, v35;
	v20 =	vadd.f32 v30, v20;
	v30 =	vmul.f32 v29, v49  }
0x175: {  	v9 =	vmin.f32 v9, v15;
	v18 =	vmul.f32 v22, v42;
	v21 =	vmul.f32 v22, v46  }
0x176: {  	v11 =	vmax.f32 v11, v16;
	v17 =	vadd.f32 v30, v20;
	v30 =	vmul.f32 v28, v45  }
0x177: {  	v14 =	vmax.f32 v14, v31;
	v4 =	vmin.f32 v4, v31;
	v20 =	vperm.xlane v25, v3  }
0x178: {  	v13 =	vmax.f32 v13, v17;
	v31 =	vadd.f32 v30, v27;
	v27 =	vmul.f32 v29, v50  }
0x179: {  	v10 =	vmin.f32 v10, v17;
	v17 =	vmul.f32 v19, v37;
	v30 =	vmul.f32 v28, v46  }
0x17a: {  	v15 =	vadd.f32 v27, v31;
	v31 =	vmul.f32 v19, v40;
	v27 =	vmul.f32 v28, v48  }
0x17b: {  	v17 =	vadd.f32 v30, v17;
	v28 =	vmul.f32 v29, v54;
	v30 =	vmul.f32 v29, v60  }
0x17c: {  	v8 =	vmin.f32 v8, v16;
	v19 =	vperm.xlane v26, v3;
	v29 =	vmul.f32 v20, v49  }
0x17d: {  	v3 =	vimm.s32 $0x8;
	v16 =	vadd.f32 v27, v31;
	v17 =	vadd.f32 v28, v17  }
0x17e: {  	v11 =	vmax.f32 v11, v15;
	v31 =	vmul.f32 v19, v32;
	v8 =	vmin.f32 v8, v15  }
0x17f: {  	v27 =	vmul.f32 v19, v37;
	v16 =	vadd.f32 v30, v16;
	v12 =	vmax.f32 v12, v17  }
0x180: {  	v28 =	vadd.f32 v18, v31;
	v30 =	vmul.f32 v19, v35;
	v31 =	vmul.f32 v22, v45  }
0x181: {  	v9 =	vmin.f32 v9, v17;
	v17 =	vmul.f32 v20, v50;
	v19 =	vmul.f32 v19, v40  }
0x182: {  	v22 =	vmul.f32 v22, v48;
	v21 =	vadd.f32 v21, v27;
	v27 =	vperm.xlane v25, v3  }
0x183: {  	v14 =	vmax.f32 v14, v16;
	v4 =	vmin.f32 v4, v16;
	v15 =	vadd.f32 v29, v28  }
0x184: {  	v16 =	vadd.f32 v31, v30;
	v28 =	vmul.f32 v20, v54;
	v29 =	vperm.xlane v24, v3  }
0x185: {  	v20 =	vmul.f32 v20, v60;
	v19 =	vadd.f32 v22, v19;
	v18 =	vmul.f32 v27, v49  }
0x186: {  	v13 =	vmax.f32 v13, v15;
	v16 =	vadd.f32 v17, v16;
	v17 =	vperm.xlane v26, v3  }
0x187: {  	v30 =	vmul.f32 v29, v42;
	v10 =	vmin.f32 v10, v15;
	v28 =	vadd.f32 v28, v21  }
0x188: {  	v19 =	vadd.f32 v20, v19;
	v20 =	vmul.f32 v27, v50;
	v15 =	vmul.f32 v27, v54  }
0x189: {  	v3 =	vimm.s32 $0x9;
	v27 =	vmul.f32 v27, v60;
	v22 =	vmul.f32 v17, v32  }
0x18a: {  	v11 =	vmax.f32 v11, v16;
	v8 =	vmin.f32 v8, v16;
	v12 =	vmax.f32 v12, v28  }
0x18b: {  	v9 =	vmin.f32 v9, v28;
	v14 =	vmax.f32 v14, v19;
	v31 =	vadd.f32 v30, v22  }
0x18c: {  	v4 =	vmin.f32 v4, v19;
	v21 =	vmul.f32 v17, v37;
	v22 =	vmul.f32 v29, v46  }
0x18d: {  	v19 =	vperm.xlane v26, v3;
	v30 =	vmul.f32 v17, v35;
	v28 =	vadd.f32 v18, v31  }
0x18e: {  	v17 =	vmul.f32 v17, v40;
	v31 =	vmul.f32 v29, v45;
	v21 =	vadd.f32 v22, v21  }
0x18f: {  	v22 =	vmul.f32 v29, v48;
	v29 =	vperm.xlane v25, v3;
	v13 =	vmax.f32 v13, v28  }
0x190: {  	v10 =	vmin.f32 v10, v28;
	v16 =	vadd.f32 v31, v30;
	v28 =	vperm.xlane v24, v3  }
0x191: {  	v15 =	vadd.f32 v15, v21;
	v17 =	vadd.f32 v22, v17;
	v3 =	vimm.s32 $0xA  }
0x192: {  	v16 =	vadd.f32 v20, v16;
	v20 =	vmul.f32 v19, v32;
	v30 =	vmul.f32 v28, v42  }
0x193: {  	v22 =	vperm.xlane v24, v3;
	v12 =	vmax.f32 v12, v15;
	v31 =	vadd.f32 v27, v17  }
0x194: {  	v27 =	vmul.f32 v19, v35;
	v20 =	vadd.f32 v30, v20;
	v30 =	vmul.f32 v29, v49  }
0x195: {  	v9 =	vmin.f32 v9, v15;
	v18 =	vmul.f32 v22, v42;
	v21 =	vmul.f32 v22, v46  }
0x196: {  	v11 =	vmax.f32 v11, v16;
	v17 =	vadd.f32 v30, v20;
	v30 =	vmul.f32 v28, v45  }
0x197: {  	v14 =	vmax.f32 v14, v31;
	v4 =	vmin.f32 v4, v31;
	v20 =	vperm.xlane v25, v3  }
0x198: {  	v13 =	vmax.f32 v13, v17;
	v31 =	vadd.f32 v30, v27;
	v27 =	vmul.f32 v29, v50  }
0x199: {  	v10 =	vmin.f32 v10, v17;
	v17 =	vmul.f32 v19, v37;
	v30 =	vmul.f32 v28, v46  }
0x19a: {  	v15 =	vadd.f32 v27, v31;
	v31 =	vmul.f32 v19, v40;
	v27 =	vmul.f32 v28, v48  }
0x19b: {  	v17 =	vadd.f32 v30, v17;
	v28 =	vmul.f32 v29, v54;
	v30 =	vmul.f32 v29, v60  }
0x19c: {  	v8 =	vmin.f32 v8, v16;
	v19 =	vperm.xlane v26, v3;
	v29 =	vmul.f32 v20, v49  }
0x19d: {  	v3 =	vimm.s32 $0xB;
	v16 =	vadd.f32 v27, v31;
	v17 =	vadd.f32 v28, v17  }
0x19e: {  	v11 =	vmax.f32 v11, v15;
	v31 =	vmul.f32 v19, v32;
	v8 =	vmin.f32 v8, v15  }
0x19f: {  	v27 =	vmul.f32 v19, v37;
	v16 =	vadd.f32 v30, v16;
	v12 =	vmax.f32 v12, v17  }
0x1a0: {  	v28 =	vadd.f32 v18, v31;
	v30 =	vmul.f32 v19, v35;
	v31 =	vmul.f32 v22, v45  }
0x1a1: {  	v9 =	vmin.f32 v9, v17;
	v17 =	vmul.f32 v20, v50;
	v19 =	vmul.f32 v19, v40  }
0x1a2: {  	v22 =	vmul.f32 v22, v48;
	v21 =	vadd.f32 v21, v27;
	v27 =	vperm.xlane v25, v3  }
0x1a3: {  	v14 =	vmax.f32 v14, v16;
	v4 =	vmin.f32 v4, v16;
	v15 =	vadd.f32 v29, v28  }
0x1a4: {  	v16 =	vadd.f32 v31, v30;
	v28 =	vmul.f32 v20, v54;
	v29 =	vperm.xlane v24, v3  }
0x1a5: {  	v20 =	vmul.f32 v20, v60;
	v19 =	vadd.f32 v22, v19;
	v18 =	vmul.f32 v27, v49  }
0x1a6: {  	v13 =	vmax.f32 v13, v15;
	v16 =	vadd.f32 v17, v16;
	v17 =	vperm.xlane v26, v3  }
0x1a7: {  	v30 =	vmul.f32 v29, v42;
	v10 =	vmin.f32 v10, v15;
	v28 =	vadd.f32 v28, v21  }
0x1a8: {  	v19 =	vadd.f32 v20, v19;
	v20 =	vmul.f32 v27, v50;
	v15 =	vmul.f32 v27, v54  }
0x1a9: {  	v3 =	vimm.s32 $0xC;
	v27 =	vmul.f32 v27, v60;
	v22 =	vmul.f32 v17, v32  }
0x1aa: {  	v11 =	vmax.f32 v11, v16;
	v8 =	vmin.f32 v8, v16;
	v12 =	vmax.f32 v12, v28  }
0x1ab: {  	v9 =	vmin.f32 v9, v28;
	v14 =	vmax.f32 v14, v19;
	v31 =	vadd.f32 v30, v22  }
0x1ac: {  	v4 =	vmin.f32 v4, v19;
	v21 =	vmul.f32 v17, v37;
	v22 =	vmul.f32 v29, v46  }
0x1ad: {  	v19 =	vperm.xlane v26, v3;
	v30 =	vmul.f32 v17, v35;
	v28 =	vadd.f32 v18, v31  }
0x1ae: {  	v17 =	vmul.f32 v17, v40;
	v31 =	vmul.f32 v29, v45;
	v21 =	vadd.f32 v22, v21  }
0x1af: {  	v22 =	vmul.f32 v29, v48;
	v29 =	vperm.xlane v25, v3;
	v13 =	vmax.f32 v13, v28  }
0x1b0: {  	v10 =	vmin.f32 v10, v28;
	v16 =	vadd.f32 v31, v30;
	v28 =	vperm.xlane v24, v3  }
0x1b1: {  	v15 =	vadd.f32 v15, v21;
	v17 =	vadd.f32 v22, v17;
	v3 =	vimm.s32 $0xD  }
0x1b2: {  	v16 =	vadd.f32 v20, v16;
	v20 =	vmul.f32 v19, v32;
	v30 =	vmul.f32 v28, v42  }
0x1b3: {  	v22 =	vperm.xlane v24, v3;
	v12 =	vmax.f32 v12, v15  }
0x1b4: {  	v31 =	vadd.f32 v27, v17;
	v20 =	vadd.f32 v30, v20;
	v30 =	vmul.f32 v29, v49  }
0x1b5: {  	v27 =	vmul.f32 v19, v35;
	v9 =	vmin.f32 v9, v15;
	v18 =	vmul.f32 v22, v42  }
0x1b6: {  	v21 =	vmul.f32 v22, v46;
	v17 =	vadd.f32 v30, v20;
	v30 =	vmul.f32 v28, v45  }
0x1b7: {  	v11 =	vmax.f32 v11, v16;
	v14 =	vmax.f32 v14, v31;
	v4 =	vmin.f32 v4, v31  }
0x1b8: {  	v20 =	vperm.xlane v25, v3;
	v31 =	vadd.f32 v30, v27;
	v27 =	vmul.f32 v29, v50  }
0x1b9: {  	v13 =	vmax.f32 v13, v17;
	v10 =	vmin.f32 v10, v17;
	v17 =	vmul.f32 v19, v37  }
0x1ba: {  	v30 =	vmul.f32 v28, v46;
	v15 =	vadd.f32 v27, v31;
	v31 =	vmul.f32 v19, v40  }
0x1bb: {  	v8 =	vmin.f32 v8, v16;
	v27 =	vmul.f32 v28, v48;
	v28 =	vmul.f32 v29, v54  }
0x1bc: {  	v17 =	vadd.f32 v30, v17;
	v30 =	vmul.f32 v29, v60;
	v19 =	vperm.xlane v26, v3  }
0x1bd: {  	v29 =	vmul.f32 v20, v49;
	v3 =	vimm.s32 $0xE;
	v16 =	vadd.f32 v27, v31  }
0x1be: {  	v11 =	vmax.f32 v11, v15;
	v17 =	vadd.f32 v28, v17;
	v31 =	vmul.f32 v19, v32  }
0x1bf: {  	v8 =	vmin.f32 v8, v15;
	v27 =	vmul.f32 v19, v37;
	v16 =	vadd.f32 v30, v16  }
0x1c0: {  	v12 =	vmax.f32 v12, v17;
	v9 =	vmin.f32 v9, v17;
	v30 =	vmul.f32 v19, v35  }
0x1c1: {  	v28 =	vadd.f32 v18, v31;
	v31 =	vmul.f32 v22, v45;
	v17 =	vmul.f32 v20, v50  }
0x1c2: {  	v19 =	vmul.f32 v19, v40;
	v22 =	vmul.f32 v22, v48;
	v21 =	vadd.f32 v21, v27  }
0x1c3: {  	v27 =	vperm.xlane v25, v3;
	v14 =	vmax.f32 v14, v16;
	v4 =	vmin.f32 v4, v16  }
0x1c4: {  	v15 =	vadd.f32 v29, v28;
	v16 =	vadd.f32 v31, v30;
	v28 =	vmul.f32 v20, v54  }
0x1c5: {  	v29 =	vperm.xlane v24, v3;
	v20 =	vmul.f32 v20, v60;
	v19 =	vadd.f32 v22, v19  }
0x1c6: {  	v31 =	vmul.f32 v27, v49;
	v13 =	vmax.f32 v13, v15;
	v16 =	vadd.f32 v17, v16  }
0x1c7: {  	v17 =	vperm.xlane v26, v3;
	v30 =	vmul.f32 v29, v42;
	v10 =	vmin.f32 v10, v15  }
0x1c8: {  	v28 =	vadd.f32 v28, v21;
	v19 =	vadd.f32 v20, v19;
	v20 =	vmul.f32 v27, v50  }
0x1c9: {  	v3 =	vimm.s32 $0xF;
	v22 =	vmul.f32 v17, v32;
	v11 =	vmax.f32 v11, v16  }
0x1ca: {  	v8 =	vmin.f32 v8, v16;
	v12 =	vmax.f32 v12, v28;
	v14 =	vmax.f32 v14, v19  }
0x1cb: {  	v16 =	vmul.f32 v17, v35;
	v4 =	vmin.f32 v4, v19;
	v19 =	vmul.f32 v29, v45  }
0x1cc: {  	v21 =	vld [tilespmem:$0x4110];
	v9 =	vmin.f32 v9, v28;
	v28 =	vmul.f32 v29, v46;
	v30 =	vadd.f32 v30, v22  }
0x1cd: {  	v22 =	vmul.f32 v17, v37;
	v17 =	vmul.f32 v17, v40;
	v16 =	vadd.f32 v19, v16  }
0x1ce: {  	v19 =	vperm.xlane v26, v3;
	v15 =	vadd.f32 v31, v30;
	v30 =	vperm.xlane v24, v3  }
0x1cf: {  	v22 =	vadd.f32 v28, v22;
	v28 =	vmul.f32 v29, v48;
	v31 =	vperm.xlane v25, v3  }
0x1d0: {  	v13 =	vmax.f32 v13, v15;
	v10 =	vmin.f32 v10, v15;
	v15 =	vmul.f32 v27, v54  }
0x1d1: {  	v16 =	vadd.f32 v20, v16;
	v20 =	vmul.f32 v19, v32;
	v29 =	vmul.f32 v30, v42  }
0x1d2: {  	v17 =	vadd.f32 v28, v17;
	v15 =	vadd.f32 v15, v22;
	v22 =	vmul.f32 v27, v60  }
0x1d3: {  	v28 =	vmul.f32 v31, v49;
	v20 =	vadd.f32 v29, v20  }
0x1d4: {  	v11 =	vmax.f32 v11, v16;
	v8 =	vmin.f32 v8, v16;
	v29 =	vld.idx.msk [tilespmem:v21+s13+$0x0], $0xffff;
	v16 =	vadd.f32 v22, v17  }
0x1d5: {  	v18 =	vmul.f32 v30, v45;
	v17 =	vadd.f32 v28, v20;
	v20 =	vmul.f32 v19, v35  }
0x1d6: {  	v27 =	vld.idx.msk [tilespmem:v21+s2+$0x0], $0xffff;
	v12 =	vmax.f32 v12, v15;
	v9 =	vmin.f32 v9, v15;
	v14 =	vmax.f32 v14, v16  }
0x1d7: {  	v28 =	vld.idx.msk [tilespmem:v21+s14+$0x0], $0xffff;
	v4 =	vmin.f32 v4, v16;
	v13 =	vmax.f32 v13, v17;
	v15 =	vadd.f32 v18, v20  }
0x1d8: {  	v16 =	vmul.f32 v31, v50;
	v10 =	vmin.f32 v10, v17;
	v17 =	vmul.f32 v19, v37  }
0x1d9: {  	v20 =	vmul.f32 v30, v46;
	v22 =	vperm.xlane v29, v5  }
0x1da: {  	v15 =	vadd.f32 v16, v15;
	v16 =	vmul.f32 v19, v40;
	v19 =	vmul.f32 v30, v48  }
0x1db: {  	v17 =	vadd.f32 v20, v17;
	v30 =	vmul.f32 v31, v54;
	v31 =	vmul.f32 v31, v60  }
0x1dc: {  	v20 =	vperm.xlane v28, v5;
	v16 =	vadd.f32 v19, v16;
	v19 =	vperm.xlane v27, v5  }
0x1dd: {  	v18 =	vmul.f32 v22, v42;
	v11 =	vmax.f32 v11, v15;
	v17 =	vadd.f32 v30, v17  }
0x1de: {  	v8 =	vmin.f32 v8, v15;
	v16 =	vadd.f32 v31, v16;
	v21 =	vmul.f32 v19, v32  }
0x1df: {  	v30 =	vmul.f32 v20, v49;
	v12 =	vmax.f32 v12, v17;
	v9 =	vmin.f32 v9, v17  }
0x1e0: {  	v17 =	vmul.f32 v20, v50;
	v14 =	vmax.f32 v14, v16;
	v31 =	vadd.f32 v18, v21  }
0x1e1: {  	v4 =	vmin.f32 v4, v16;
	v16 =	vmul.f32 v19, v35;
	v21 =	vmul.f32 v22, v45  }
0x1e2: {  	v18 =	vperm.xlane v29, v0;
	v15 =	vadd.f32 v30, v31;
	v30 =	vmul.f32 v19, v37  }
0x1e3: {  	v16 =	vadd.f32 v21, v16;
	v21 =	vmul.f32 v22, v46;
	v31 =	vmul.f32 v20, v54  }
0x1e4: {  	v19 =	vmul.f32 v19, v40;
	v22 =	vmul.f32 v22, v48  }
0x1e5: {  	vm15 =	vlt.s32 v1, $0x4;
	v20 =	vmul.f32 v20, v60;
	v3 =	vmul.f32 v18, v42  }
0x1e6: {  	v13 =	vmax.f32 v13, v15;
	v16 =	vadd.f32 v17, v16;
	v17 =	vperm.xlane v27, v0  }
0x1e7: {  	v21 =	vadd.f32 v21, v30;
	v30 =	vperm.xlane v28, v0;
	v19 =	vadd.f32 v22, v19  }
0x1e8: {  	v10 =	vmin.f32 v10, v15;
	v22 =	vmul.f32 v17, v32;
	v11 =	vmax.f32 v11, v16  }
0x1e9: {  	v15 =	vadd.f32 v31, v21;
	v19 =	vadd.f32 v20, v19;
	v31 =	vmul.f32 v30, v49  }
0x1ea: {  	v8 =	vmin.f32 v8, v16;
	v16 =	vmul.f32 v18, v45;
	v20 =	vmul.f32 v17, v37  }
0x1eb: {  	v21 =	vperm.xlane v28, v6;
	v3 =	vadd.f32 v3, v22;
	v12 =	vmax.f32 v12, v15  }
0x1ec: {  	v9 =	vmin.f32 v9, v15;
	v14 =	vmax.f32 v14, v19;
	v15 =	vmul.f32 v17, v35  }
0x1ed: {  	v4 =	vmin.f32 v4, v19;
	v19 =	vmul.f32 v30, v50;
	v17 =	vmul.f32 v17, v40  }
0x1ee: {  	v22 =	vperm.xlane v29, v6;
	v3 =	vadd.f32 v31, v3;
	v31 =	vmul.f32 v18, v46  }
0x1ef: {  	v15 =	vadd.f32 v16, v15;
	v16 =	vperm.xlane v27, v6;
	v18 =	vmul.f32 v18, v48  }
0x1f0: {  	v13 =	vmax.f32 v13, v3;
	v3 =	vmin.f32 v10, v3;
	v10 =	vmul.f32 v30, v54  }
0x1f1: {  	v20 =	vadd.f32 v31, v20;
	v15 =	vadd.f32 v19, v15;
	v19 =	vmul.f32 v16, v32  }
0x1f2: {  	v31 =	vmul.f32 v22, v42;
	v17 =	vadd.f32 v18, v17;
	v30 =	vmul.f32 v30, v60  }
0x1f3: {  	v18 =	vperm.xlane v28, v7;
	v28 =	vnsel vm15, $0x0, v28;
	v10 =	vadd.f32 v10, v20  }
0x1f4: {  	v11 =	vmax.f32 v11, v15;
	v19 =	vadd.f32 v31, v19;
	v31 =	vmul.f32 v21, v49  }
0x1f5: {  	v8 =	vmin.f32 v8, v15;
	v15 =	vadd.f32 v30, v17;
	v30 =	vmul.f32 v16, v35  }
0x1f6: {  	v20 =	vperm.xlane v29, v7;
	v17 =	vadd.f32 v31, v19;
	v31 =	vmul.f32 v22, v45  }
0x1f7: {  	v12 =	vmax.f32 v12, v10;
	v9 =	vmin.f32 v9, v10;
	v10 =	vmax.f32 v14, v15  }
0x1f8: {  	v4 =	vmin.f32 v4, v15;
	v15 =	vmul.f32 v21, v50;
	v14 =	vadd.f32 v31, v30  }
0x1f9: {  	v13 =	vmax.f32 v13, v17;
	v30 =	vmul.f32 v16, v37;
	v31 =	vmul.f32 v22, v46  }
0x1fa: {  	v22 =	vmul.f32 v22, v48;
	v14 =	vadd.f32 v15, v14;
	v15 =	vmul.f32 v16, v40  }
0x1fb: {  	v3 =	vmin.f32 v3, v17;
	v17 =	vadd.f32 v31, v30;
	v30 =	vmul.f32 v21, v54  }
0x1fc: {  	v31 =	vmul.f32 v21, v60;
	v16 =	vperm.xlane v27, v7;
	v15 =	vadd.f32 v22, v15  }
0x1fd: {  	v19 =	vmul.f32 v20, v48;
	v11 =	vmax.f32 v11, v14;
	v17 =	vadd.f32 v30, v17  }
0x1fe: {  	v30 =	vmul.f32 v16, v32;
	v15 =	vadd.f32 v31, v15;
	v31 =	vmul.f32 v20, v42  }
0x1ff: {  	v22 =	vmul.f32 v18, v49;
	v12 =	vmax.f32 v12, v17;
	v9 =	vmin.f32 v9, v17  }
0x200: {  	v17 =	vmul.f32 v16, v37;
	v10 =	vmax.f32 v10, v15;
	v21 =	vadd.f32 v31, v30  }
0x201: {  	v4 =	vmin.f32 v4, v15;
	v15 =	vmul.f32 v16, v35;
	v30 =	vmul.f32 v20, v45  }
0x202: {  	v8 =	vmin.f32 v8, v14;
	v31 =	vmul.f32 v20, v46;
	v16 =	vmul.f32 v16, v40  }
0x203: {  	v14 =	vadd.f32 v22, v21;
	v15 =	vadd.f32 v30, v15;
	v30 =	vmul.f32 v18, v50  }
0x204: {  	v17 =	vadd.f32 v31, v17;
	v31 =	vmul.f32 v18, v54;
	v16 =	vadd.f32 v19, v16  }
0x205: {  	v18 =	vmul.f32 v18, v60;
	v21 =	vnsel vm15, $0x0, v29;
	v29 =	vmul.f32 v25, v25  }
0x206: {  	v15 =	vadd.f32 v30, v15;
	v17 =	vadd.f32 v31, v17;
	v30 =	vmul.f32 v26, v26  }
0x207: {  	v16 =	vadd.f32 v18, v16;
	v18 =	vnsel vm15, $0x0, v27;
	v31 =	vmul.f32 v24, v24  }
0x208: {  	v27 =	vmul.f32 v21, v21;
	v19 =	vadd.f32 v30, v58;
	v58 =	vmul.f32 v18, v18  }
0x209: {  	v13 =	vmax.f32 v13, v14;
	v3 =	vmin.f32 v3, v14;
	v20 =	vadd.f32 v31, v56  }
0x20a: {  	v31 =	vmul.f32 v24, v26;
	v11 =	vmax.f32 v11, v15;
	v58 =	vadd.f32 v58, v19  }
0x20b: {  	s31 =	sshll.u32 s26, $0x7;
	v8 =	vmin.f32 v8, v15;
	v56 =	vadd.f32 v27, v20;
	v20 =	vadd.f32 v29, v55  }
0x20c: {  	s0 =	sand.u32 $0x3FFFFF80, s31;
	v55 =	vmul.f32 v28, v28;
	v19 =	vadd.f32 v31, v53;
	v27 =	vmul.f32 v21, v18  }
0x20d: {  	[tilespmem:s0+$0x41C0] =	vst v3;
	v3 =	vmax.f32 v12, v17;
	v9 =	vmin.f32 v9, v17;
	v29 =	vmul.f32 v25, v26  }
0x20e: {  	v31 =	vmul.f32 v25, v24;
	v55 =	vadd.f32 v55, v20;
	v53 =	vadd.f32 v27, v19  }
0x20f: {  	v29 =	vadd.f32 v29, v52;
	v20 =	vadd.f32 v18, v26;
	v18 =	vmul.f32 v28, v18  }
0x210: {  	v30 =	vadd.f32 v31, v51;
	v31 =	vadd.f32 v21, v24;
	v21 =	vmul.f32 v28, v21  }
0x211: {  	v10 =	vmax.f32 v10, v16;
	v24 =	vadd.f32 v28, v25;
	v52 =	vadd.f32 v18, v29  }
0x212: {  	v26 =	vmul.f32 v20, v23;
	v51 =	vadd.f32 v21, v30;
	v27 =	vmul.f32 v31, v23  }
0x213: {  	s26 =	sadd.s32 $0x1, s26;
	[tilespmem:s0+$0x4180] =	vst v13;
	v28 =	vmul.f32 v24, v23;
	v29 =	vmul.f32 v20, v63;
	v61 =	vadd.f32 v20, v61  }
0x214: {  	p0 =	sne.s32 s26, $0x100;
	[tilespmem:s0+$0x41D0] =	vst v8;
	v30 =	vmul.f32 v31, v63;
	v59 =	vadd.f32 v31, v59;
	v57 =	vadd.f32 v24, v57  }
.Ltmp4:
0x215: {  	[tilespmem:s0+$0x41A0] =	vst v3;
	v3 =	vmul.f32 v24, v63;
	v8 =	vmul.f32 v20, v62;
	v47 =	vadd.f32 v26, v47;
	(pc) =	sbr.rel @p0 .LBB2_7-.Ltmp4, $4  }
0x216: {  	[tilespmem:s0+$0x4190] =	vst v11;
	v31 =	vmul.f32 v31, v62;
	v44 =	vadd.f32 v27, v44;
	v43 =	vadd.f32 v28, v43  }
0x217: {  	[tilespmem:s0+$0x41E0] =	vst v9;
	v63 =	vmul.f32 v24, v62;
	v41 =	vadd.f32 v29, v41;
	v39 =	vadd.f32 v30, v39  }
0x218: {  	v4 =	vmin.f32 v4, v16;
	[tilespmem:s0+$0x41B0] =	vst v10;
	v38 =	vadd.f32 v3, v38;
	v36 =	vadd.f32 v8, v36  }
0x219: {  	[tilespmem:s0+$0x41F0] =	vst v4;
	v34 =	vadd.f32 v31, v34;
	v33 =	vadd.f32 v63, v33  }
0x21a: {  	s0 =	sshll.u32 s24, $0xF  }
0x21b: {  	s24 =	sadd.s32 $0x1, s24;
	s0 =	sadd.s32 s10, s0  }
0x21c: {  	p0 =	sne.s32 s24, $0x4;
	s0 =	sshrl.u32 s0, $0x3  }
.Ltmp5:
0x21d: {  	s0 =	sadd.s32 s4, s0;
	(pc) =	sbr.rel @p0 .LBB2_6-.Ltmp5, $4  }
0x21e: {  	[hbm4b:s0+s2] =	stream.linear.scatter [tilespmem:s21], [sflag:$0x1], $0x8000, $0x38;
	[tilespmem:$0xC480] =	vst v63  }
0x21f: {  	_ =	swait.ge [sflag:s5], $0x8000  }
0x220: {  	[sflag:s5] =	ssyncset.done $0x0  }
0x221: {  	[sflag:s5] =	ssyncadd.s32 $0xFFFF8000  }
0x222: {  	v3 =	vld [tilespmem:$0x1FFB0];
	_ =	sdelay $0x4  }
0x223: {  	[tilespmem:$0xC2A0] =	vst v3;
	v3 =	vld [tilespmem:$0x1FF40];
	_ =	sdelay $0x4  }
0x224: {  	[tilespmem:$0xC2B0] =	vst v3;
	v3 =	vld [tilespmem:$0x1FF50];
	_ =	sdelay $0x4  }
0x225: {  	[tilespmem:$0xC2C0] =	vst v3;
	v3 =	vld [tilespmem:$0x1FF90];
	_ =	sdelay $0x4  }
0x226: {  	[tilespmem:$0xC2D0] =	vst v3;
	v3 =	vld [tilespmem:$0x1FF60];
	_ =	sdelay $0x2  }
0x227: {  	[tilespmem:$0xC180] =	vst v61  }
0x228: {  	[tilespmem:$0xC190] =	vst v59  }
0x229: {  	[tilespmem:$0xC2E0] =	vst v3;
	v3 =	vld [tilespmem:$0x1FF70]  }
0x22a: {  	[tilespmem:$0xC1A0] =	vst v57  }
0x22b: {  	[tilespmem:$0xC1B0] =	vst v58  }
0x22c: {  	[tilespmem:$0xC1C0] =	vst v56  }
0x22d: {  	[tilespmem:$0xC1D0] =	vst v55  }
0x22e: {  	[tilespmem:$0xC2F0] =	vst v3;
	v3 =	vld [tilespmem:$0x1FFA0]  }
0x22f: {  	[tilespmem:$0xC1E0] =	vst v53  }
0x230: {  	[tilespmem:$0xC1F0] =	vst v52  }
0x231: {  	[tilespmem:$0xC200] =	vst v51  }
0x232: {  	[tilespmem:$0xC210] =	vst v47  }
0x233: {  	[tilespmem:$0xC300] =	vst v3;
	v3 =	vld [tilespmem:$0x1FFC0]  }
0x234: {  	[tilespmem:$0xC220] =	vst v44  }
0x235: {  	[tilespmem:$0xC230] =	vst v43  }
0x236: {  	[tilespmem:$0xC240] =	vst v41  }
0x237: {  	[tilespmem:$0xC250] =	vst v39  }
0x238: {  	[tilespmem:$0xC310] =	vst v3;
	v3 =	vld [tilespmem:$0x1FF80]  }
0x239: {  	[tilespmem:$0xC260] =	vst v38  }
0x23a: {  	[tilespmem:$0xC270] =	vst v36  }
0x23b: {  	[tilespmem:$0xC280] =	vst v34  }
0x23c: {  	[tilespmem:$0xC290] =	vst v33  }
0x23d: {  	[tilespmem:$0xC320] =	vst v3;
	v3 =	vimm.f32 $0.0e+00  }
0x23e: {  	[tilespmem:$0xC330] =	vst v3  }
0x23f: {  	[tilespmem:$0xC340] =	vst v3  }
0x240: {  	[tilespmem:$0xC350] =	vst v3  }
0x241: {  	[tilespmem:$0xC360] =	vst v3  }
0x242: {  	[tilespmem:$0xC370] =	vst v3  }
0x243: {  	[hbm4b:s11+s2] =	stream.linear.scatter [tilespmem:s22], [sflag:$0x1], $0x200, $0x38;
	[tilespmem:$0xC480] =	vst v63  }
0x244: {  	_ =	swait.ge [sflag:s5], $0x200  }
0x245: {  	s23 =	sadd.s32 $0x1, s23;
	v12 =	vld [tilespmem:$0x1FFF0]  }
0x246: {  	p0 =	sne.s32 s23, s12;
	v3 =	vld [tilespmem:$0x1FFD0]  }
.Ltmp6:
0x247: {  	_ = 	snop;
	(pc) =	sbr.rel @p0 .LBB2_1-.Ltmp6, $3  }
0x248: {  	_ =	sdelay $0x1  }
0x249: {  	[sflag:s5] =	ssyncset.done $0x0  }
0x24a: {  	v11 =	vld [tilespmem:$0x1FFE0];
	[sflag:s5] =	ssyncadd.s32 $0xFFFFFE00  }
0x24b: {  	_ =	sfence.sel $0x180000  }
0x24c: {  	[bflag:$0x0] =	sbarrier.arrive $0xFFFF  }
0x24d: {  	_ =	strace $0x90000047  }
0x24e: {  	s0 =	stileid.u32;
	[bflag:$0x2] =	sbarrier.arrive $0xFFFF  }
0x24f: {  	p0 =	sne.s32 s0, $0x0;
	s0 =	rddreg [dreg:$0x2]  }
0x250: {  	s0 =	sadd.s32 @!p0 $0x100000, s0  }
0x251: {  	[sflag:s0] =	ssyncadd.tile.s32 @!p0 $0x1;
	_ =	shalt  }
.Lfunc_end2:
_tile_overlayer_lowered:
.L_overlay_start_2:
0x252: {  	(tag) =	ssettag $0x2  }
0x253: {  	s0 =	rddreg [dreg:$0x0];
	s2 =	stileid.u32  }
0x254: {  	s1 =	rddreg [dreg:$0x1];
	p0 =	sne.s32 s2, $0x0  }
0x255: {  	s3 =	rddreg [dreg:$0x2];
	[bflag:$0x3] =	sbarrier.arrive $0xFFFF;
	s2 =	simm.s32 @!p0 $0x1C01  }
0x256: {  	[timem:s3], [sflag:s2] =	dma.local @!p0 [hbm:s0], s1  }
0x257: {  	s0 =	simm.s32 @!p0 $0x1  }
0x258: {  	_ =	swait.ge @!p0 [sflag:s0], s1  }
0x259: {  	s1 =	ssub.s32 @!p0 $0x0, s1;
	[sflag:s0] =	ssyncset.done @!p0 $0x0  }
0x25a: {  	[sflag:s0] =	ssyncadd.s32 @!p0 s1  }
0x25b: {  	[bflag:$0x3] =	sbarrier.arrive $0xFFFF  }
0x25c: {  	_ =	shalt  }

</sc_bundles>
